<compile_context>
chip_gen: v7x
topology: tpu7x:2x2x1
jax: 0.10.2.dev20260603
libtpu: 0.0.44.dev20260713+nightly
codegen_flags: <defaults>
</compile_context>

<pallas_src>
import functools

import numpy as np
import jax
import jax.numpy as jnp
from jax import lax
from jax.experimental import pallas as pl
from jax.experimental.pallas import tpu as pltpu
from jax.experimental.pallas import tpu_sc as plsc

B, NI, MS = 32, 256, 6
NC, ME = 128, 32
S = 64
V_SUB, V_TOK, K_CTRL = 1000, 10000, 32
D_ID, D_EXPR = 256, 1028

_NCORES, _NSUB = 2, 16
_NW = _NCORES * _NSUB

_IDENT_PER_W = (B * NI) // _NW
_NODE_PER_W = (B * NC) // _NW
_LN = 16
_NLC = D_ID // _LN


def _sc_phase_body(tab, idx, out, rows0, rows1, sum0, sum1, gidx,
                   semg0, semg1, semo0, semo1, stage=None, *,
                   seg_per_chunk, g_per_seg, nchunk):
    w = lax.axis_index("s") * _NCORES + lax.axis_index("c")
    rpc = seg_per_chunk * g_per_seg
    total = seg_per_chunk * nchunk
    pltpu.sync_copy(idx.at[pl.ds(w * (total * g_per_seg),
                                 total * g_per_seg)], gidx)
    if stage is not None:
        src = stage

        @pl.when(lax.axis_index("s") == 0)
        def _():
            pltpu.sync_copy(tab, stage)
        plsc.subcore_barrier()
    else:
        src = tab
    rows = (rows0, rows1)
    sums = (sum0, sum1)
    semg = (semg0, semg1)
    semo = (semo0, semo1)
    out_base = w * total

    def start(ch, par):
        pltpu.async_copy(src.at[gidx.at[pl.ds(ch * rpc, rpc)]],
                         rows[par].at[pl.ds(0, rpc)], semg[par])

    def out_copy(ch, par):
        return pltpu.make_async_copy(
            sums[par],
            out.at[pl.ds(out_base + ch * seg_per_chunk, seg_per_chunk)],
            semo[par])

    start(0, 0)

    @pl.loop(0, nchunk // 2)
    def _pair(t):
        for par in (0, 1):
            ch = t * 2 + par

            @pl.when(ch + 1 < nchunk)
            def _():
                start(ch + 1, 1 - par)

            pltpu.make_async_copy(
                src.at[gidx.at[pl.ds(ch * rpc, rpc)]],
                rows[par].at[pl.ds(0, rpc)], semg[par]).wait()
            buf = rows[par]
            sum_v = sums[par]

            @pl.when(ch >= 2)
            def _():
                out_copy(ch - 2, par).wait()

            @pl.loop(0, seg_per_chunk)
            def _seg(i):
                base = i * g_per_seg

                @pl.loop(0, _NLC)
                def _lane(c):
                    acc = buf[base, pl.ds(c * _LN, _LN)]
                    for g in range(1, g_per_seg):
                        acc = acc + buf[base + g, pl.ds(c * _LN, _LN)]
                    sum_v[i, pl.ds(c * _LN, _LN)] = acc

            out_copy(ch, par).start()

    out_copy(nchunk - 2, 0).wait()
    out_copy(nchunk - 1, 1).wait()


def _build_sc_phase(n_rows, v_rows, seg_per_chunk, g_per_seg, nchunk,
                    staged):
    rpc = seg_per_chunk * g_per_seg
    body = functools.partial(
        _sc_phase_body, seg_per_chunk=seg_per_chunk, g_per_seg=g_per_seg,
        nchunk=nchunk)
    scratch = [
        pltpu.VMEM((rpc, D_ID), jnp.float32),
        pltpu.VMEM((rpc, D_ID), jnp.float32),
        pltpu.VMEM((seg_per_chunk, D_ID), jnp.float32),
        pltpu.VMEM((seg_per_chunk, D_ID), jnp.float32),
        pltpu.VMEM((seg_per_chunk * g_per_seg * nchunk,), jnp.int32),
        pltpu.SemaphoreType.DMA,
        pltpu.SemaphoreType.DMA,
        pltpu.SemaphoreType.DMA,
        pltpu.SemaphoreType.DMA,
    ]
    if staged:
        scratch = scratch + [pltpu.VMEM_SHARED((v_rows, D_ID), jnp.float32)]
    return pl.kernel(
        body,
        out_type=jax.ShapeDtypeStruct((n_rows, D_ID), jnp.float32),
        mesh=plsc.VectorSubcoreMesh(core_axis_name="c", subcore_axis_name="s",
                                    num_cores=_NCORES, num_subcores=_NSUB),
        scratch_types=scratch,
    )


@functools.lru_cache(maxsize=1)
def _build_sc_ident():
    return _build_sc_phase(B * NI, V_SUB, 32, MS, _IDENT_PER_W // 32, False)


@functools.lru_cache(maxsize=1)
def _build_sc_tok():
    return _build_sc_phase(B * NC, V_TOK, 4, ME, _NODE_PER_W // 4, False)


def _ta_body(xs_ref, wi_ref, bi_ref, idx_ref, msk_ref, pad_ref,
             enc_ref, sym_ref):
    x = xs_ref[0]
    h = jnp.tanh(jnp.dot(x, wi_ref[...],
                         preferred_element_type=jnp.float32) + bi_ref[...])
    enc_ref[0] = h
    idx = idx_ref[0, 0]
    oh = (idx[:, None] ==
          lax.broadcasted_iota(jnp.int32, (S, NI), 1)).astype(jnp.float32)
    g = jnp.dot(oh, h, preferred_element_type=jnp.float32)
    m = msk_ref[0, 0][:, None] > 0
    sym_ref[0] = jnp.where(m, g, pad_ref[...])


def _tc_ident(ident_sum, wi, bi, sym_idx, sym_msk, pad):
    return pl.pallas_call(
        _ta_body,
        grid=(B,),
        in_specs=[
            pl.BlockSpec((1, NI, D_ID), lambda b: (b, 0, 0)),
            pl.BlockSpec((D_ID, D_ID), lambda b: (0, 0)),
            pl.BlockSpec((1, D_ID), lambda b: (0, 0)),
            pl.BlockSpec((1, 1, S), lambda b: (b, 0, 0)),
            pl.BlockSpec((1, 1, S), lambda b: (b, 0, 0)),
            pl.BlockSpec((1, D_ID), lambda b: (0, 0)),
        ],
        out_specs=[
            pl.BlockSpec((1, NI, D_ID), lambda b: (b, 0, 0)),
            pl.BlockSpec((1, S, D_ID), lambda b: (b, 0, 0)),
        ],
        out_shape=[
            jax.ShapeDtypeStruct((B, NI, D_ID), jnp.float32),
            jax.ShapeDtypeStruct((B, S, D_ID), jnp.float32),
        ],
    )(ident_sum, wi, bi, sym_idx, sym_msk, pad)


_MB = 512
_NMB = (B * NC) // _MB


def _tb_body(tok_ref, we_ref, be_ref, ck_ref, nm_ref, ct_ref,
             w1_ref, b1_ref, w2_ref, b2_ref, enc_ref, out_ref):
    e = jnp.maximum(
        jnp.dot(tok_ref[...].astype(jnp.bfloat16), we_ref[...],
                preferred_element_type=jnp.float32) + be_ref[...], 0.0)
    k = ck_ref[0, 0]
    oh = (k[:, None] ==
          lax.broadcasted_iota(jnp.int32, (_MB, K_CTRL), 1)
          ).astype(jnp.bfloat16)
    ctrl = jnp.dot(oh, ct_ref[...], preferred_element_type=jnp.float32)
    enc = (e + ctrl) * nm_ref[0, 0][:, None].astype(jnp.float32)
    enc_ref[...] = enc
    h = jnp.maximum(
        jnp.dot(enc.astype(jnp.bfloat16), w1_ref[...],
                preferred_element_type=jnp.float32) + b1_ref[...], 0.0)
    out_ref[...] = jnp.maximum(
        jnp.dot(h.astype(jnp.bfloat16), w2_ref[...],
                preferred_element_type=jnp.float32) + b2_ref[...], 0.0)


def _tc_nodes(tok_sum, we, be, ck, nm, ct, w1, b1, w2, b2):
    return pl.pallas_call(
        _tb_body,
        grid=(_NMB,),
        in_specs=[
            pl.BlockSpec((_MB, D_ID), lambda i: (i, 0)),
            pl.BlockSpec((D_ID, D_EXPR), lambda i: (0, 0)),
            pl.BlockSpec((1, D_EXPR), lambda i: (0, 0)),
            pl.BlockSpec((1, 1, _MB), lambda i: (i, 0, 0)),
            pl.BlockSpec((1, 1, _MB), lambda i: (i, 0, 0)),
            pl.BlockSpec((K_CTRL, D_EXPR), lambda i: (0, 0)),
            pl.BlockSpec((D_EXPR, D_EXPR), lambda i: (0, 0)),
            pl.BlockSpec((1, D_EXPR), lambda i: (0, 0)),
            pl.BlockSpec((D_EXPR, D_EXPR), lambda i: (0, 0)),
            pl.BlockSpec((1, D_EXPR), lambda i: (0, 0)),
        ],
        out_specs=[
            pl.BlockSpec((_MB, D_EXPR), lambda i: (i, 0)),
            pl.BlockSpec((_MB, D_EXPR), lambda i: (i, 0)),
        ],
        out_shape=[
            jax.ShapeDtypeStruct((B * NC, D_EXPR), jnp.float32),
            jax.ShapeDtypeStruct((B * NC, D_EXPR), jnp.float32),
        ],
    )(tok_sum, we, be, ck, nm, ct, w1, b1, w2, b2)


def kernel(identifiers, sub_identifiers_mask, cfg_nodes_expressions,
           cfg_nodes_expressions_mask, cfg_nodes_mask, cfg_nodes_control_kind,
           identifiers_idxs_of_all_symbols, identifiers_idxs_of_all_symbols_mask,
           sub_ident_table, ident_proj_w, ident_proj_b, tok_table,
           expr_proj_w, expr_proj_b, ctrl_table,
           bridge1_w, bridge1_b, bridge2_w, bridge2_b, symbol_pad_embed):
    id_idx = identifiers.reshape(-1).astype(jnp.int32)
    tk_idx = cfg_nodes_expressions.reshape(-1).astype(jnp.int32)

    tok_sum = _build_sc_tok()(tok_table, tk_idx)
    ident_sum = _build_sc_ident()(sub_ident_table, id_idx)

    wi = ident_proj_w * (1.0 / MS)
    we = expr_proj_w * (1.0 / ME)

    enc_ident, symbols = _tc_ident(
        ident_sum.reshape(B, NI, D_ID), wi, ident_proj_b.reshape(1, D_ID),
        identifiers_idxs_of_all_symbols.reshape(B, 1, S).astype(jnp.int32),
        identifiers_idxs_of_all_symbols_mask.reshape(B, 1, S).astype(jnp.int32),
        symbol_pad_embed.reshape(1, D_ID))

    enc_cfg, bridged = _tc_nodes(
        tok_sum, we.astype(jnp.bfloat16), expr_proj_b.reshape(1, D_EXPR),
        cfg_nodes_control_kind.reshape(_NMB, 1, _MB).astype(jnp.int32),
        cfg_nodes_mask.reshape(_NMB, 1, _MB).astype(jnp.int32),
        ctrl_table.astype(jnp.bfloat16),
        bridge1_w.astype(jnp.bfloat16), bridge1_b.reshape(1, D_EXPR),
        bridge2_w.astype(jnp.bfloat16), bridge2_b.reshape(1, D_EXPR))

    return (enc_ident, enc_cfg.reshape(B, NC, D_EXPR), symbols,
            bridged.reshape(B, NC, D_EXPR))

# --- scband reference (transcript-rebuilt; emitter-appended) ---
"""Pipeline reference for scband-code-task-encoder-79267916415626 (READ-ONLY COPY).

The authoritative reference and input builder live on the scoring server;
editing this copy changes nothing except your own understanding.
"""

import jax, jax.numpy as jnp
import numpy as np

B, NI, MS = 32, 256, 6
NC, ME = 128, 32
S = 64
V_SUB, V_TOK, K_CTRL = 1000, 10000, 32
D_ID, D_EXPR = 256, 1028


def setup_inputs(seed: int = 0) -> dict:
    key = jax.random.key(seed)
    ks = jax.random.split(key, 16)
    identifiers = jax.random.randint(ks[0], (B, NI, MS), 0, V_SUB)
    sub_identifiers_mask = jnp.ones((B, NI, MS), dtype=bool)
    cfg_nodes_expressions = jax.random.randint(ks[1], (B, NC, ME), 0, V_TOK)
    cfg_nodes_expressions_mask = jnp.ones((B, NC, ME), dtype=bool)
    cfg_nodes_mask = jnp.ones((B, NC), dtype=bool)
    cfg_nodes_control_kind = jax.random.randint(ks[2], (B, NC), 0, K_CTRL)
    identifiers_idxs_of_all_symbols = jax.random.randint(ks[3], (B, S), 0, NI)
    identifiers_idxs_of_all_symbols_mask = jnp.ones((B, S), dtype=bool)
    sub_ident_table = jax.random.normal(ks[4], (V_SUB, D_ID), dtype=jnp.float32) * 0.02
    ident_proj_w = jax.random.normal(ks[5], (D_ID, D_ID), dtype=jnp.float32) * (1.0 / np.sqrt(D_ID))
    ident_proj_b = jnp.zeros((D_ID,), dtype=jnp.float32)
    tok_table = jax.random.normal(ks[6], (V_TOK, D_ID), dtype=jnp.float32) * 0.02
    expr_proj_w = jax.random.normal(ks[7], (D_ID, D_EXPR), dtype=jnp.float32) * (1.0 / np.sqrt(D_ID))
    expr_proj_b = jnp.zeros((D_EXPR,), dtype=jnp.float32)
    ctrl_table = jax.random.normal(ks[8], (K_CTRL, D_EXPR), dtype=jnp.float32) * 0.02
    bridge1_w = jax.random.normal(ks[9], (D_EXPR, D_EXPR), dtype=jnp.float32) * (1.0 / np.sqrt(D_EXPR))
    bridge1_b = jnp.zeros((D_EXPR,), dtype=jnp.float32)
    bridge2_w = jax.random.normal(ks[10], (D_EXPR, D_EXPR), dtype=jnp.float32) * (1.0 / np.sqrt(D_EXPR))
    bridge2_b = jnp.zeros((D_EXPR,), dtype=jnp.float32)
    symbol_pad_embed = jax.random.normal(ks[11], (D_ID,), dtype=jnp.float32) * 0.02
    return {
        'identifiers': identifiers,
        'sub_identifiers_mask': sub_identifiers_mask,
        'cfg_nodes_expressions': cfg_nodes_expressions,
        'cfg_nodes_expressions_mask': cfg_nodes_expressions_mask,
        'cfg_nodes_mask': cfg_nodes_mask,
        'cfg_nodes_control_kind': cfg_nodes_control_kind,
        'identifiers_idxs_of_all_symbols': identifiers_idxs_of_all_symbols,
        'identifiers_idxs_of_all_symbols_mask': identifiers_idxs_of_all_symbols_mask,
        'sub_ident_table': sub_ident_table,
        'ident_proj_w': ident_proj_w,
        'ident_proj_b': ident_proj_b,
        'tok_table': tok_table,
        'expr_proj_w': expr_proj_w,
        'expr_proj_b': expr_proj_b,
        'ctrl_table': ctrl_table,
        'bridge1_w': bridge1_w,
        'bridge1_b': bridge1_b,
        'bridge2_w': bridge2_w,
        'bridge2_b': bridge2_b,
        'symbol_pad_embed': symbol_pad_embed,
    }


def reference(identifiers, sub_identifiers_mask, cfg_nodes_expressions,
              cfg_nodes_expressions_mask, cfg_nodes_mask, cfg_nodes_control_kind,
              identifiers_idxs_of_all_symbols, identifiers_idxs_of_all_symbols_mask,
              sub_ident_table, ident_proj_w, ident_proj_b, tok_table,
              expr_proj_w, expr_proj_b, ctrl_table,
              bridge1_w, bridge1_b, bridge2_w, bridge2_b, symbol_pad_embed):
    # IdentifierEncoder: sub-identifier embedding lookup + masked mean + projection
    sub_emb = jnp.take(sub_ident_table, identifiers, axis=0)  # [B,NI,MS,D_ID]
    m = sub_identifiers_mask[..., None].astype(jnp.float32)
    ident_mean = (sub_emb * m).sum(axis=2) / jnp.maximum(m.sum(axis=2), 1.0)
    encoded_identifiers = jnp.tanh(ident_mean @ ident_proj_w + ident_proj_b)  # [B,NI,D_ID]
    # CFGNodeEncoder: expression encoder (token embed + masked mean + dense) + control-kind embed
    tok_emb = jnp.take(tok_table, cfg_nodes_expressions, axis=0)  # [B,NC,ME,D_ID]
    me = cfg_nodes_expressions_mask[..., None].astype(jnp.float32)
    expr_mean = (tok_emb * me).sum(axis=2) / jnp.maximum(me.sum(axis=2), 1.0)
    expr_enc = jax.nn.relu(expr_mean @ expr_proj_w + expr_proj_b)  # [B,NC,D_EXPR]
    ctrl = jnp.take(ctrl_table, cfg_nodes_control_kind, axis=0)  # [B,NC,D_EXPR]
    encoded_cfg_nodes = (expr_enc + ctrl) * cfg_nodes_mask[..., None].astype(jnp.float32)
    # apply_batched_embeddings: per-batch gather of symbol encodings with pad fallback
    gathered = jnp.take_along_axis(encoded_identifiers,
                                   identifiers_idxs_of_all_symbols[..., None], axis=1)  # [B,S,D_ID]
    all_symbols_encodings = jnp.where(identifiers_idxs_of_all_symbols_mask[..., None],
                                      gathered, symbol_pad_embed)
    # encoder-decoder bridge: functools.reduce of relu(Linear(.)) over flattened cfg nodes
    flat = encoded_cfg_nodes.reshape(-1, encoded_cfg_nodes.shape[-1])
    h = jax.nn.relu(flat @ bridge1_w + bridge1_b)
    h = jax.nn.relu(h @ bridge2_w + bridge2_b)
    encoded_cfg_nodes_after_bridge = h.reshape(encoded_cfg_nodes.shape[:-1] + (-1,))
    return (encoded_identifiers, encoded_cfg_nodes, all_symbols_encodings,
            encoded_cfg_nodes_after_bridge)

if __name__ == "__main__":
    import jax
    _d = setup_inputs()
    print(jax.jit(kernel)(*tuple(_d.values())))

</pallas_src>

<mosaic_0001>
#map = affine_map<(d0, d1) -> (0, 0)>
#map1 = affine_map<(d0, d1) -> (0)>
module attributes {stable_mosaic.version = 14 : i64} {
  func.func @_sc_phase_body(%arg0: i32, %arg1: i32, %arg2: memref<10000x256xf32, #tpu.memory_space<hbm>>, %arg3: memref<131072xi32, #tpu.memory_space<hbm>>, %arg4: memref<4096x256xf32, #tpu.memory_space<hbm>>, %arg5: memref<128x256xf32, #tpu.memory_space<vmem>>, %arg6: memref<128x256xf32, #tpu.memory_space<vmem>>, %arg7: memref<4x256xf32, #tpu.memory_space<vmem>>, %arg8: memref<4x256xf32, #tpu.memory_space<vmem>>, %arg9: memref<4096xi32, #tpu.memory_space<vmem>>, %arg10: memref<!tpu.dma_semaphore, #tpu.memory_space<semaphore_mem>>, %arg11: memref<!tpu.dma_semaphore, #tpu.memory_space<semaphore_mem>>, %arg12: memref<!tpu.dma_semaphore, #tpu.memory_space<semaphore_mem>>, %arg13: memref<!tpu.dma_semaphore, #tpu.memory_space<semaphore_mem>>) attributes {dimension_semantics = [#tpu.dimension_semantics<core_parallel>, #tpu.dimension_semantics<subcore_parallel>], iteration_bounds = array<i64: 2, 16>, scalar_prefetch = 0 : i64, scratch_operands = 9 : i64, tpu.core_type = #tpu.core_type<sc_vector_subcore>, window_params = [{transform_indices = #map}, {transform_indices = #map1}, {transform_indices = #map}]} {
    %mul3A = arith.constant 2 : i32
    %mul3A_0 = arith.muli %arg1, %mul3A : i32
    %add3A = arith.addi %mul3A_0, %arg0 : i32
    %mul3A_1 = arith.constant 4096 : i32
    %mul3A_2 = arith.muli %add3A, %mul3A_1 : i32
    "tpu.region"() ({
      %run_scoped3A = tpu.sem_alloc : memref<!tpu.dma_semaphore, #tpu.memory_space<semaphore_mem>>
      %dma_start3A_27 = tpu.memref_slice %arg3[%mul3A_2] : memref<131072xi32, #tpu.memory_space<hbm>> -> memref<4096xi32, #tpu.memory_space<hbm>>
      %dma_start3A_28 = tpu.memref_slice %arg3[%mul3A_2] : memref<131072xi32, #tpu.memory_space<hbm>> -> memref<4096xi32, #tpu.memory_space<hbm>>
      tpu.enqueue_dma source(%dma_start3A_28 : memref<4096xi32, #tpu.memory_space<hbm>>) target(%arg9 : memref<4096xi32, #tpu.memory_space<vmem>>) target_semaphore(%run_scoped3A : memref<!tpu.dma_semaphore, #tpu.memory_space<semaphore_mem>>)
      %dma_wait3A_29 = tpu.memref_slice %arg3[%mul3A_2] : memref<131072xi32, #tpu.memory_space<hbm>> -> memref<4096xi32, #tpu.memory_space<hbm>>
      %dma_wait3A_30 = tpu.memref_slice %arg3[%mul3A_2] : memref<131072xi32, #tpu.memory_space<hbm>> -> memref<4096xi32, #tpu.memory_space<hbm>>
      tpu.wait_dma2 semaphore(%run_scoped3A : memref<!tpu.dma_semaphore, #tpu.memory_space<semaphore_mem>>) src(%dma_wait3A_30 : memref<4096xi32, #tpu.memory_space<hbm>>) dst(%arg9 : memref<4096xi32, #tpu.memory_space<vmem>>)
      tpu.yield
    }) : () -> ()
    %mul3A_3 = arith.constant 128 : i32
    %mul3A_4 = arith.muli %add3A, %mul3A_3 : i32
    %dma_start3A = arith.constant 0 : i32
    %dma_start3A_5 = arith.constant 0 : i32
    %dma_start3A_6 = tpu.memref_slice %arg5[%dma_start3A, %dma_start3A_5] : memref<128x256xf32, #tpu.memory_space<vmem>> -> memref<128x256xf32, #tpu.memory_space<vmem>>
    %dma_start3A_7 = arith.constant 0 : i32
    %dma_start3A_8 = tpu.memref_slice %arg9[%dma_start3A_7] : memref<4096xi32, #tpu.memory_space<vmem>> -> memref<128xi32, #tpu.memory_space<vmem>>
    %dma_start3A_9 = arith.constant 0 : i32
    %dma_start3A_10 = arith.constant 0 : i32
    %dma_start3A_11 = tpu.memref_slice %arg2[%dma_start3A_9, %dma_start3A_10] : memref<10000x256xf32, #tpu.memory_space<hbm>> -> memref<10000x256xf32, #tpu.memory_space<hbm>>
    tpu.enqueue_indirect_dma source(%dma_start3A_11 : memref<10000x256xf32, #tpu.memory_space<hbm>>) target(%dma_start3A_6 : memref<128x256xf32, #tpu.memory_space<vmem>>) offsets(%dma_start3A_8 : memref<128xi32, #tpu.memory_space<vmem>>) semaphore(%arg10 : memref<!tpu.dma_semaphore, #tpu.memory_space<semaphore_mem>>)
    %scan3A = arith.constant 0 : i32
    %scan3A_12 = arith.constant 16 : i32
    %scan3A_13 = arith.addi %scan3A, %scan3A_12 : i32
    %scan3A_14 = arith.constant 1 : i32
    scf.for %scan3A_27 = %scan3A to %scan3A_13 step %scan3A_14  : i32 {
      %mul3A_28 = arith.constant 1 : i32
      %mul3A_29 = arith.muli %scan3A_27, %mul3A_28 : i32
      %add3A_30 = arith.constant 0 : i32
      %add3A_31 = arith.addi %add3A_30, %mul3A_29 : i32
      %mul3A_32 = arith.constant 2 : i32
      %mul3A_33 = arith.muli %add3A_31, %mul3A_32 : i32
      %add3A_34 = arith.constant 0 : i32
      %add3A_35 = arith.addi %mul3A_33, %add3A_34 : i32
      %add3A_36 = arith.constant 1 : i32
      %add3A_37 = arith.addi %add3A_35, %add3A_36 : i32
      %lt3A = arith.constant 32 : i32
      %lt3A_38 = arith.cmpi slt, %add3A_37, %lt3A : i32
      %convert_element_type3A = arith.extui %lt3A_38 : i1 to i32
      %cond3A = arith.constant 0 : i32
      %cond3A_39 = arith.cmpi ne, %convert_element_type3A, %cond3A : i32
      scf.if %cond3A_39 {
        %add3A_102 = arith.constant 1 : i32
        %add3A_103 = arith.addi %add3A_35, %add3A_102 : i32
        %mul3A_104 = arith.constant 128 : i32
        %mul3A_105 = arith.muli %add3A_103, %mul3A_104 : i32
        %dma_start3A_106 = arith.constant 0 : i32
        %dma_start3A_107 = arith.constant 0 : i32
        %dma_start3A_108 = tpu.memref_slice %arg6[%dma_start3A_106, %dma_start3A_107] : memref<128x256xf32, #tpu.memory_space<vmem>> -> memref<128x256xf32, #tpu.memory_space<vmem>>
        %dma_start3A_109 = tpu.memref_slice %arg9[%mul3A_105] : memref<4096xi32, #tpu.memory_space<vmem>> -> memref<128xi32, #tpu.memory_space<vmem>>
        %dma_start3A_110 = arith.constant 0 : i32
        %dma_start3A_111 = arith.constant 0 : i32
        %dma_start3A_112 = tpu.memref_slice %arg2[%dma_start3A_110, %dma_start3A_111] : memref<10000x256xf32, #tpu.memory_space<hbm>> -> memref<10000x256xf32, #tpu.memory_space<hbm>>
        tpu.enqueue_indirect_dma source(%dma_start3A_112 : memref<10000x256xf32, #tpu.memory_space<hbm>>) target(%dma_start3A_108 : memref<128x256xf32, #tpu.memory_space<vmem>>) offsets(%dma_start3A_109 : memref<128xi32, #tpu.memory_space<vmem>>) semaphore(%arg11 : memref<!tpu.dma_semaphore, #tpu.memory_space<semaphore_mem>>)
      } else {
      }
      %mul3A_40 = arith.constant 128 : i32
      %mul3A_41 = arith.muli %add3A_35, %mul3A_40 : i32
      %dma_wait3A_42 = arith.constant 0 : i32
      %dma_wait3A_43 = arith.constant 0 : i32
      %dma_wait3A_44 = tpu.memref_slice %arg5[%dma_wait3A_42, %dma_wait3A_43] : memref<128x256xf32, #tpu.memory_space<vmem>> -> memref<128x256xf32, #tpu.memory_space<vmem>>
      %dma_wait3A_45 = tpu.memref_slice %arg9[%mul3A_41] : memref<4096xi32, #tpu.memory_space<vmem>> -> memref<128xi32, #tpu.memory_space<vmem>>
      %dma_wait3A_46 = arith.constant 0 : i32
      %dma_wait3A_47 = arith.constant 0 : i32
      %dma_wait3A_48 = tpu.memref_slice %arg2[%dma_wait3A_46, %dma_wait3A_47] : memref<10000x256xf32, #tpu.memory_space<hbm>> -> memref<10000x256xf32, #tpu.memory_space<hbm>>
      tpu.wait_indirect_dma semaphore(%arg10 : memref<!tpu.dma_semaphore, #tpu.memory_space<semaphore_mem>>) src(%dma_wait3A_48 : memref<10000x256xf32, #tpu.memory_space<hbm>>) dst(%dma_wait3A_44 : memref<128x256xf32, #tpu.memory_space<vmem>>)
      %ge3A = arith.constant 2 : i32
      %ge3A_49 = arith.cmpi sge, %add3A_35, %ge3A : i32
      %convert_element_type3A_50 = arith.extui %ge3A_49 : i1 to i32
      %cond3A_51 = arith.constant 0 : i32
      %cond3A_52 = arith.cmpi ne, %convert_element_type3A_50, %cond3A_51 : i32
      scf.if %cond3A_52 {
        %sub3A = arith.constant 2 : i32
        %sub3A_102 = arith.subi %add3A_35, %sub3A : i32
        %mul3A_103 = arith.constant 4 : i32
        %mul3A_104 = arith.muli %sub3A_102, %mul3A_103 : i32
        %add3A_105 = arith.addi %mul3A_4, %mul3A_104 : i32
        %dma_wait3A_106 = arith.constant 0 : i32
        %dma_wait3A_107 = tpu.memref_slice %arg4[%add3A_105, %dma_wait3A_106] : memref<4096x256xf32, #tpu.memory_space<hbm>> -> memref<4x256xf32, #tpu.memory_space<hbm>>
        %dma_wait3A_108 = arith.constant 0 : i32
        %dma_wait3A_109 = tpu.memref_slice %arg4[%add3A_105, %dma_wait3A_108] : memref<4096x256xf32, #tpu.memory_space<hbm>> -> memref<4x256xf32, #tpu.memory_space<hbm>>
        tpu.wait_dma2 semaphore(%arg12 : memref<!tpu.dma_semaphore, #tpu.memory_space<semaphore_mem>>) src(%arg7 : memref<4x256xf32, #tpu.memory_space<vmem>>) dst(%dma_wait3A_109 : memref<4x256xf32, #tpu.memory_space<hbm>>)
      } else {
      }
      %scan3A_53 = arith.constant 0 : i32
      %scan3A_54 = arith.constant 4 : i32
      %scan3A_55 = arith.addi %scan3A_53, %scan3A_54 : i32
      %scan3A_56 = arith.constant 1 : i32
      scf.for %scan3A_102 = %scan3A_53 to %scan3A_55 step %scan3A_56  : i32 {
        %mul3A_103 = arith.constant 1 : i32
        %mul3A_104 = arith.muli %scan3A_102, %mul3A_103 : i32
        %add3A_105 = arith.constant 0 : i32
        %add3A_106 = arith.addi %add3A_105, %mul3A_104 : i32
        %mul3A_107 = arith.constant 32 : i32
        %mul3A_108 = arith.muli %add3A_106, %mul3A_107 : i32
        %scan3A_109 = arith.constant 0 : i32
        %scan3A_110 = arith.constant 16 : i32
        %scan3A_111 = arith.addi %scan3A_109, %scan3A_110 : i32
        %scan3A_112 = arith.constant 1 : i32
        scf.for %scan3A_114 = %scan3A_109 to %scan3A_111 step %scan3A_112  : i32 {
          %mul3A_115 = arith.constant 1 : i32
          %mul3A_116 = arith.muli %scan3A_114, %mul3A_115 : i32
          %add3A_117 = arith.constant 0 : i32
          %add3A_118 = arith.addi %add3A_117, %mul3A_116 : i32
          %mul3A_119 = arith.constant 16 : i32
          %mul3A_120 = arith.muli %add3A_118, %mul3A_119 : i32
          %get3A = arith.index_cast %mul3A_108 : i32 to index
          %get3A_121 = arith.index_cast %mul3A_120 : i32 to index
          %get3A_122 = tpu.vector_load %arg5[%get3A, %get3A_121] {strides = array<i32>} : memref<128x256xf32, #tpu.memory_space<vmem>>, vector<1x16xf32>,
          %get3A_123 = vector.shape_cast %get3A_122 : vector<1x16xf32> to vector<16xf32>
          %add3A_124 = arith.constant 1 : i32
          %add3A_125 = arith.addi %mul3A_108, %add3A_124 : i32
          %mul3A_126 = arith.constant 16 : i32
          %mul3A_127 = arith.muli %add3A_118, %mul3A_126 : i32
          %get3A_128 = arith.index_cast %add3A_125 : i32 to index
          %get3A_129 = arith.index_cast %mul3A_127 : i32 to index
          %get3A_130 = tpu.vector_load %arg5[%get3A_128, %get3A_129] {strides = array<i32>} : memref<128x256xf32, #tpu.memory_space<vmem>>, vector<1x16xf32>,
          %get3A_131 = vector.shape_cast %get3A_130 : vector<1x16xf32> to vector<16xf32>
          %add3A_132 = arith.addf %get3A_123, %get3A_131 : vector<16xf32>
          %add3A_133 = arith.constant 2 : i32
          %add3A_134 = arith.addi %mul3A_108, %add3A_133 : i32
          %mul3A_135 = arith.constant 16 : i32
          %mul3A_136 = arith.muli %add3A_118, %mul3A_135 : i32
          %get3A_137 = arith.index_cast %add3A_134 : i32 to index
          %get3A_138 = arith.index_cast %mul3A_136 : i32 to index
          %get3A_139 = tpu.vector_load %arg5[%get3A_137, %get3A_138] {strides = array<i32>} : memref<128x256xf32, #tpu.memory_space<vmem>>, vector<1x16xf32>,
          %get3A_140 = vector.shape_cast %get3A_139 : vector<1x16xf32> to vector<16xf32>
          %add3A_141 = arith.addf %add3A_132, %get3A_140 : vector<16xf32>
          %add3A_142 = arith.constant 3 : i32
          %add3A_143 = arith.addi %mul3A_108, %add3A_142 : i32
          %mul3A_144 = arith.constant 16 : i32
          %mul3A_145 = arith.muli %add3A_118, %mul3A_144 : i32
          %get3A_146 = arith.index_cast %add3A_143 : i32 to index
          %get3A_147 = arith.index_cast %mul3A_145 : i32 to index
          %get3A_148 = tpu.vector_load %arg5[%get3A_146, %get3A_147] {strides = array<i32>} : memref<128x256xf32, #tpu.memory_space<vmem>>, vector<1x16xf32>,
          %get3A_149 = vector.shape_cast %get3A_148 : vector<1x16xf32> to vector<16xf32>
          %add3A_150 = arith.addf %add3A_141, %get3A_149 : vector<16xf32>
          %add3A_151 = arith.constant 4 : i32
          %add3A_152 = arith.addi %mul3A_108, %add3A_151 : i32
          %mul3A_153 = arith.constant 16 : i32
          %mul3A_154 = arith.muli %add3A_118, %mul3A_153 : i32
          %get3A_155 = arith.index_cast %add3A_152 : i32 to index
          %get3A_156 = arith.index_cast %mul3A_154 : i32 to index
          %get3A_157 = tpu.vector_load %arg5[%get3A_155, %get3A_156] {strides = array<i32>} : memref<128x256xf32, #tpu.memory_space<vmem>>, vector<1x16xf32>,
          %get3A_158 = vector.shape_cast %get3A_157 : vector<1x16xf32> to vector<16xf32>
          %add3A_159 = arith.addf %add3A_150, %get3A_158 : vector<16xf32>
          %add3A_160 = arith.constant 5 : i32
          %add3A_161 = arith.addi %mul3A_108, %add3A_160 : i32
          %mul3A_162 = arith.constant 16 : i32
          %mul3A_163 = arith.muli %add3A_118, %mul3A_162 : i32
          %get3A_164 = arith.index_cast %add3A_161 : i32 to index
          %get3A_165 = arith.index_cast %mul3A_163 : i32 to index
          %get3A_166 = tpu.vector_load %arg5[%get3A_164, %get3A_165] {strides = array<i32>} : memref<128x256xf32, #tpu.memory_space<vmem>>, vector<1x16xf32>,
          %get3A_167 = vector.shape_cast %get3A_166 : vector<1x16xf32> to vector<16xf32>
          %add3A_168 = arith.addf %add3A_159, %get3A_167 : vector<16xf32>
          %add3A_169 = arith.constant 6 : i32
          %add3A_170 = arith.addi %mul3A_108, %add3A_169 : i32
          %mul3A_171 = arith.constant 16 : i32
          %mul3A_172 = arith.muli %add3A_118, %mul3A_171 : i32
          %get3A_173 = arith.index_cast %add3A_170 : i32 to index
          %get3A_174 = arith.index_cast %mul3A_172 : i32 to index
          %get3A_175 = tpu.vector_load %arg5[%get3A_173, %get3A_174] {strides = array<i32>} : memref<128x256xf32, #tpu.memory_space<vmem>>, vector<1x16xf32>,
          %get3A_176 = vector.shape_cast %get3A_175 : vector<1x16xf32> to vector<16xf32>
          %add3A_177 = arith.addf %add3A_168, %get3A_176 : vector<16xf32>
          %add3A_178 = arith.constant 7 : i32
          %add3A_179 = arith.addi %mul3A_108, %add3A_178 : i32
          %mul3A_180 = arith.constant 16 : i32
          %mul3A_181 = arith.muli %add3A_118, %mul3A_180 : i32
          %get3A_182 = arith.index_cast %add3A_179 : i32 to index
          %get3A_183 = arith.index_cast %mul3A_181 : i32 to index
          %get3A_184 = tpu.vector_load %arg5[%get3A_182, %get3A_183] {strides = array<i32>} : memref<128x256xf32, #tpu.memory_space<vmem>>, vector<1x16xf32>,
          %get3A_185 = vector.shape_cast %get3A_184 : vector<1x16xf32> to vector<16xf32>
          %add3A_186 = arith.addf %add3A_177, %get3A_185 : vector<16xf32>
          %add3A_187 = arith.constant 8 : i32
          %add3A_188 = arith.addi %mul3A_108, %add3A_187 : i32
          %mul3A_189 = arith.constant 16 : i32
          %mul3A_190 = arith.muli %add3A_118, %mul3A_189 : i32
          %get3A_191 = arith.index_cast %add3A_188 : i32 to index
          %get3A_192 = arith.index_cast %mul3A_190 : i32 to index
          %get3A_193 = tpu.vector_load %arg5[%get3A_191, %get3A_192] {strides = array<i32>} : memref<128x256xf32, #tpu.memory_space<vmem>>, vector<1x16xf32>,
          %get3A_194 = vector.shape_cast %get3A_193 : vector<1x16xf32> to vector<16xf32>
          %add3A_195 = arith.addf %add3A_186, %get3A_194 : vector<16xf32>
          %add3A_196 = arith.constant 9 : i32
          %add3A_197 = arith.addi %mul3A_108, %add3A_196 : i32
          %mul3A_198 = arith.constant 16 : i32
          %mul3A_199 = arith.muli %add3A_118, %mul3A_198 : i32
          %get3A_200 = arith.index_cast %add3A_197 : i32 to index
          %get3A_201 = arith.index_cast %mul3A_199 : i32 to index
          %get3A_202 = tpu.vector_load %arg5[%get3A_200, %get3A_201] {strides = array<i32>} : memref<128x256xf32, #tpu.memory_space<vmem>>, vector<1x16xf32>,
          %get3A_203 = vector.shape_cast %get3A_202 : vector<1x16xf32> to vector<16xf32>
          %add3A_204 = arith.addf %add3A_195, %get3A_203 : vector<16xf32>
          %add3A_205 = arith.constant 10 : i32
          %add3A_206 = arith.addi %mul3A_108, %add3A_205 : i32
          %mul3A_207 = arith.constant 16 : i32
          %mul3A_208 = arith.muli %add3A_118, %mul3A_207 : i32
          %get3A_209 = arith.index_cast %add3A_206 : i32 to index
          %get3A_210 = arith.index_cast %mul3A_208 : i32 to index
          %get3A_211 = tpu.vector_load %arg5[%get3A_209, %get3A_210] {strides = array<i32>} : memref<128x256xf32, #tpu.memory_space<vmem>>, vector<1x16xf32>,
          %get3A_212 = vector.shape_cast %get3A_211 : vector<1x16xf32> to vector<16xf32>
          %add3A_213 = arith.addf %add3A_204, %get3A_212 : vector<16xf32>
          %add3A_214 = arith.constant 11 : i32
          %add3A_215 = arith.addi %mul3A_108, %add3A_214 : i32
          %mul3A_216 = arith.constant 16 : i32
          %mul3A_217 = arith.muli %add3A_118, %mul3A_216 : i32
          %get3A_218 = arith.index_cast %add3A_215 : i32 to index
          %get3A_219 = arith.index_cast %mul3A_217 : i32 to index
          %get3A_220 = tpu.vector_load %arg5[%get3A_218, %get3A_219] {strides = array<i32>} : memref<128x256xf32, #tpu.memory_space<vmem>>, vector<1x16xf32>,
          %get3A_221 = vector.shape_cast %get3A_220 : vector<1x16xf32> to vector<16xf32>
          %add3A_222 = arith.addf %add3A_213, %get3A_221 : vector<16xf32>
          %add3A_223 = arith.constant 12 : i32
          %add3A_224 = arith.addi %mul3A_108, %add3A_223 : i32
          %mul3A_225 = arith.constant 16 : i32
          %mul3A_226 = arith.muli %add3A_118, %mul3A_225 : i32
          %get3A_227 = arith.index_cast %add3A_224 : i32 to index
          %get3A_228 = arith.index_cast %mul3A_226 : i32 to index
          %get3A_229 = tpu.vector_load %arg5[%get3A_227, %get3A_228] {strides = array<i32>} : memref<128x256xf32, #tpu.memory_space<vmem>>, vector<1x16xf32>,
          %get3A_230 = vector.shape_cast %get3A_229 : vector<1x16xf32> to vector<16xf32>
          %add3A_231 = arith.addf %add3A_222, %get3A_230 : vector<16xf32>
          %add3A_232 = arith.constant 13 : i32
          %add3A_233 = arith.addi %mul3A_108, %add3A_232 : i32
          %mul3A_234 = arith.constant 16 : i32
          %mul3A_235 = arith.muli %add3A_118, %mul3A_234 : i32
          %get3A_236 = arith.index_cast %add3A_233 : i32 to index
          %get3A_237 = arith.index_cast %mul3A_235 : i32 to index
          %get3A_238 = tpu.vector_load %arg5[%get3A_236, %get3A_237] {strides = array<i32>} : memref<128x256xf32, #tpu.memory_space<vmem>>, vector<1x16xf32>,
          %get3A_239 = vector.shape_cast %get3A_238 : vector<1x16xf32> to vector<16xf32>
          %add3A_240 = arith.addf %add3A_231, %get3A_239 : vector<16xf32>
          %add3A_241 = arith.constant 14 : i32
          %add3A_242 = arith.addi %mul3A_108, %add3A_241 : i32
          %mul3A_243 = arith.constant 16 : i32
          %mul3A_244 = arith.muli %add3A_118, %mul3A_243 : i32
          %get3A_245 = arith.index_cast %add3A_242 : i32 to index
          %get3A_246 = arith.index_cast %mul3A_244 : i32 to index
          %get3A_247 = tpu.vector_load %arg5[%get3A_245, %get3A_246] {strides = array<i32>} : memref<128x256xf32, #tpu.memory_space<vmem>>, vector<1x16xf32>,
          %get3A_248 = vector.shape_cast %get3A_247 : vector<1x16xf32> to vector<16xf32>
          %add3A_249 = arith.addf %add3A_240, %get3A_248 : vector<16xf32>
          %add3A_250 = arith.constant 15 : i32
          %add3A_251 = arith.addi %mul3A_108, %add3A_250 : i32
          %mul3A_252 = arith.constant 16 : i32
          %mul3A_253 = arith.muli %add3A_118, %mul3A_252 : i32
          %get3A_254 = arith.index_cast %add3A_251 : i32 to index
          %get3A_255 = arith.index_cast %mul3A_253 : i32 to index
          %get3A_256 = tpu.vector_load %arg5[%get3A_254, %get3A_255] {strides = array<i32>} : memref<128x256xf32, #tpu.memory_space<vmem>>, vector<1x16xf32>,
          %get3A_257 = vector.shape_cast %get3A_256 : vector<1x16xf32> to vector<16xf32>
          %add3A_258 = arith.addf %add3A_249, %get3A_257 : vector<16xf32>
          %add3A_259 = arith.constant 16 : i32
          %add3A_260 = arith.addi %mul3A_108, %add3A_259 : i32
          %mul3A_261 = arith.constant 16 : i32
          %mul3A_262 = arith.muli %add3A_118, %mul3A_261 : i32
          %get3A_263 = arith.index_cast %add3A_260 : i32 to index
          %get3A_264 = arith.index_cast %mul3A_262 : i32 to index
          %get3A_265 = tpu.vector_load %arg5[%get3A_263, %get3A_264] {strides = array<i32>} : memref<128x256xf32, #tpu.memory_space<vmem>>, vector<1x16xf32>,
          %get3A_266 = vector.shape_cast %get3A_265 : vector<1x16xf32> to vector<16xf32>
          %add3A_267 = arith.addf %add3A_258, %get3A_266 : vector<16xf32>
          %add3A_268 = arith.constant 17 : i32
          %add3A_269 = arith.addi %mul3A_108, %add3A_268 : i32
          %mul3A_270 = arith.constant 16 : i32
          %mul3A_271 = arith.muli %add3A_118, %mul3A_270 : i32
          %get3A_272 = arith.index_cast %add3A_269 : i32 to index
          %get3A_273 = arith.index_cast %mul3A_271 : i32 to index
          %get3A_274 = tpu.vector_load %arg5[%get3A_272, %get3A_273] {strides = array<i32>} : memref<128x256xf32, #tpu.memory_space<vmem>>, vector<1x16xf32>,
          %get3A_275 = vector.shape_cast %get3A_274 : vector<1x16xf32> to vector<16xf32>
          %add3A_276 = arith.addf %add3A_267, %get3A_275 : vector<16xf32>
          %add3A_277 = arith.constant 18 : i32
          %add3A_278 = arith.addi %mul3A_108, %add3A_277 : i32
          %mul3A_279 = arith.constant 16 : i32
          %mul3A_280 = arith.muli %add3A_118, %mul3A_279 : i32
          %get3A_281 = arith.index_cast %add3A_278 : i32 to index
          %get3A_282 = arith.index_cast %mul3A_280 : i32 to index
          %get3A_283 = tpu.vector_load %arg5[%get3A_281, %get3A_282] {strides = array<i32>} : memref<128x256xf32, #tpu.memory_space<vmem>>, vector<1x16xf32>,
          %get3A_284 = vector.shape_cast %get3A_283 : vector<1x16xf32> to vector<16xf32>
          %add3A_285 = arith.addf %add3A_276, %get3A_284 : vector<16xf32>
          %add3A_286 = arith.constant 19 : i32
          %add3A_287 = arith.addi %mul3A_108, %add3A_286 : i32
          %mul3A_288 = arith.constant 16 : i32
          %mul3A_289 = arith.muli %add3A_118, %mul3A_288 : i32
          %get3A_290 = arith.index_cast %add3A_287 : i32 to index
          %get3A_291 = arith.index_cast %mul3A_289 : i32 to index
          %get3A_292 = tpu.vector_load %arg5[%get3A_290, %get3A_291] {strides = array<i32>} : memref<128x256xf32, #tpu.memory_space<vmem>>, vector<1x16xf32>,
          %get3A_293 = vector.shape_cast %get3A_292 : vector<1x16xf32> to vector<16xf32>
          %add3A_294 = arith.addf %add3A_285, %get3A_293 : vector<16xf32>
          %add3A_295 = arith.constant 20 : i32
          %add3A_296 = arith.addi %mul3A_108, %add3A_295 : i32
          %mul3A_297 = arith.constant 16 : i32
          %mul3A_298 = arith.muli %add3A_118, %mul3A_297 : i32
          %get3A_299 = arith.index_cast %add3A_296 : i32 to index
          %get3A_300 = arith.index_cast %mul3A_298 : i32 to index
          %get3A_301 = tpu.vector_load %arg5[%get3A_299, %get3A_300] {strides = array<i32>} : memref<128x256xf32, #tpu.memory_space<vmem>>, vector<1x16xf32>,
          %get3A_302 = vector.shape_cast %get3A_301 : vector<1x16xf32> to vector<16xf32>
          %add3A_303 = arith.addf %add3A_294, %get3A_302 : vector<16xf32>
          %add3A_304 = arith.constant 21 : i32
          %add3A_305 = arith.addi %mul3A_108, %add3A_304 : i32
          %mul3A_306 = arith.constant 16 : i32
          %mul3A_307 = arith.muli %add3A_118, %mul3A_306 : i32
          %get3A_308 = arith.index_cast %add3A_305 : i32 to index
          %get3A_309 = arith.index_cast %mul3A_307 : i32 to index
          %get3A_310 = tpu.vector_load %arg5[%get3A_308, %get3A_309] {strides = array<i32>} : memref<128x256xf32, #tpu.memory_space<vmem>>, vector<1x16xf32>,
          %get3A_311 = vector.shape_cast %get3A_310 : vector<1x16xf32> to vector<16xf32>
          %add3A_312 = arith.addf %add3A_303, %get3A_311 : vector<16xf32>
          %add3A_313 = arith.constant 22 : i32
          %add3A_314 = arith.addi %mul3A_108, %add3A_313 : i32
          %mul3A_315 = arith.constant 16 : i32
          %mul3A_316 = arith.muli %add3A_118, %mul3A_315 : i32
          %get3A_317 = arith.index_cast %add3A_314 : i32 to index
          %get3A_318 = arith.index_cast %mul3A_316 : i32 to index
          %get3A_319 = tpu.vector_load %arg5[%get3A_317, %get3A_318] {strides = array<i32>} : memref<128x256xf32, #tpu.memory_space<vmem>>, vector<1x16xf32>,
          %get3A_320 = vector.shape_cast %get3A_319 : vector<1x16xf32> to vector<16xf32>
          %add3A_321 = arith.addf %add3A_312, %get3A_320 : vector<16xf32>
          %add3A_322 = arith.constant 23 : i32
          %add3A_323 = arith.addi %mul3A_108, %add3A_322 : i32
          %mul3A_324 = arith.constant 16 : i32
          %mul3A_325 = arith.muli %add3A_118, %mul3A_324 : i32
          %get3A_326 = arith.index_cast %add3A_323 : i32 to index
          %get3A_327 = arith.index_cast %mul3A_325 : i32 to index
          %get3A_328 = tpu.vector_load %arg5[%get3A_326, %get3A_327] {strides = array<i32>} : memref<128x256xf32, #tpu.memory_space<vmem>>, vector<1x16xf32>,
          %get3A_329 = vector.shape_cast %get3A_328 : vector<1x16xf32> to vector<16xf32>
          %add3A_330 = arith.addf %add3A_321, %get3A_329 : vector<16xf32>
          %add3A_331 = arith.constant 24 : i32
          %add3A_332 = arith.addi %mul3A_108, %add3A_331 : i32
          %mul3A_333 = arith.constant 16 : i32
          %mul3A_334 = arith.muli %add3A_118, %mul3A_333 : i32
          %get3A_335 = arith.index_cast %add3A_332 : i32 to index
          %get3A_336 = arith.index_cast %mul3A_334 : i32 to index
          %get3A_337 = tpu.vector_load %arg5[%get3A_335, %get3A_336] {strides = array<i32>} : memref<128x256xf32, #tpu.memory_space<vmem>>, vector<1x16xf32>,
          %get3A_338 = vector.shape_cast %get3A_337 : vector<1x16xf32> to vector<16xf32>
          %add3A_339 = arith.addf %add3A_330, %get3A_338 : vector<16xf32>
          %add3A_340 = arith.constant 25 : i32
          %add3A_341 = arith.addi %mul3A_108, %add3A_340 : i32
          %mul3A_342 = arith.constant 16 : i32
          %mul3A_343 = arith.muli %add3A_118, %mul3A_342 : i32
          %get3A_344 = arith.index_cast %add3A_341 : i32 to index
          %get3A_345 = arith.index_cast %mul3A_343 : i32 to index
          %get3A_346 = tpu.vector_load %arg5[%get3A_344, %get3A_345] {strides = array<i32>} : memref<128x256xf32, #tpu.memory_space<vmem>>, vector<1x16xf32>,
          %get3A_347 = vector.shape_cast %get3A_346 : vector<1x16xf32> to vector<16xf32>
          %add3A_348 = arith.addf %add3A_339, %get3A_347 : vector<16xf32>
          %add3A_349 = arith.constant 26 : i32
          %add3A_350 = arith.addi %mul3A_108, %add3A_349 : i32
          %mul3A_351 = arith.constant 16 : i32
          %mul3A_352 = arith.muli %add3A_118, %mul3A_351 : i32
          %get3A_353 = arith.index_cast %add3A_350 : i32 to index
          %get3A_354 = arith.index_cast %mul3A_352 : i32 to index
          %get3A_355 = tpu.vector_load %arg5[%get3A_353, %get3A_354] {strides = array<i32>} : memref<128x256xf32, #tpu.memory_space<vmem>>, vector<1x16xf32>,
          %get3A_356 = vector.shape_cast %get3A_355 : vector<1x16xf32> to vector<16xf32>
          %add3A_357 = arith.addf %add3A_348, %get3A_356 : vector<16xf32>
          %add3A_358 = arith.constant 27 : i32
          %add3A_359 = arith.addi %mul3A_108, %add3A_358 : i32
          %mul3A_360 = arith.constant 16 : i32
          %mul3A_361 = arith.muli %add3A_118, %mul3A_360 : i32
          %get3A_362 = arith.index_cast %add3A_359 : i32 to index
          %get3A_363 = arith.index_cast %mul3A_361 : i32 to index
          %get3A_364 = tpu.vector_load %arg5[%get3A_362, %get3A_363] {strides = array<i32>} : memref<128x256xf32, #tpu.memory_space<vmem>>, vector<1x16xf32>,
          %get3A_365 = vector.shape_cast %get3A_364 : vector<1x16xf32> to vector<16xf32>
          %add3A_366 = arith.addf %add3A_357, %get3A_365 : vector<16xf32>
          %add3A_367 = arith.constant 28 : i32
          %add3A_368 = arith.addi %mul3A_108, %add3A_367 : i32
          %mul3A_369 = arith.constant 16 : i32
          %mul3A_370 = arith.muli %add3A_118, %mul3A_369 : i32
          %get3A_371 = arith.index_cast %add3A_368 : i32 to index
          %get3A_372 = arith.index_cast %mul3A_370 : i32 to index
          %get3A_373 = tpu.vector_load %arg5[%get3A_371, %get3A_372] {strides = array<i32>} : memref<128x256xf32, #tpu.memory_space<vmem>>, vector<1x16xf32>,
          %get3A_374 = vector.shape_cast %get3A_373 : vector<1x16xf32> to vector<16xf32>
          %add3A_375 = arith.addf %add3A_366, %get3A_374 : vector<16xf32>
          %add3A_376 = arith.constant 29 : i32
          %add3A_377 = arith.addi %mul3A_108, %add3A_376 : i32
          %mul3A_378 = arith.constant 16 : i32
          %mul3A_379 = arith.muli %add3A_118, %mul3A_378 : i32
          %get3A_380 = arith.index_cast %add3A_377 : i32 to index
          %get3A_381 = arith.index_cast %mul3A_379 : i32 to index
          %get3A_382 = tpu.vector_load %arg5[%get3A_380, %get3A_381] {strides = array<i32>} : memref<128x256xf32, #tpu.memory_space<vmem>>, vector<1x16xf32>,
          %get3A_383 = vector.shape_cast %get3A_382 : vector<1x16xf32> to vector<16xf32>
          %add3A_384 = arith.addf %add3A_375, %get3A_383 : vector<16xf32>
          %add3A_385 = arith.constant 30 : i32
          %add3A_386 = arith.addi %mul3A_108, %add3A_385 : i32
          %mul3A_387 = arith.constant 16 : i32
          %mul3A_388 = arith.muli %add3A_118, %mul3A_387 : i32
          %get3A_389 = arith.index_cast %add3A_386 : i32 to index
          %get3A_390 = arith.index_cast %mul3A_388 : i32 to index
          %get3A_391 = tpu.vector_load %arg5[%get3A_389, %get3A_390] {strides = array<i32>} : memref<128x256xf32, #tpu.memory_space<vmem>>, vector<1x16xf32>,
          %get3A_392 = vector.shape_cast %get3A_391 : vector<1x16xf32> to vector<16xf32>
          %add3A_393 = arith.addf %add3A_384, %get3A_392 : vector<16xf32>
          %add3A_394 = arith.constant 31 : i32
          %add3A_395 = arith.addi %mul3A_108, %add3A_394 : i32
          %mul3A_396 = arith.constant 16 : i32
          %mul3A_397 = arith.muli %add3A_118, %mul3A_396 : i32
          %get3A_398 = arith.index_cast %add3A_395 : i32 to index
          %get3A_399 = arith.index_cast %mul3A_397 : i32 to index
          %get3A_400 = tpu.vector_load %arg5[%get3A_398, %get3A_399] {strides = array<i32>} : memref<128x256xf32, #tpu.memory_space<vmem>>, vector<1x16xf32>,
          %get3A_401 = vector.shape_cast %get3A_400 : vector<1x16xf32> to vector<16xf32>
          %add3A_402 = arith.addf %add3A_393, %get3A_401 : vector<16xf32>
          %mul3A_403 = arith.constant 16 : i32
          %mul3A_404 = arith.muli %add3A_118, %mul3A_403 : i32
          %swap3A = arith.index_cast %add3A_106 : i32 to index
          %swap3A_405 = arith.index_cast %mul3A_404 : i32 to index
          %swap3A_406 = tpu.vector_load %arg7[%swap3A, %swap3A_405] {strides = array<i32>} : memref<4x256xf32, #tpu.memory_space<vmem>>, vector<1x16xf32>,
          %swap3A_407 = vector.shape_cast %swap3A_406 : vector<1x16xf32> to vector<16xf32>
          %swap3A_408 = vector.shape_cast %add3A_402 : vector<16xf32> to vector<1x16xf32>
          tpu.vector_store %arg7[%swap3A, %swap3A_405], %swap3A_408 {strides = array<i32>} : memref<4x256xf32, #tpu.memory_space<vmem>>, vector<1x16xf32>,
        }
        %scan3A_113 = arith.constant 16 : i32
      }
      %scan3A_57 = arith.constant 4 : i32
      %mul3A_58 = arith.constant 4 : i32
      %mul3A_59 = arith.muli %add3A_35, %mul3A_58 : i32
      %add3A_60 = arith.addi %mul3A_4, %mul3A_59 : i32
      %dma_start3A_61 = arith.constant 0 : i32
      %dma_start3A_62 = tpu.memref_slice %arg4[%add3A_60, %dma_start3A_61] : memref<4096x256xf32, #tpu.memory_space<hbm>> -> memref<4x256xf32, #tpu.memory_space<hbm>>
      %dma_start3A_63 = arith.constant 0 : i32
      %dma_start3A_64 = tpu.memref_slice %arg4[%add3A_60, %dma_start3A_63] : memref<4096x256xf32, #tpu.memory_space<hbm>> -> memref<4x256xf32, #tpu.memory_space<hbm>>
      tpu.enqueue_dma source(%arg7 : memref<4x256xf32, #tpu.memory_space<vmem>>) target(%dma_start3A_64 : memref<4x256xf32, #tpu.memory_space<hbm>>) target_semaphore(%arg12 : memref<!tpu.dma_semaphore, #tpu.memory_space<semaphore_mem>>)
      %mul3A_65 = arith.constant 2 : i32
      %mul3A_66 = arith.muli %add3A_31, %mul3A_65 : i32
      %add3A_67 = arith.constant 1 : i32
      %add3A_68 = arith.addi %mul3A_66, %add3A_67 : i32
      %add3A_69 = arith.constant 1 : i32
      %add3A_70 = arith.addi %add3A_68, %add3A_69 : i32
      %lt3A_71 = arith.constant 32 : i32
      %lt3A_72 = arith.cmpi slt, %add3A_70, %lt3A_71 : i32
      %convert_element_type3A_73 = arith.extui %lt3A_72 : i1 to i32
      %cond3A_74 = arith.constant 0 : i32
      %cond3A_75 = arith.cmpi ne, %convert_element_type3A_73, %cond3A_74 : i32
      scf.if %cond3A_75 {
        %add3A_102 = arith.constant 1 : i32
        %add3A_103 = arith.addi %add3A_68, %add3A_102 : i32
        %mul3A_104 = arith.constant 128 : i32
        %mul3A_105 = arith.muli %add3A_103, %mul3A_104 : i32
        %dma_start3A_106 = arith.constant 0 : i32
        %dma_start3A_107 = arith.constant 0 : i32
        %dma_start3A_108 = tpu.memref_slice %arg5[%dma_start3A_106, %dma_start3A_107] : memref<128x256xf32, #tpu.memory_space<vmem>> -> memref<128x256xf32, #tpu.memory_space<vmem>>
        %dma_start3A_109 = tpu.memref_slice %arg9[%mul3A_105] : memref<4096xi32, #tpu.memory_space<vmem>> -> memref<128xi32, #tpu.memory_space<vmem>>
        %dma_start3A_110 = arith.constant 0 : i32
        %dma_start3A_111 = arith.constant 0 : i32
        %dma_start3A_112 = tpu.memref_slice %arg2[%dma_start3A_110, %dma_start3A_111] : memref<10000x256xf32, #tpu.memory_space<hbm>> -> memref<10000x256xf32, #tpu.memory_space<hbm>>
        tpu.enqueue_indirect_dma source(%dma_start3A_112 : memref<10000x256xf32, #tpu.memory_space<hbm>>) target(%dma_start3A_108 : memref<128x256xf32, #tpu.memory_space<vmem>>) offsets(%dma_start3A_109 : memref<128xi32, #tpu.memory_space<vmem>>) semaphore(%arg10 : memref<!tpu.dma_semaphore, #tpu.memory_space<semaphore_mem>>)
      } else {
      }
      %mul3A_76 = arith.constant 128 : i32
      %mul3A_77 = arith.muli %add3A_68, %mul3A_76 : i32
      %dma_wait3A_78 = arith.constant 0 : i32
      %dma_wait3A_79 = arith.constant 0 : i32
      %dma_wait3A_80 = tpu.memref_slice %arg6[%dma_wait3A_78, %dma_wait3A_79] : memref<128x256xf32, #tpu.memory_space<vmem>> -> memref<128x256xf32, #tpu.memory_space<vmem>>
      %dma_wait3A_81 = tpu.memref_slice %arg9[%mul3A_77] : memref<4096xi32, #tpu.memory_space<vmem>> -> memref<128xi32, #tpu.memory_space<vmem>>
      %dma_wait3A_82 = arith.constant 0 : i32
      %dma_wait3A_83 = arith.constant 0 : i32
      %dma_wait3A_84 = tpu.memref_slice %arg2[%dma_wait3A_82, %dma_wait3A_83] : memref<10000x256xf32, #tpu.memory_space<hbm>> -> memref<10000x256xf32, #tpu.memory_space<hbm>>
      tpu.wait_indirect_dma semaphore(%arg11 : memref<!tpu.dma_semaphore, #tpu.memory_space<semaphore_mem>>) src(%dma_wait3A_84 : memref<10000x256xf32, #tpu.memory_space<hbm>>) dst(%dma_wait3A_80 : memref<128x256xf32, #tpu.memory_space<vmem>>)
      %ge3A_85 = arith.constant 2 : i32
      %ge3A_86 = arith.cmpi sge, %add3A_68, %ge3A_85 : i32
      %convert_element_type3A_87 = arith.extui %ge3A_86 : i1 to i32
      %cond3A_88 = arith.constant 0 : i32
      %cond3A_89 = arith.cmpi ne, %convert_element_type3A_87, %cond3A_88 : i32
      scf.if %cond3A_89 {
        %sub3A = arith.constant 2 : i32
        %sub3A_102 = arith.subi %add3A_68, %sub3A : i32
        %mul3A_103 = arith.constant 4 : i32
        %mul3A_104 = arith.muli %sub3A_102, %mul3A_103 : i32
        %add3A_105 = arith.addi %mul3A_4, %mul3A_104 : i32
        %dma_wait3A_106 = arith.constant 0 : i32
        %dma_wait3A_107 = tpu.memref_slice %arg4[%add3A_105, %dma_wait3A_106] : memref<4096x256xf32, #tpu.memory_space<hbm>> -> memref<4x256xf32, #tpu.memory_space<hbm>>
        %dma_wait3A_108 = arith.constant 0 : i32
        %dma_wait3A_109 = tpu.memref_slice %arg4[%add3A_105, %dma_wait3A_108] : memref<4096x256xf32, #tpu.memory_space<hbm>> -> memref<4x256xf32, #tpu.memory_space<hbm>>
        tpu.wait_dma2 semaphore(%arg13 : memref<!tpu.dma_semaphore, #tpu.memory_space<semaphore_mem>>) src(%arg8 : memref<4x256xf32, #tpu.memory_space<vmem>>) dst(%dma_wait3A_109 : memref<4x256xf32, #tpu.memory_space<hbm>>)
      } else {
      }
      %scan3A_90 = arith.constant 0 : i32
      %scan3A_91 = arith.constant 4 : i32
      %scan3A_92 = arith.addi %scan3A_90, %scan3A_91 : i32
      %scan3A_93 = arith.constant 1 : i32
      scf.for %scan3A_102 = %scan3A_90 to %scan3A_92 step %scan3A_93  : i32 {
        %mul3A_103 = arith.constant 1 : i32
        %mul3A_104 = arith.muli %scan3A_102, %mul3A_103 : i32
        %add3A_105 = arith.constant 0 : i32
        %add3A_106 = arith.addi %add3A_105, %mul3A_104 : i32
        %mul3A_107 = arith.constant 32 : i32
        %mul3A_108 = arith.muli %add3A_106, %mul3A_107 : i32
        %scan3A_109 = arith.constant 0 : i32
        %scan3A_110 = arith.constant 16 : i32
        %scan3A_111 = arith.addi %scan3A_109, %scan3A_110 : i32
        %scan3A_112 = arith.constant 1 : i32
        scf.for %scan3A_114 = %scan3A_109 to %scan3A_111 step %scan3A_112  : i32 {
          %mul3A_115 = arith.constant 1 : i32
          %mul3A_116 = arith.muli %scan3A_114, %mul3A_115 : i32
          %add3A_117 = arith.constant 0 : i32
          %add3A_118 = arith.addi %add3A_117, %mul3A_116 : i32
          %mul3A_119 = arith.constant 16 : i32
          %mul3A_120 = arith.muli %add3A_118, %mul3A_119 : i32
          %get3A = arith.index_cast %mul3A_108 : i32 to index
          %get3A_121 = arith.index_cast %mul3A_120 : i32 to index
          %get3A_122 = tpu.vector_load %arg6[%get3A, %get3A_121] {strides = array<i32>} : memref<128x256xf32, #tpu.memory_space<vmem>>, vector<1x16xf32>,
          %get3A_123 = vector.shape_cast %get3A_122 : vector<1x16xf32> to vector<16xf32>
          %add3A_124 = arith.constant 1 : i32
          %add3A_125 = arith.addi %mul3A_108, %add3A_124 : i32
          %mul3A_126 = arith.constant 16 : i32
          %mul3A_127 = arith.muli %add3A_118, %mul3A_126 : i32
          %get3A_128 = arith.index_cast %add3A_125 : i32 to index
          %get3A_129 = arith.index_cast %mul3A_127 : i32 to index
          %get3A_130 = tpu.vector_load %arg6[%get3A_128, %get3A_129] {strides = array<i32>} : memref<128x256xf32, #tpu.memory_space<vmem>>, vector<1x16xf32>,
          %get3A_131 = vector.shape_cast %get3A_130 : vector<1x16xf32> to vector<16xf32>
          %add3A_132 = arith.addf %get3A_123, %get3A_131 : vector<16xf32>
          %add3A_133 = arith.constant 2 : i32
          %add3A_134 = arith.addi %mul3A_108, %add3A_133 : i32
          %mul3A_135 = arith.constant 16 : i32
          %mul3A_136 = arith.muli %add3A_118, %mul3A_135 : i32
          %get3A_137 = arith.index_cast %add3A_134 : i32 to index
          %get3A_138 = arith.index_cast %mul3A_136 : i32 to index
          %get3A_139 = tpu.vector_load %arg6[%get3A_137, %get3A_138] {strides = array<i32>} : memref<128x256xf32, #tpu.memory_space<vmem>>, vector<1x16xf32>,
          %get3A_140 = vector.shape_cast %get3A_139 : vector<1x16xf32> to vector<16xf32>
          %add3A_141 = arith.addf %add3A_132, %get3A_140 : vector<16xf32>
          %add3A_142 = arith.constant 3 : i32
          %add3A_143 = arith.addi %mul3A_108, %add3A_142 : i32
          %mul3A_144 = arith.constant 16 : i32
          %mul3A_145 = arith.muli %add3A_118, %mul3A_144 : i32
          %get3A_146 = arith.index_cast %add3A_143 : i32 to index
          %get3A_147 = arith.index_cast %mul3A_145 : i32 to index
          %get3A_148 = tpu.vector_load %arg6[%get3A_146, %get3A_147] {strides = array<i32>} : memref<128x256xf32, #tpu.memory_space<vmem>>, vector<1x16xf32>,
          %get3A_149 = vector.shape_cast %get3A_148 : vector<1x16xf32> to vector<16xf32>
          %add3A_150 = arith.addf %add3A_141, %get3A_149 : vector<16xf32>
          %add3A_151 = arith.constant 4 : i32
          %add3A_152 = arith.addi %mul3A_108, %add3A_151 : i32
          %mul3A_153 = arith.constant 16 : i32
          %mul3A_154 = arith.muli %add3A_118, %mul3A_153 : i32
          %get3A_155 = arith.index_cast %add3A_152 : i32 to index
          %get3A_156 = arith.index_cast %mul3A_154 : i32 to index
          %get3A_157 = tpu.vector_load %arg6[%get3A_155, %get3A_156] {strides = array<i32>} : memref<128x256xf32, #tpu.memory_space<vmem>>, vector<1x16xf32>,
          %get3A_158 = vector.shape_cast %get3A_157 : vector<1x16xf32> to vector<16xf32>
          %add3A_159 = arith.addf %add3A_150, %get3A_158 : vector<16xf32>
          %add3A_160 = arith.constant 5 : i32
          %add3A_161 = arith.addi %mul3A_108, %add3A_160 : i32
          %mul3A_162 = arith.constant 16 : i32
          %mul3A_163 = arith.muli %add3A_118, %mul3A_162 : i32
          %get3A_164 = arith.index_cast %add3A_161 : i32 to index
          %get3A_165 = arith.index_cast %mul3A_163 : i32 to index
          %get3A_166 = tpu.vector_load %arg6[%get3A_164, %get3A_165] {strides = array<i32>} : memref<128x256xf32, #tpu.memory_space<vmem>>, vector<1x16xf32>,
          %get3A_167 = vector.shape_cast %get3A_166 : vector<1x16xf32> to vector<16xf32>
          %add3A_168 = arith.addf %add3A_159, %get3A_167 : vector<16xf32>
          %add3A_169 = arith.constant 6 : i32
          %add3A_170 = arith.addi %mul3A_108, %add3A_169 : i32
          %mul3A_171 = arith.constant 16 : i32
          %mul3A_172 = arith.muli %add3A_118, %mul3A_171 : i32
          %get3A_173 = arith.index_cast %add3A_170 : i32 to index
          %get3A_174 = arith.index_cast %mul3A_172 : i32 to index
          %get3A_175 = tpu.vector_load %arg6[%get3A_173, %get3A_174] {strides = array<i32>} : memref<128x256xf32, #tpu.memory_space<vmem>>, vector<1x16xf32>,
          %get3A_176 = vector.shape_cast %get3A_175 : vector<1x16xf32> to vector<16xf32>
          %add3A_177 = arith.addf %add3A_168, %get3A_176 : vector<16xf32>
          %add3A_178 = arith.constant 7 : i32
          %add3A_179 = arith.addi %mul3A_108, %add3A_178 : i32
          %mul3A_180 = arith.constant 16 : i32
          %mul3A_181 = arith.muli %add3A_118, %mul3A_180 : i32
          %get3A_182 = arith.index_cast %add3A_179 : i32 to index
          %get3A_183 = arith.index_cast %mul3A_181 : i32 to index
          %get3A_184 = tpu.vector_load %arg6[%get3A_182, %get3A_183] {strides = array<i32>} : memref<128x256xf32, #tpu.memory_space<vmem>>, vector<1x16xf32>,
          %get3A_185 = vector.shape_cast %get3A_184 : vector<1x16xf32> to vector<16xf32>
          %add3A_186 = arith.addf %add3A_177, %get3A_185 : vector<16xf32>
          %add3A_187 = arith.constant 8 : i32
          %add3A_188 = arith.addi %mul3A_108, %add3A_187 : i32
          %mul3A_189 = arith.constant 16 : i32
          %mul3A_190 = arith.muli %add3A_118, %mul3A_189 : i32
          %get3A_191 = arith.index_cast %add3A_188 : i32 to index
          %get3A_192 = arith.index_cast %mul3A_190 : i32 to index
          %get3A_193 = tpu.vector_load %arg6[%get3A_191, %get3A_192] {strides = array<i32>} : memref<128x256xf32, #tpu.memory_space<vmem>>, vector<1x16xf32>,
          %get3A_194 = vector.shape_cast %get3A_193 : vector<1x16xf32> to vector<16xf32>
          %add3A_195 = arith.addf %add3A_186, %get3A_194 : vector<16xf32>
          %add3A_196 = arith.constant 9 : i32
          %add3A_197 = arith.addi %mul3A_108, %add3A_196 : i32
          %mul3A_198 = arith.constant 16 : i32
          %mul3A_199 = arith.muli %add3A_118, %mul3A_198 : i32
          %get3A_200 = arith.index_cast %add3A_197 : i32 to index
          %get3A_201 = arith.index_cast %mul3A_199 : i32 to index
          %get3A_202 = tpu.vector_load %arg6[%get3A_200, %get3A_201] {strides = array<i32>} : memref<128x256xf32, #tpu.memory_space<vmem>>, vector<1x16xf32>,
          %get3A_203 = vector.shape_cast %get3A_202 : vector<1x16xf32> to vector<16xf32>
          %add3A_204 = arith.addf %add3A_195, %get3A_203 : vector<16xf32>
          %add3A_205 = arith.constant 10 : i32
          %add3A_206 = arith.addi %mul3A_108, %add3A_205 : i32
          %mul3A_207 = arith.constant 16 : i32
          %mul3A_208 = arith.muli %add3A_118, %mul3A_207 : i32
          %get3A_209 = arith.index_cast %add3A_206 : i32 to index
          %get3A_210 = arith.index_cast %mul3A_208 : i32 to index
          %get3A_211 = tpu.vector_load %arg6[%get3A_209, %get3A_210] {strides = array<i32>} : memref<128x256xf32, #tpu.memory_space<vmem>>, vector<1x16xf32>,
          %get3A_212 = vector.shape_cast %get3A_211 : vector<1x16xf32> to vector<16xf32>
          %add3A_213 = arith.addf %add3A_204, %get3A_212 : vector<16xf32>
          %add3A_214 = arith.constant 11 : i32
          %add3A_215 = arith.addi %mul3A_108, %add3A_214 : i32
          %mul3A_216 = arith.constant 16 : i32
          %mul3A_217 = arith.muli %add3A_118, %mul3A_216 : i32
          %get3A_218 = arith.index_cast %add3A_215 : i32 to index
          %get3A_219 = arith.index_cast %mul3A_217 : i32 to index
          %get3A_220 = tpu.vector_load %arg6[%get3A_218, %get3A_219] {strides = array<i32>} : memref<128x256xf32, #tpu.memory_space<vmem>>, vector<1x16xf32>,
          %get3A_221 = vector.shape_cast %get3A_220 : vector<1x16xf32> to vector<16xf32>
          %add3A_222 = arith.addf %add3A_213, %get3A_221 : vector<16xf32>
          %add3A_223 = arith.constant 12 : i32
          %add3A_224 = arith.addi %mul3A_108, %add3A_223 : i32
          %mul3A_225 = arith.constant 16 : i32
          %mul3A_226 = arith.muli %add3A_118, %mul3A_225 : i32
          %get3A_227 = arith.index_cast %add3A_224 : i32 to index
          %get3A_228 = arith.index_cast %mul3A_226 : i32 to index
          %get3A_229 = tpu.vector_load %arg6[%get3A_227, %get3A_228] {strides = array<i32>} : memref<128x256xf32, #tpu.memory_space<vmem>>, vector<1x16xf32>,
          %get3A_230 = vector.shape_cast %get3A_229 : vector<1x16xf32> to vector<16xf32>
          %add3A_231 = arith.addf %add3A_222, %get3A_230 : vector<16xf32>
          %add3A_232 = arith.constant 13 : i32
          %add3A_233 = arith.addi %mul3A_108, %add3A_232 : i32
          %mul3A_234 = arith.constant 16 : i32
          %mul3A_235 = arith.muli %add3A_118, %mul3A_234 : i32
          %get3A_236 = arith.index_cast %add3A_233 : i32 to index
          %get3A_237 = arith.index_cast %mul3A_235 : i32 to index
          %get3A_238 = tpu.vector_load %arg6[%get3A_236, %get3A_237] {strides = array<i32>} : memref<128x256xf32, #tpu.memory_space<vmem>>, vector<1x16xf32>,
          %get3A_239 = vector.shape_cast %get3A_238 : vector<1x16xf32> to vector<16xf32>
          %add3A_240 = arith.addf %add3A_231, %get3A_239 : vector<16xf32>
          %add3A_241 = arith.constant 14 : i32
          %add3A_242 = arith.addi %mul3A_108, %add3A_241 : i32
          %mul3A_243 = arith.constant 16 : i32
          %mul3A_244 = arith.muli %add3A_118, %mul3A_243 : i32
          %get3A_245 = arith.index_cast %add3A_242 : i32 to index
          %get3A_246 = arith.index_cast %mul3A_244 : i32 to index
          %get3A_247 = tpu.vector_load %arg6[%get3A_245, %get3A_246] {strides = array<i32>} : memref<128x256xf32, #tpu.memory_space<vmem>>, vector<1x16xf32>,
          %get3A_248 = vector.shape_cast %get3A_247 : vector<1x16xf32> to vector<16xf32>
          %add3A_249 = arith.addf %add3A_240, %get3A_248 : vector<16xf32>
          %add3A_250 = arith.constant 15 : i32
          %add3A_251 = arith.addi %mul3A_108, %add3A_250 : i32
          %mul3A_252 = arith.constant 16 : i32
          %mul3A_253 = arith.muli %add3A_118, %mul3A_252 : i32
          %get3A_254 = arith.index_cast %add3A_251 : i32 to index
          %get3A_255 = arith.index_cast %mul3A_253 : i32 to index
          %get3A_256 = tpu.vector_load %arg6[%get3A_254, %get3A_255] {strides = array<i32>} : memref<128x256xf32, #tpu.memory_space<vmem>>, vector<1x16xf32>,
          %get3A_257 = vector.shape_cast %get3A_256 : vector<1x16xf32> to vector<16xf32>
          %add3A_258 = arith.addf %add3A_249, %get3A_257 : vector<16xf32>
          %add3A_259 = arith.constant 16 : i32
          %add3A_260 = arith.addi %mul3A_108, %add3A_259 : i32
          %mul3A_261 = arith.constant 16 : i32
          %mul3A_262 = arith.muli %add3A_118, %mul3A_261 : i32
          %get3A_263 = arith.index_cast %add3A_260 : i32 to index
          %get3A_264 = arith.index_cast %mul3A_262 : i32 to index
          %get3A_265 = tpu.vector_load %arg6[%get3A_263, %get3A_264] {strides = array<i32>} : memref<128x256xf32, #tpu.memory_space<vmem>>, vector<1x16xf32>,
          %get3A_266 = vector.shape_cast %get3A_265 : vector<1x16xf32> to vector<16xf32>
          %add3A_267 = arith.addf %add3A_258, %get3A_266 : vector<16xf32>
          %add3A_268 = arith.constant 17 : i32
          %add3A_269 = arith.addi %mul3A_108, %add3A_268 : i32
          %mul3A_270 = arith.constant 16 : i32
          %mul3A_271 = arith.muli %add3A_118, %mul3A_270 : i32
          %get3A_272 = arith.index_cast %add3A_269 : i32 to index
          %get3A_273 = arith.index_cast %mul3A_271 : i32 to index
          %get3A_274 = tpu.vector_load %arg6[%get3A_272, %get3A_273] {strides = array<i32>} : memref<128x256xf32, #tpu.memory_space<vmem>>, vector<1x16xf32>,
          %get3A_275 = vector.shape_cast %get3A_274 : vector<1x16xf32> to vector<16xf32>
          %add3A_276 = arith.addf %add3A_267, %get3A_275 : vector<16xf32>
          %add3A_277 = arith.constant 18 : i32
          %add3A_278 = arith.addi %mul3A_108, %add3A_277 : i32
          %mul3A_279 = arith.constant 16 : i32
          %mul3A_280 = arith.muli %add3A_118, %mul3A_279 : i32
          %get3A_281 = arith.index_cast %add3A_278 : i32 to index
          %get3A_282 = arith.index_cast %mul3A_280 : i32 to index
          %get3A_283 = tpu.vector_load %arg6[%get3A_281, %get3A_282] {strides = array<i32>} : memref<128x256xf32, #tpu.memory_space<vmem>>, vector<1x16xf32>,
          %get3A_284 = vector.shape_cast %get3A_283 : vector<1x16xf32> to vector<16xf32>
          %add3A_285 = arith.addf %add3A_276, %get3A_284 : vector<16xf32>
          %add3A_286 = arith.constant 19 : i32
          %add3A_287 = arith.addi %mul3A_108, %add3A_286 : i32
          %mul3A_288 = arith.constant 16 : i32
          %mul3A_289 = arith.muli %add3A_118, %mul3A_288 : i32
          %get3A_290 = arith.index_cast %add3A_287 : i32 to index
          %get3A_291 = arith.index_cast %mul3A_289 : i32 to index
          %get3A_292 = tpu.vector_load %arg6[%get3A_290, %get3A_291] {strides = array<i32>} : memref<128x256xf32, #tpu.memory_space<vmem>>, vector<1x16xf32>,
          %get3A_293 = vector.shape_cast %get3A_292 : vector<1x16xf32> to vector<16xf32>
          %add3A_294 = arith.addf %add3A_285, %get3A_293 : vector<16xf32>
          %add3A_295 = arith.constant 20 : i32
          %add3A_296 = arith.addi %mul3A_108, %add3A_295 : i32
          %mul3A_297 = arith.constant 16 : i32
          %mul3A_298 = arith.muli %add3A_118, %mul3A_297 : i32
          %get3A_299 = arith.index_cast %add3A_296 : i32 to index
          %get3A_300 = arith.index_cast %mul3A_298 : i32 to index
          %get3A_301 = tpu.vector_load %arg6[%get3A_299, %get3A_300] {strides = array<i32>} : memref<128x256xf32, #tpu.memory_space<vmem>>, vector<1x16xf32>,
          %get3A_302 = vector.shape_cast %get3A_301 : vector<1x16xf32> to vector<16xf32>
          %add3A_303 = arith.addf %add3A_294, %get3A_302 : vector<16xf32>
          %add3A_304 = arith.constant 21 : i32
          %add3A_305 = arith.addi %mul3A_108, %add3A_304 : i32
          %mul3A_306 = arith.constant 16 : i32
          %mul3A_307 = arith.muli %add3A_118, %mul3A_306 : i32
          %get3A_308 = arith.index_cast %add3A_305 : i32 to index
          %get3A_309 = arith.index_cast %mul3A_307 : i32 to index
          %get3A_310 = tpu.vector_load %arg6[%get3A_308, %get3A_309] {strides = array<i32>} : memref<128x256xf32, #tpu.memory_space<vmem>>, vector<1x16xf32>,
          %get3A_311 = vector.shape_cast %get3A_310 : vector<1x16xf32> to vector<16xf32>
          %add3A_312 = arith.addf %add3A_303, %get3A_311 : vector<16xf32>
          %add3A_313 = arith.constant 22 : i32
          %add3A_314 = arith.addi %mul3A_108, %add3A_313 : i32
          %mul3A_315 = arith.constant 16 : i32
          %mul3A_316 = arith.muli %add3A_118, %mul3A_315 : i32
          %get3A_317 = arith.index_cast %add3A_314 : i32 to index
          %get3A_318 = arith.index_cast %mul3A_316 : i32 to index
          %get3A_319 = tpu.vector_load %arg6[%get3A_317, %get3A_318] {strides = array<i32>} : memref<128x256xf32, #tpu.memory_space<vmem>>, vector<1x16xf32>,
          %get3A_320 = vector.shape_cast %get3A_319 : vector<1x16xf32> to vector<16xf32>
          %add3A_321 = arith.addf %add3A_312, %get3A_320 : vector<16xf32>
          %add3A_322 = arith.constant 23 : i32
          %add3A_323 = arith.addi %mul3A_108, %add3A_322 : i32
          %mul3A_324 = arith.constant 16 : i32
          %mul3A_325 = arith.muli %add3A_118, %mul3A_324 : i32
          %get3A_326 = arith.index_cast %add3A_323 : i32 to index
          %get3A_327 = arith.index_cast %mul3A_325 : i32 to index
          %get3A_328 = tpu.vector_load %arg6[%get3A_326, %get3A_327] {strides = array<i32>} : memref<128x256xf32, #tpu.memory_space<vmem>>, vector<1x16xf32>,
          %get3A_329 = vector.shape_cast %get3A_328 : vector<1x16xf32> to vector<16xf32>
          %add3A_330 = arith.addf %add3A_321, %get3A_329 : vector<16xf32>
          %add3A_331 = arith.constant 24 : i32
          %add3A_332 = arith.addi %mul3A_108, %add3A_331 : i32
          %mul3A_333 = arith.constant 16 : i32
          %mul3A_334 = arith.muli %add3A_118, %mul3A_333 : i32
          %get3A_335 = arith.index_cast %add3A_332 : i32 to index
          %get3A_336 = arith.index_cast %mul3A_334 : i32 to index
          %get3A_337 = tpu.vector_load %arg6[%get3A_335, %get3A_336] {strides = array<i32>} : memref<128x256xf32, #tpu.memory_space<vmem>>, vector<1x16xf32>,
          %get3A_338 = vector.shape_cast %get3A_337 : vector<1x16xf32> to vector<16xf32>
          %add3A_339 = arith.addf %add3A_330, %get3A_338 : vector<16xf32>
          %add3A_340 = arith.constant 25 : i32
          %add3A_341 = arith.addi %mul3A_108, %add3A_340 : i32
          %mul3A_342 = arith.constant 16 : i32
          %mul3A_343 = arith.muli %add3A_118, %mul3A_342 : i32
          %get3A_344 = arith.index_cast %add3A_341 : i32 to index
          %get3A_345 = arith.index_cast %mul3A_343 : i32 to index
          %get3A_346 = tpu.vector_load %arg6[%get3A_344, %get3A_345] {strides = array<i32>} : memref<128x256xf32, #tpu.memory_space<vmem>>, vector<1x16xf32>,
          %get3A_347 = vector.shape_cast %get3A_346 : vector<1x16xf32> to vector<16xf32>
          %add3A_348 = arith.addf %add3A_339, %get3A_347 : vector<16xf32>
          %add3A_349 = arith.constant 26 : i32
          %add3A_350 = arith.addi %mul3A_108, %add3A_349 : i32
          %mul3A_351 = arith.constant 16 : i32
          %mul3A_352 = arith.muli %add3A_118, %mul3A_351 : i32
          %get3A_353 = arith.index_cast %add3A_350 : i32 to index
          %get3A_354 = arith.index_cast %mul3A_352 : i32 to index
          %get3A_355 = tpu.vector_load %arg6[%get3A_353, %get3A_354] {strides = array<i32>} : memref<128x256xf32, #tpu.memory_space<vmem>>, vector<1x16xf32>,
          %get3A_356 = vector.shape_cast %get3A_355 : vector<1x16xf32> to vector<16xf32>
          %add3A_357 = arith.addf %add3A_348, %get3A_356 : vector<16xf32>
          %add3A_358 = arith.constant 27 : i32
          %add3A_359 = arith.addi %mul3A_108, %add3A_358 : i32
          %mul3A_360 = arith.constant 16 : i32
          %mul3A_361 = arith.muli %add3A_118, %mul3A_360 : i32
          %get3A_362 = arith.index_cast %add3A_359 : i32 to index
          %get3A_363 = arith.index_cast %mul3A_361 : i32 to index
          %get3A_364 = tpu.vector_load %arg6[%get3A_362, %get3A_363] {strides = array<i32>} : memref<128x256xf32, #tpu.memory_space<vmem>>, vector<1x16xf32>,
          %get3A_365 = vector.shape_cast %get3A_364 : vector<1x16xf32> to vector<16xf32>
          %add3A_366 = arith.addf %add3A_357, %get3A_365 : vector<16xf32>
          %add3A_367 = arith.constant 28 : i32
          %add3A_368 = arith.addi %mul3A_108, %add3A_367 : i32
          %mul3A_369 = arith.constant 16 : i32
          %mul3A_370 = arith.muli %add3A_118, %mul3A_369 : i32
          %get3A_371 = arith.index_cast %add3A_368 : i32 to index
          %get3A_372 = arith.index_cast %mul3A_370 : i32 to index
          %get3A_373 = tpu.vector_load %arg6[%get3A_371, %get3A_372] {strides = array<i32>} : memref<128x256xf32, #tpu.memory_space<vmem>>, vector<1x16xf32>,
          %get3A_374 = vector.shape_cast %get3A_373 : vector<1x16xf32> to vector<16xf32>
          %add3A_375 = arith.addf %add3A_366, %get3A_374 : vector<16xf32>
          %add3A_376 = arith.constant 29 : i32
          %add3A_377 = arith.addi %mul3A_108, %add3A_376 : i32
          %mul3A_378 = arith.constant 16 : i32
          %mul3A_379 = arith.muli %add3A_118, %mul3A_378 : i32
          %get3A_380 = arith.index_cast %add3A_377 : i32 to index
          %get3A_381 = arith.index_cast %mul3A_379 : i32 to index
          %get3A_382 = tpu.vector_load %arg6[%get3A_380, %get3A_381] {strides = array<i32>} : memref<128x256xf32, #tpu.memory_space<vmem>>, vector<1x16xf32>,
          %get3A_383 = vector.shape_cast %get3A_382 : vector<1x16xf32> to vector<16xf32>
          %add3A_384 = arith.addf %add3A_375, %get3A_383 : vector<16xf32>
          %add3A_385 = arith.constant 30 : i32
          %add3A_386 = arith.addi %mul3A_108, %add3A_385 : i32
          %mul3A_387 = arith.constant 16 : i32
          %mul3A_388 = arith.muli %add3A_118, %mul3A_387 : i32
          %get3A_389 = arith.index_cast %add3A_386 : i32 to index
          %get3A_390 = arith.index_cast %mul3A_388 : i32 to index
          %get3A_391 = tpu.vector_load %arg6[%get3A_389, %get3A_390] {strides = array<i32>} : memref<128x256xf32, #tpu.memory_space<vmem>>, vector<1x16xf32>,
          %get3A_392 = vector.shape_cast %get3A_391 : vector<1x16xf32> to vector<16xf32>
          %add3A_393 = arith.addf %add3A_384, %get3A_392 : vector<16xf32>
          %add3A_394 = arith.constant 31 : i32
          %add3A_395 = arith.addi %mul3A_108, %add3A_394 : i32
          %mul3A_396 = arith.constant 16 : i32
          %mul3A_397 = arith.muli %add3A_118, %mul3A_396 : i32
          %get3A_398 = arith.index_cast %add3A_395 : i32 to index
          %get3A_399 = arith.index_cast %mul3A_397 : i32 to index
          %get3A_400 = tpu.vector_load %arg6[%get3A_398, %get3A_399] {strides = array<i32>} : memref<128x256xf32, #tpu.memory_space<vmem>>, vector<1x16xf32>,
          %get3A_401 = vector.shape_cast %get3A_400 : vector<1x16xf32> to vector<16xf32>
          %add3A_402 = arith.addf %add3A_393, %get3A_401 : vector<16xf32>
          %mul3A_403 = arith.constant 16 : i32
          %mul3A_404 = arith.muli %add3A_118, %mul3A_403 : i32
          %swap3A = arith.index_cast %add3A_106 : i32 to index
          %swap3A_405 = arith.index_cast %mul3A_404 : i32 to index
          %swap3A_406 = tpu.vector_load %arg8[%swap3A, %swap3A_405] {strides = array<i32>} : memref<4x256xf32, #tpu.memory_space<vmem>>, vector<1x16xf32>,
          %swap3A_407 = vector.shape_cast %swap3A_406 : vector<1x16xf32> to vector<16xf32>
          %swap3A_408 = vector.shape_cast %add3A_402 : vector<16xf32> to vector<1x16xf32>
          tpu.vector_store %arg8[%swap3A, %swap3A_405], %swap3A_408 {strides = array<i32>} : memref<4x256xf32, #tpu.memory_space<vmem>>, vector<1x16xf32>,
        }
        %scan3A_113 = arith.constant 16 : i32
      }
      %scan3A_94 = arith.constant 4 : i32
      %mul3A_95 = arith.constant 4 : i32
      %mul3A_96 = arith.muli %add3A_68, %mul3A_95 : i32
      %add3A_97 = arith.addi %mul3A_4, %mul3A_96 : i32
      %dma_start3A_98 = arith.constant 0 : i32
      %dma_start3A_99 = tpu.memref_slice %arg4[%add3A_97, %dma_start3A_98] : memref<4096x256xf32, #tpu.memory_space<hbm>> -> memref<4x256xf32, #tpu.memory_space<hbm>>
      %dma_start3A_100 = arith.constant 0 : i32
      %dma_start3A_101 = tpu.memref_slice %arg4[%add3A_97, %dma_start3A_100] : memref<4096x256xf32, #tpu.memory_space<hbm>> -> memref<4x256xf32, #tpu.memory_space<hbm>>
      tpu.enqueue_dma source(%arg8 : memref<4x256xf32, #tpu.memory_space<vmem>>) target(%dma_start3A_101 : memref<4x256xf32, #tpu.memory_space<hbm>>) target_semaphore(%arg13 : memref<!tpu.dma_semaphore, #tpu.memory_space<semaphore_mem>>)
    }
    %scan3A_15 = arith.constant 16 : i32
    %add3A_16 = arith.constant 120 : i32
    %add3A_17 = arith.addi %mul3A_4, %add3A_16 : i32
    %dma_wait3A = arith.constant 0 : i32
    %dma_wait3A_18 = tpu.memref_slice %arg4[%add3A_17, %dma_wait3A] : memref<4096x256xf32, #tpu.memory_space<hbm>> -> memref<4x256xf32, #tpu.memory_space<hbm>>
    %dma_wait3A_19 = arith.constant 0 : i32
    %dma_wait3A_20 = tpu.memref_slice %arg4[%add3A_17, %dma_wait3A_19] : memref<4096x256xf32, #tpu.memory_space<hbm>> -> memref<4x256xf32, #tpu.memory_space<hbm>>
    tpu.wait_dma2 semaphore(%arg12 : memref<!tpu.dma_semaphore, #tpu.memory_space<semaphore_mem>>) src(%arg7 : memref<4x256xf32, #tpu.memory_space<vmem>>) dst(%dma_wait3A_20 : memref<4x256xf32, #tpu.memory_space<hbm>>)
    %add3A_21 = arith.constant 124 : i32
    %add3A_22 = arith.addi %mul3A_4, %add3A_21 : i32
    %dma_wait3A_23 = arith.constant 0 : i32
    %dma_wait3A_24 = tpu.memref_slice %arg4[%add3A_22, %dma_wait3A_23] : memref<4096x256xf32, #tpu.memory_space<hbm>> -> memref<4x256xf32, #tpu.memory_space<hbm>>
    %dma_wait3A_25 = arith.constant 0 : i32
    %dma_wait3A_26 = tpu.memref_slice %arg4[%add3A_22, %dma_wait3A_25] : memref<4096x256xf32, #tpu.memory_space<hbm>> -> memref<4x256xf32, #tpu.memory_space<hbm>>
    tpu.wait_dma2 semaphore(%arg13 : memref<!tpu.dma_semaphore, #tpu.memory_space<semaphore_mem>>) src(%arg8 : memref<4x256xf32, #tpu.memory_space<vmem>>) dst(%dma_wait3A_26 : memref<4x256xf32, #tpu.memory_space<hbm>>)
    return
  }
}

#map = affine_map<(d0, d1) -> (0, 0)>
#map1 = affine_map<(d0, d1) -> (0)>
module attributes {stable_mosaic.version = 14 : i64} {
  func.func @_sc_phase_body(%arg0: i32, %arg1: i32, %arg2: memref<1000x256xf32, #tpu.memory_space<hbm>>, %arg3: memref<49152xi32, #tpu.memory_space<hbm>>, %arg4: memref<8192x256xf32, #tpu.memory_space<hbm>>, %arg5: memref<192x256xf32, #tpu.memory_space<vmem>>, %arg6: memref<192x256xf32, #tpu.memory_space<vmem>>, %arg7: memref<32x256xf32, #tpu.memory_space<vmem>>, %arg8: memref<32x256xf32, #tpu.memory_space<vmem>>, %arg9: memref<1536xi32, #tpu.memory_space<vmem>>, %arg10: memref<!tpu.dma_semaphore, #tpu.memory_space<semaphore_mem>>, %arg11: memref<!tpu.dma_semaphore, #tpu.memory_space<semaphore_mem>>, %arg12: memref<!tpu.dma_semaphore, #tpu.memory_space<semaphore_mem>>, %arg13: memref<!tpu.dma_semaphore, #tpu.memory_space<semaphore_mem>>) attributes {dimension_semantics = [#tpu.dimension_semantics<core_parallel>, #tpu.dimension_semantics<subcore_parallel>], iteration_bounds = array<i64: 2, 16>, scalar_prefetch = 0 : i64, scratch_operands = 9 : i64, tpu.core_type = #tpu.core_type<sc_vector_subcore>, window_params = [{transform_indices = #map}, {transform_indices = #map1}, {transform_indices = #map}]} {
    %mul3A = arith.constant 2 : i32
    %mul3A_0 = arith.muli %arg1, %mul3A : i32
    %add3A = arith.addi %mul3A_0, %arg0 : i32
    %mul3A_1 = arith.constant 1536 : i32
    %mul3A_2 = arith.muli %add3A, %mul3A_1 : i32
    "tpu.region"() ({
      %run_scoped3A = tpu.sem_alloc : memref<!tpu.dma_semaphore, #tpu.memory_space<semaphore_mem>>
      %dma_start3A_27 = tpu.memref_slice %arg3[%mul3A_2] : memref<49152xi32, #tpu.memory_space<hbm>> -> memref<1536xi32, #tpu.memory_space<hbm>>
      %dma_start3A_28 = tpu.memref_slice %arg3[%mul3A_2] : memref<49152xi32, #tpu.memory_space<hbm>> -> memref<1536xi32, #tpu.memory_space<hbm>>
      tpu.enqueue_dma source(%dma_start3A_28 : memref<1536xi32, #tpu.memory_space<hbm>>) target(%arg9 : memref<1536xi32, #tpu.memory_space<vmem>>) target_semaphore(%run_scoped3A : memref<!tpu.dma_semaphore, #tpu.memory_space<semaphore_mem>>)
      %dma_wait3A_29 = tpu.memref_slice %arg3[%mul3A_2] : memref<49152xi32, #tpu.memory_space<hbm>> -> memref<1536xi32, #tpu.memory_space<hbm>>
      %dma_wait3A_30 = tpu.memref_slice %arg3[%mul3A_2] : memref<49152xi32, #tpu.memory_space<hbm>> -> memref<1536xi32, #tpu.memory_space<hbm>>
      tpu.wait_dma2 semaphore(%run_scoped3A : memref<!tpu.dma_semaphore, #tpu.memory_space<semaphore_mem>>) src(%dma_wait3A_30 : memref<1536xi32, #tpu.memory_space<hbm>>) dst(%arg9 : memref<1536xi32, #tpu.memory_space<vmem>>)
      tpu.yield
    }) : () -> ()
    %mul3A_3 = arith.constant 256 : i32
    %mul3A_4 = arith.muli %add3A, %mul3A_3 : i32
    %dma_start3A = arith.constant 0 : i32
    %dma_start3A_5 = arith.constant 0 : i32
    %dma_start3A_6 = tpu.memref_slice %arg5[%dma_start3A, %dma_start3A_5] : memref<192x256xf32, #tpu.memory_space<vmem>> -> memref<192x256xf32, #tpu.memory_space<vmem>>
    %dma_start3A_7 = arith.constant 0 : i32
    %dma_start3A_8 = tpu.memref_slice %arg9[%dma_start3A_7] : memref<1536xi32, #tpu.memory_space<vmem>> -> memref<192xi32, #tpu.memory_space<vmem>>
    %dma_start3A_9 = arith.constant 0 : i32
    %dma_start3A_10 = arith.constant 0 : i32
    %dma_start3A_11 = tpu.memref_slice %arg2[%dma_start3A_9, %dma_start3A_10] : memref<1000x256xf32, #tpu.memory_space<hbm>> -> memref<1000x256xf32, #tpu.memory_space<hbm>>
    tpu.enqueue_indirect_dma source(%dma_start3A_11 : memref<1000x256xf32, #tpu.memory_space<hbm>>) target(%dma_start3A_6 : memref<192x256xf32, #tpu.memory_space<vmem>>) offsets(%dma_start3A_8 : memref<192xi32, #tpu.memory_space<vmem>>) semaphore(%arg10 : memref<!tpu.dma_semaphore, #tpu.memory_space<semaphore_mem>>)
    %scan3A = arith.constant 0 : i32
    %scan3A_12 = arith.constant 4 : i32
    %scan3A_13 = arith.addi %scan3A, %scan3A_12 : i32
    %scan3A_14 = arith.constant 1 : i32
    scf.for %scan3A_27 = %scan3A to %scan3A_13 step %scan3A_14  : i32 {
      %mul3A_28 = arith.constant 1 : i32
      %mul3A_29 = arith.muli %scan3A_27, %mul3A_28 : i32
      %add3A_30 = arith.constant 0 : i32
      %add3A_31 = arith.addi %add3A_30, %mul3A_29 : i32
      %mul3A_32 = arith.constant 2 : i32
      %mul3A_33 = arith.muli %add3A_31, %mul3A_32 : i32
      %add3A_34 = arith.constant 0 : i32
      %add3A_35 = arith.addi %mul3A_33, %add3A_34 : i32
      %add3A_36 = arith.constant 1 : i32
      %add3A_37 = arith.addi %add3A_35, %add3A_36 : i32
      %lt3A = arith.constant 8 : i32
      %lt3A_38 = arith.cmpi slt, %add3A_37, %lt3A : i32
      %convert_element_type3A = arith.extui %lt3A_38 : i1 to i32
      %cond3A = arith.constant 0 : i32
      %cond3A_39 = arith.cmpi ne, %convert_element_type3A, %cond3A : i32
      scf.if %cond3A_39 {
        %add3A_102 = arith.constant 1 : i32
        %add3A_103 = arith.addi %add3A_35, %add3A_102 : i32
        %mul3A_104 = arith.constant 192 : i32
        %mul3A_105 = arith.muli %add3A_103, %mul3A_104 : i32
        %dma_start3A_106 = arith.constant 0 : i32
        %dma_start3A_107 = arith.constant 0 : i32
        %dma_start3A_108 = tpu.memref_slice %arg6[%dma_start3A_106, %dma_start3A_107] : memref<192x256xf32, #tpu.memory_space<vmem>> -> memref<192x256xf32, #tpu.memory_space<vmem>>
        %dma_start3A_109 = tpu.memref_slice %arg9[%mul3A_105] : memref<1536xi32, #tpu.memory_space<vmem>> -> memref<192xi32, #tpu.memory_space<vmem>>
        %dma_start3A_110 = arith.constant 0 : i32
        %dma_start3A_111 = arith.constant 0 : i32
        %dma_start3A_112 = tpu.memref_slice %arg2[%dma_start3A_110, %dma_start3A_111] : memref<1000x256xf32, #tpu.memory_space<hbm>> -> memref<1000x256xf32, #tpu.memory_space<hbm>>
        tpu.enqueue_indirect_dma source(%dma_start3A_112 : memref<1000x256xf32, #tpu.memory_space<hbm>>) target(%dma_start3A_108 : memref<192x256xf32, #tpu.memory_space<vmem>>) offsets(%dma_start3A_109 : memref<192xi32, #tpu.memory_space<vmem>>) semaphore(%arg11 : memref<!tpu.dma_semaphore, #tpu.memory_space<semaphore_mem>>)
      } else {
      }
      %mul3A_40 = arith.constant 192 : i32
      %mul3A_41 = arith.muli %add3A_35, %mul3A_40 : i32
      %dma_wait3A_42 = arith.constant 0 : i32
      %dma_wait3A_43 = arith.constant 0 : i32
      %dma_wait3A_44 = tpu.memref_slice %arg5[%dma_wait3A_42, %dma_wait3A_43] : memref<192x256xf32, #tpu.memory_space<vmem>> -> memref<192x256xf32, #tpu.memory_space<vmem>>
      %dma_wait3A_45 = tpu.memref_slice %arg9[%mul3A_41] : memref<1536xi32, #tpu.memory_space<vmem>> -> memref<192xi32, #tpu.memory_space<vmem>>
      %dma_wait3A_46 = arith.constant 0 : i32
      %dma_wait3A_47 = arith.constant 0 : i32
      %dma_wait3A_48 = tpu.memref_slice %arg2[%dma_wait3A_46, %dma_wait3A_47] : memref<1000x256xf32, #tpu.memory_space<hbm>> -> memref<1000x256xf32, #tpu.memory_space<hbm>>
      tpu.wait_indirect_dma semaphore(%arg10 : memref<!tpu.dma_semaphore, #tpu.memory_space<semaphore_mem>>) src(%dma_wait3A_48 : memref<1000x256xf32, #tpu.memory_space<hbm>>) dst(%dma_wait3A_44 : memref<192x256xf32, #tpu.memory_space<vmem>>)
      %ge3A = arith.constant 2 : i32
      %ge3A_49 = arith.cmpi sge, %add3A_35, %ge3A : i32
      %convert_element_type3A_50 = arith.extui %ge3A_49 : i1 to i32
      %cond3A_51 = arith.constant 0 : i32
      %cond3A_52 = arith.cmpi ne, %convert_element_type3A_50, %cond3A_51 : i32
      scf.if %cond3A_52 {
        %sub3A = arith.constant 2 : i32
        %sub3A_102 = arith.subi %add3A_35, %sub3A : i32
        %mul3A_103 = arith.constant 32 : i32
        %mul3A_104 = arith.muli %sub3A_102, %mul3A_103 : i32
        %add3A_105 = arith.addi %mul3A_4, %mul3A_104 : i32
        %dma_wait3A_106 = arith.constant 0 : i32
        %dma_wait3A_107 = tpu.memref_slice %arg4[%add3A_105, %dma_wait3A_106] : memref<8192x256xf32, #tpu.memory_space<hbm>> -> memref<32x256xf32, #tpu.memory_space<hbm>>
        %dma_wait3A_108 = arith.constant 0 : i32
        %dma_wait3A_109 = tpu.memref_slice %arg4[%add3A_105, %dma_wait3A_108] : memref<8192x256xf32, #tpu.memory_space<hbm>> -> memref<32x256xf32, #tpu.memory_space<hbm>>
        tpu.wait_dma2 semaphore(%arg12 : memref<!tpu.dma_semaphore, #tpu.memory_space<semaphore_mem>>) src(%arg7 : memref<32x256xf32, #tpu.memory_space<vmem>>) dst(%dma_wait3A_109 : memref<32x256xf32, #tpu.memory_space<hbm>>)
      } else {
      }
      %scan3A_53 = arith.constant 0 : i32
      %scan3A_54 = arith.constant 32 : i32
      %scan3A_55 = arith.addi %scan3A_53, %scan3A_54 : i32
      %scan3A_56 = arith.constant 1 : i32
      scf.for %scan3A_102 = %scan3A_53 to %scan3A_55 step %scan3A_56  : i32 {
        %mul3A_103 = arith.constant 1 : i32
        %mul3A_104 = arith.muli %scan3A_102, %mul3A_103 : i32
        %add3A_105 = arith.constant 0 : i32
        %add3A_106 = arith.addi %add3A_105, %mul3A_104 : i32
        %mul3A_107 = arith.constant 6 : i32
        %mul3A_108 = arith.muli %add3A_106, %mul3A_107 : i32
        %scan3A_109 = arith.constant 0 : i32
        %scan3A_110 = arith.constant 16 : i32
        %scan3A_111 = arith.addi %scan3A_109, %scan3A_110 : i32
        %scan3A_112 = arith.constant 1 : i32
        scf.for %scan3A_114 = %scan3A_109 to %scan3A_111 step %scan3A_112  : i32 {
          %mul3A_115 = arith.constant 1 : i32
          %mul3A_116 = arith.muli %scan3A_114, %mul3A_115 : i32
          %add3A_117 = arith.constant 0 : i32
          %add3A_118 = arith.addi %add3A_117, %mul3A_116 : i32
          %mul3A_119 = arith.constant 16 : i32
          %mul3A_120 = arith.muli %add3A_118, %mul3A_119 : i32
          %get3A = arith.index_cast %mul3A_108 : i32 to index
          %get3A_121 = arith.index_cast %mul3A_120 : i32 to index
          %get3A_122 = tpu.vector_load %arg5[%get3A, %get3A_121] {strides = array<i32>} : memref<192x256xf32, #tpu.memory_space<vmem>>, vector<1x16xf32>,
          %get3A_123 = vector.shape_cast %get3A_122 : vector<1x16xf32> to vector<16xf32>
          %add3A_124 = arith.constant 1 : i32
          %add3A_125 = arith.addi %mul3A_108, %add3A_124 : i32
          %mul3A_126 = arith.constant 16 : i32
          %mul3A_127 = arith.muli %add3A_118, %mul3A_126 : i32
          %get3A_128 = arith.index_cast %add3A_125 : i32 to index
          %get3A_129 = arith.index_cast %mul3A_127 : i32 to index
          %get3A_130 = tpu.vector_load %arg5[%get3A_128, %get3A_129] {strides = array<i32>} : memref<192x256xf32, #tpu.memory_space<vmem>>, vector<1x16xf32>,
          %get3A_131 = vector.shape_cast %get3A_130 : vector<1x16xf32> to vector<16xf32>
          %add3A_132 = arith.addf %get3A_123, %get3A_131 : vector<16xf32>
          %add3A_133 = arith.constant 2 : i32
          %add3A_134 = arith.addi %mul3A_108, %add3A_133 : i32
          %mul3A_135 = arith.constant 16 : i32
          %mul3A_136 = arith.muli %add3A_118, %mul3A_135 : i32
          %get3A_137 = arith.index_cast %add3A_134 : i32 to index
          %get3A_138 = arith.index_cast %mul3A_136 : i32 to index
          %get3A_139 = tpu.vector_load %arg5[%get3A_137, %get3A_138] {strides = array<i32>} : memref<192x256xf32, #tpu.memory_space<vmem>>, vector<1x16xf32>,
          %get3A_140 = vector.shape_cast %get3A_139 : vector<1x16xf32> to vector<16xf32>
          %add3A_141 = arith.addf %add3A_132, %get3A_140 : vector<16xf32>
          %add3A_142 = arith.constant 3 : i32
          %add3A_143 = arith.addi %mul3A_108, %add3A_142 : i32
          %mul3A_144 = arith.constant 16 : i32
          %mul3A_145 = arith.muli %add3A_118, %mul3A_144 : i32
          %get3A_146 = arith.index_cast %add3A_143 : i32 to index
          %get3A_147 = arith.index_cast %mul3A_145 : i32 to index
          %get3A_148 = tpu.vector_load %arg5[%get3A_146, %get3A_147] {strides = array<i32>} : memref<192x256xf32, #tpu.memory_space<vmem>>, vector<1x16xf32>,
          %get3A_149 = vector.shape_cast %get3A_148 : vector<1x16xf32> to vector<16xf32>
          %add3A_150 = arith.addf %add3A_141, %get3A_149 : vector<16xf32>
          %add3A_151 = arith.constant 4 : i32
          %add3A_152 = arith.addi %mul3A_108, %add3A_151 : i32
          %mul3A_153 = arith.constant 16 : i32
          %mul3A_154 = arith.muli %add3A_118, %mul3A_153 : i32
          %get3A_155 = arith.index_cast %add3A_152 : i32 to index
          %get3A_156 = arith.index_cast %mul3A_154 : i32 to index
          %get3A_157 = tpu.vector_load %arg5[%get3A_155, %get3A_156] {strides = array<i32>} : memref<192x256xf32, #tpu.memory_space<vmem>>, vector<1x16xf32>,
          %get3A_158 = vector.shape_cast %get3A_157 : vector<1x16xf32> to vector<16xf32>
          %add3A_159 = arith.addf %add3A_150, %get3A_158 : vector<16xf32>
          %add3A_160 = arith.constant 5 : i32
          %add3A_161 = arith.addi %mul3A_108, %add3A_160 : i32
          %mul3A_162 = arith.constant 16 : i32
          %mul3A_163 = arith.muli %add3A_118, %mul3A_162 : i32
          %get3A_164 = arith.index_cast %add3A_161 : i32 to index
          %get3A_165 = arith.index_cast %mul3A_163 : i32 to index
          %get3A_166 = tpu.vector_load %arg5[%get3A_164, %get3A_165] {strides = array<i32>} : memref<192x256xf32, #tpu.memory_space<vmem>>, vector<1x16xf32>,
          %get3A_167 = vector.shape_cast %get3A_166 : vector<1x16xf32> to vector<16xf32>
          %add3A_168 = arith.addf %add3A_159, %get3A_167 : vector<16xf32>
          %mul3A_169 = arith.constant 16 : i32
          %mul3A_170 = arith.muli %add3A_118, %mul3A_169 : i32
          %swap3A = arith.index_cast %add3A_106 : i32 to index
          %swap3A_171 = arith.index_cast %mul3A_170 : i32 to index
          %swap3A_172 = tpu.vector_load %arg7[%swap3A, %swap3A_171] {strides = array<i32>} : memref<32x256xf32, #tpu.memory_space<vmem>>, vector<1x16xf32>,
          %swap3A_173 = vector.shape_cast %swap3A_172 : vector<1x16xf32> to vector<16xf32>
          %swap3A_174 = vector.shape_cast %add3A_168 : vector<16xf32> to vector<1x16xf32>
          tpu.vector_store %arg7[%swap3A, %swap3A_171], %swap3A_174 {strides = array<i32>} : memref<32x256xf32, #tpu.memory_space<vmem>>, vector<1x16xf32>,
        }
        %scan3A_113 = arith.constant 16 : i32
      }
      %scan3A_57 = arith.constant 32 : i32
      %mul3A_58 = arith.constant 32 : i32
      %mul3A_59 = arith.muli %add3A_35, %mul3A_58 : i32
      %add3A_60 = arith.addi %mul3A_4, %mul3A_59 : i32
      %dma_start3A_61 = arith.constant 0 : i32
      %dma_start3A_62 = tpu.memref_slice %arg4[%add3A_60, %dma_start3A_61] : memref<8192x256xf32, #tpu.memory_space<hbm>> -> memref<32x256xf32, #tpu.memory_space<hbm>>
      %dma_start3A_63 = arith.constant 0 : i32
      %dma_start3A_64 = tpu.memref_slice %arg4[%add3A_60, %dma_start3A_63] : memref<8192x256xf32, #tpu.memory_space<hbm>> -> memref<32x256xf32, #tpu.memory_space<hbm>>
      tpu.enqueue_dma source(%arg7 : memref<32x256xf32, #tpu.memory_space<vmem>>) target(%dma_start3A_64 : memref<32x256xf32, #tpu.memory_space<hbm>>) target_semaphore(%arg12 : memref<!tpu.dma_semaphore, #tpu.memory_space<semaphore_mem>>)
      %mul3A_65 = arith.constant 2 : i32
      %mul3A_66 = arith.muli %add3A_31, %mul3A_65 : i32
      %add3A_67 = arith.constant 1 : i32
      %add3A_68 = arith.addi %mul3A_66, %add3A_67 : i32
      %add3A_69 = arith.constant 1 : i32
      %add3A_70 = arith.addi %add3A_68, %add3A_69 : i32
      %lt3A_71 = arith.constant 8 : i32
      %lt3A_72 = arith.cmpi slt, %add3A_70, %lt3A_71 : i32
      %convert_element_type3A_73 = arith.extui %lt3A_72 : i1 to i32
      %cond3A_74 = arith.constant 0 : i32
      %cond3A_75 = arith.cmpi ne, %convert_element_type3A_73, %cond3A_74 : i32
      scf.if %cond3A_75 {
        %add3A_102 = arith.constant 1 : i32
        %add3A_103 = arith.addi %add3A_68, %add3A_102 : i32
        %mul3A_104 = arith.constant 192 : i32
        %mul3A_105 = arith.muli %add3A_103, %mul3A_104 : i32
        %dma_start3A_106 = arith.constant 0 : i32
        %dma_start3A_107 = arith.constant 0 : i32
        %dma_start3A_108 = tpu.memref_slice %arg5[%dma_start3A_106, %dma_start3A_107] : memref<192x256xf32, #tpu.memory_space<vmem>> -> memref<192x256xf32, #tpu.memory_space<vmem>>
        %dma_start3A_109 = tpu.memref_slice %arg9[%mul3A_105] : memref<1536xi32, #tpu.memory_space<vmem>> -> memref<192xi32, #tpu.memory_space<vmem>>
        %dma_start3A_110 = arith.constant 0 : i32
        %dma_start3A_111 = arith.constant 0 : i32
        %dma_start3A_112 = tpu.memref_slice %arg2[%dma_start3A_110, %dma_start3A_111] : memref<1000x256xf32, #tpu.memory_space<hbm>> -> memref<1000x256xf32, #tpu.memory_space<hbm>>
        tpu.enqueue_indirect_dma source(%dma_start3A_112 : memref<1000x256xf32, #tpu.memory_space<hbm>>) target(%dma_start3A_108 : memref<192x256xf32, #tpu.memory_space<vmem>>) offsets(%dma_start3A_109 : memref<192xi32, #tpu.memory_space<vmem>>) semaphore(%arg10 : memref<!tpu.dma_semaphore, #tpu.memory_space<semaphore_mem>>)
      } else {
      }
      %mul3A_76 = arith.constant 192 : i32
      %mul3A_77 = arith.muli %add3A_68, %mul3A_76 : i32
      %dma_wait3A_78 = arith.constant 0 : i32
      %dma_wait3A_79 = arith.constant 0 : i32
      %dma_wait3A_80 = tpu.memref_slice %arg6[%dma_wait3A_78, %dma_wait3A_79] : memref<192x256xf32, #tpu.memory_space<vmem>> -> memref<192x256xf32, #tpu.memory_space<vmem>>
      %dma_wait3A_81 = tpu.memref_slice %arg9[%mul3A_77] : memref<1536xi32, #tpu.memory_space<vmem>> -> memref<192xi32, #tpu.memory_space<vmem>>
      %dma_wait3A_82 = arith.constant 0 : i32
      %dma_wait3A_83 = arith.constant 0 : i32
      %dma_wait3A_84 = tpu.memref_slice %arg2[%dma_wait3A_82, %dma_wait3A_83] : memref<1000x256xf32, #tpu.memory_space<hbm>> -> memref<1000x256xf32, #tpu.memory_space<hbm>>
      tpu.wait_indirect_dma semaphore(%arg11 : memref<!tpu.dma_semaphore, #tpu.memory_space<semaphore_mem>>) src(%dma_wait3A_84 : memref<1000x256xf32, #tpu.memory_space<hbm>>) dst(%dma_wait3A_80 : memref<192x256xf32, #tpu.memory_space<vmem>>)
      %ge3A_85 = arith.constant 2 : i32
      %ge3A_86 = arith.cmpi sge, %add3A_68, %ge3A_85 : i32
      %convert_element_type3A_87 = arith.extui %ge3A_86 : i1 to i32
      %cond3A_88 = arith.constant 0 : i32
      %cond3A_89 = arith.cmpi ne, %convert_element_type3A_87, %cond3A_88 : i32
      scf.if %cond3A_89 {
        %sub3A = arith.constant 2 : i32
        %sub3A_102 = arith.subi %add3A_68, %sub3A : i32
        %mul3A_103 = arith.constant 32 : i32
        %mul3A_104 = arith.muli %sub3A_102, %mul3A_103 : i32
        %add3A_105 = arith.addi %mul3A_4, %mul3A_104 : i32
        %dma_wait3A_106 = arith.constant 0 : i32
        %dma_wait3A_107 = tpu.memref_slice %arg4[%add3A_105, %dma_wait3A_106] : memref<8192x256xf32, #tpu.memory_space<hbm>> -> memref<32x256xf32, #tpu.memory_space<hbm>>
        %dma_wait3A_108 = arith.constant 0 : i32
        %dma_wait3A_109 = tpu.memref_slice %arg4[%add3A_105, %dma_wait3A_108] : memref<8192x256xf32, #tpu.memory_space<hbm>> -> memref<32x256xf32, #tpu.memory_space<hbm>>
        tpu.wait_dma2 semaphore(%arg13 : memref<!tpu.dma_semaphore, #tpu.memory_space<semaphore_mem>>) src(%arg8 : memref<32x256xf32, #tpu.memory_space<vmem>>) dst(%dma_wait3A_109 : memref<32x256xf32, #tpu.memory_space<hbm>>)
      } else {
      }
      %scan3A_90 = arith.constant 0 : i32
      %scan3A_91 = arith.constant 32 : i32
      %scan3A_92 = arith.addi %scan3A_90, %scan3A_91 : i32
      %scan3A_93 = arith.constant 1 : i32
      scf.for %scan3A_102 = %scan3A_90 to %scan3A_92 step %scan3A_93  : i32 {
        %mul3A_103 = arith.constant 1 : i32
        %mul3A_104 = arith.muli %scan3A_102, %mul3A_103 : i32
        %add3A_105 = arith.constant 0 : i32
        %add3A_106 = arith.addi %add3A_105, %mul3A_104 : i32
        %mul3A_107 = arith.constant 6 : i32
        %mul3A_108 = arith.muli %add3A_106, %mul3A_107 : i32
        %scan3A_109 = arith.constant 0 : i32
        %scan3A_110 = arith.constant 16 : i32
        %scan3A_111 = arith.addi %scan3A_109, %scan3A_110 : i32
        %scan3A_112 = arith.constant 1 : i32
        scf.for %scan3A_114 = %scan3A_109 to %scan3A_111 step %scan3A_112  : i32 {
          %mul3A_115 = arith.constant 1 : i32
          %mul3A_116 = arith.muli %scan3A_114, %mul3A_115 : i32
          %add3A_117 = arith.constant 0 : i32
          %add3A_118 = arith.addi %add3A_117, %mul3A_116 : i32
          %mul3A_119 = arith.constant 16 : i32
          %mul3A_120 = arith.muli %add3A_118, %mul3A_119 : i32
          %get3A = arith.index_cast %mul3A_108 : i32 to index
          %get3A_121 = arith.index_cast %mul3A_120 : i32 to index
          %get3A_122 = tpu.vector_load %arg6[%get3A, %get3A_121] {strides = array<i32>} : memref<192x256xf32, #tpu.memory_space<vmem>>, vector<1x16xf32>,
          %get3A_123 = vector.shape_cast %get3A_122 : vector<1x16xf32> to vector<16xf32>
          %add3A_124 = arith.constant 1 : i32
          %add3A_125 = arith.addi %mul3A_108, %add3A_124 : i32
          %mul3A_126 = arith.constant 16 : i32
          %mul3A_127 = arith.muli %add3A_118, %mul3A_126 : i32
          %get3A_128 = arith.index_cast %add3A_125 : i32 to index
          %get3A_129 = arith.index_cast %mul3A_127 : i32 to index
          %get3A_130 = tpu.vector_load %arg6[%get3A_128, %get3A_129] {strides = array<i32>} : memref<192x256xf32, #tpu.memory_space<vmem>>, vector<1x16xf32>,
          %get3A_131 = vector.shape_cast %get3A_130 : vector<1x16xf32> to vector<16xf32>
          %add3A_132 = arith.addf %get3A_123, %get3A_131 : vector<16xf32>
          %add3A_133 = arith.constant 2 : i32
          %add3A_134 = arith.addi %mul3A_108, %add3A_133 : i32
          %mul3A_135 = arith.constant 16 : i32
          %mul3A_136 = arith.muli %add3A_118, %mul3A_135 : i32
          %get3A_137 = arith.index_cast %add3A_134 : i32 to index
          %get3A_138 = arith.index_cast %mul3A_136 : i32 to index
          %get3A_139 = tpu.vector_load %arg6[%get3A_137, %get3A_138] {strides = array<i32>} : memref<192x256xf32, #tpu.memory_space<vmem>>, vector<1x16xf32>,
          %get3A_140 = vector.shape_cast %get3A_139 : vector<1x16xf32> to vector<16xf32>
          %add3A_141 = arith.addf %add3A_132, %get3A_140 : vector<16xf32>
          %add3A_142 = arith.constant 3 : i32
          %add3A_143 = arith.addi %mul3A_108, %add3A_142 : i32
          %mul3A_144 = arith.constant 16 : i32
          %mul3A_145 = arith.muli %add3A_118, %mul3A_144 : i32
          %get3A_146 = arith.index_cast %add3A_143 : i32 to index
          %get3A_147 = arith.index_cast %mul3A_145 : i32 to index
          %get3A_148 = tpu.vector_load %arg6[%get3A_146, %get3A_147] {strides = array<i32>} : memref<192x256xf32, #tpu.memory_space<vmem>>, vector<1x16xf32>,
          %get3A_149 = vector.shape_cast %get3A_148 : vector<1x16xf32> to vector<16xf32>
          %add3A_150 = arith.addf %add3A_141, %get3A_149 : vector<16xf32>
          %add3A_151 = arith.constant 4 : i32
          %add3A_152 = arith.addi %mul3A_108, %add3A_151 : i32
          %mul3A_153 = arith.constant 16 : i32
          %mul3A_154 = arith.muli %add3A_118, %mul3A_153 : i32
          %get3A_155 = arith.index_cast %add3A_152 : i32 to index
          %get3A_156 = arith.index_cast %mul3A_154 : i32 to index
          %get3A_157 = tpu.vector_load %arg6[%get3A_155, %get3A_156] {strides = array<i32>} : memref<192x256xf32, #tpu.memory_space<vmem>>, vector<1x16xf32>,
          %get3A_158 = vector.shape_cast %get3A_157 : vector<1x16xf32> to vector<16xf32>
          %add3A_159 = arith.addf %add3A_150, %get3A_158 : vector<16xf32>
          %add3A_160 = arith.constant 5 : i32
          %add3A_161 = arith.addi %mul3A_108, %add3A_160 : i32
          %mul3A_162 = arith.constant 16 : i32
          %mul3A_163 = arith.muli %add3A_118, %mul3A_162 : i32
          %get3A_164 = arith.index_cast %add3A_161 : i32 to index
          %get3A_165 = arith.index_cast %mul3A_163 : i32 to index
          %get3A_166 = tpu.vector_load %arg6[%get3A_164, %get3A_165] {strides = array<i32>} : memref<192x256xf32, #tpu.memory_space<vmem>>, vector<1x16xf32>,
          %get3A_167 = vector.shape_cast %get3A_166 : vector<1x16xf32> to vector<16xf32>
          %add3A_168 = arith.addf %add3A_159, %get3A_167 : vector<16xf32>
          %mul3A_169 = arith.constant 16 : i32
          %mul3A_170 = arith.muli %add3A_118, %mul3A_169 : i32
          %swap3A = arith.index_cast %add3A_106 : i32 to index
          %swap3A_171 = arith.index_cast %mul3A_170 : i32 to index
          %swap3A_172 = tpu.vector_load %arg8[%swap3A, %swap3A_171] {strides = array<i32>} : memref<32x256xf32, #tpu.memory_space<vmem>>, vector<1x16xf32>,
          %swap3A_173 = vector.shape_cast %swap3A_172 : vector<1x16xf32> to vector<16xf32>
          %swap3A_174 = vector.shape_cast %add3A_168 : vector<16xf32> to vector<1x16xf32>
          tpu.vector_store %arg8[%swap3A, %swap3A_171], %swap3A_174 {strides = array<i32>} : memref<32x256xf32, #tpu.memory_space<vmem>>, vector<1x16xf32>,
        }
        %scan3A_113 = arith.constant 16 : i32
      }
      %scan3A_94 = arith.constant 32 : i32
      %mul3A_95 = arith.constant 32 : i32
      %mul3A_96 = arith.muli %add3A_68, %mul3A_95 : i32
      %add3A_97 = arith.addi %mul3A_4, %mul3A_96 : i32
      %dma_start3A_98 = arith.constant 0 : i32
      %dma_start3A_99 = tpu.memref_slice %arg4[%add3A_97, %dma_start3A_98] : memref<8192x256xf32, #tpu.memory_space<hbm>> -> memref<32x256xf32, #tpu.memory_space<hbm>>
      %dma_start3A_100 = arith.constant 0 : i32
      %dma_start3A_101 = tpu.memref_slice %arg4[%add3A_97, %dma_start3A_100] : memref<8192x256xf32, #tpu.memory_space<hbm>> -> memref<32x256xf32, #tpu.memory_space<hbm>>
      tpu.enqueue_dma source(%arg8 : memref<32x256xf32, #tpu.memory_space<vmem>>) target(%dma_start3A_101 : memref<32x256xf32, #tpu.memory_space<hbm>>) target_semaphore(%arg13 : memref<!tpu.dma_semaphore, #tpu.memory_space<semaphore_mem>>)
    }
    %scan3A_15 = arith.constant 4 : i32
    %add3A_16 = arith.constant 192 : i32
    %add3A_17 = arith.addi %mul3A_4, %add3A_16 : i32
    %dma_wait3A = arith.constant 0 : i32
    %dma_wait3A_18 = tpu.memref_slice %arg4[%add3A_17, %dma_wait3A] : memref<8192x256xf32, #tpu.memory_space<hbm>> -> memref<32x256xf32, #tpu.memory_space<hbm>>
    %dma_wait3A_19 = arith.constant 0 : i32
    %dma_wait3A_20 = tpu.memref_slice %arg4[%add3A_17, %dma_wait3A_19] : memref<8192x256xf32, #tpu.memory_space<hbm>> -> memref<32x256xf32, #tpu.memory_space<hbm>>
    tpu.wait_dma2 semaphore(%arg12 : memref<!tpu.dma_semaphore, #tpu.memory_space<semaphore_mem>>) src(%arg7 : memref<32x256xf32, #tpu.memory_space<vmem>>) dst(%dma_wait3A_20 : memref<32x256xf32, #tpu.memory_space<hbm>>)
    %add3A_21 = arith.constant 224 : i32
    %add3A_22 = arith.addi %mul3A_4, %add3A_21 : i32
    %dma_wait3A_23 = arith.constant 0 : i32
    %dma_wait3A_24 = tpu.memref_slice %arg4[%add3A_22, %dma_wait3A_23] : memref<8192x256xf32, #tpu.memory_space<hbm>> -> memref<32x256xf32, #tpu.memory_space<hbm>>
    %dma_wait3A_25 = arith.constant 0 : i32
    %dma_wait3A_26 = tpu.memref_slice %arg4[%add3A_22, %dma_wait3A_25] : memref<8192x256xf32, #tpu.memory_space<hbm>> -> memref<32x256xf32, #tpu.memory_space<hbm>>
    tpu.wait_dma2 semaphore(%arg13 : memref<!tpu.dma_semaphore, #tpu.memory_space<semaphore_mem>>) src(%arg8 : memref<32x256xf32, #tpu.memory_space<vmem>>) dst(%dma_wait3A_26 : memref<32x256xf32, #tpu.memory_space<hbm>>)
    return
  }
}

module attributes {stable_mosaic.version = 14 : i64} {
  func.func @_tb_body(%arg0: i32, %arg1: memref<512x256xf32, #tpu.memory_space<vmem>>, %arg2: memref<256x1028xbf16, #tpu.memory_space<vmem>>, %arg3: memref<1x1028xf32, #tpu.memory_space<vmem>>, %arg4: memref<1x1x512xi32, #tpu.memory_space<vmem>>, %arg5: memref<1x1x512xi32, #tpu.memory_space<vmem>>, %arg6: memref<32x1028xbf16, #tpu.memory_space<vmem>>, %arg7: memref<1028x1028xbf16, #tpu.memory_space<vmem>>, %arg8: memref<1x1028xf32, #tpu.memory_space<vmem>>, %arg9: memref<1028x1028xbf16, #tpu.memory_space<vmem>>, %arg10: memref<1x1028xf32, #tpu.memory_space<vmem>>, %arg11: memref<512x1028xf32, #tpu.memory_space<vmem>>, %arg12: memref<512x1028xf32, #tpu.memory_space<vmem>>) attributes {dimension_semantics = [#tpu.dimension_semantics<arbitrary>], iteration_bounds = array<i64: 8>, scalar_prefetch = 0 : i64, scratch_operands = 0 : i64, tpu.core_type = #tpu.core_type<tc>, window_params = [{transform_indices = @transform_0, window_bounds = array<i64: 512, 256>}, {pipeline_mode = #tpu.pipeline_mode<synchronous>, transform_indices = @transform_1, window_bounds = array<i64: 256, 1028>}, {pipeline_mode = #tpu.pipeline_mode<synchronous>, transform_indices = @transform_2, window_bounds = array<i64: 1, 1028>}, {transform_indices = @transform_3, window_bounds = array<i64: 1, 1, 512>}, {transform_indices = @transform_4, window_bounds = array<i64: 1, 1, 512>}, {pipeline_mode = #tpu.pipeline_mode<synchronous>, transform_indices = @transform_5, window_bounds = array<i64: 32, 1028>}, {pipeline_mode = #tpu.pipeline_mode<synchronous>, transform_indices = @transform_6, window_bounds = array<i64: 1028, 1028>}, {pipeline_mode = #tpu.pipeline_mode<synchronous>, transform_indices = @transform_7, window_bounds = array<i64: 1, 1028>}, {pipeline_mode = #tpu.pipeline_mode<synchronous>, transform_indices = @transform_8, window_bounds = array<i64: 1028, 1028>}, {pipeline_mode = #tpu.pipeline_mode<synchronous>, transform_indices = @transform_9, window_bounds = array<i64: 1, 1028>}, {transform_indices = @transform_10, window_bounds = array<i64: 512, 1028>}, {transform_indices = @transform_11, window_bounds = array<i64: 512, 1028>}]} {
    %get3A = arith.constant 0 : index
    %get3A_0 = arith.constant 0 : index
    %get3A_1 = vector.load %arg1[%get3A, %get3A_0] : memref<512x256xf32, #tpu.memory_space<vmem>>, vector<512x256xf32>
    %convert_element_type3A = arith.truncf %get3A_1 : vector<512x256xf32> to vector<512x256xbf16>
    %get3A_2 = arith.constant 0 : index
    %get3A_3 = arith.constant 0 : index
    %get3A_4 = vector.load %arg2[%get3A_2, %get3A_3] : memref<256x1028xbf16, #tpu.memory_space<vmem>>, vector<256x1028xbf16>
    %dot_general3A = arith.constant dense<0.000000e+00> : vector<512x1028xf32>
    %dot_general3A_5 = tpu.matmul %convert_element_type3A, %get3A_4, %dot_general3A {dimension_numbers = #tpu.dot_dimension_numbers<[1], [0], [0], [1], [0, 0, 1, 1], [], []>, transpose_lhs_hint = false} : vector<512x256xbf16>, vector<256x1028xbf16>, vector<512x1028xf32> -> vector<512x1028xf32>
    %get3A_6 = arith.constant 0 : index
    %get3A_7 = arith.constant 0 : index
    %get3A_8 = vector.load %arg3[%get3A_6, %get3A_7] : memref<1x1028xf32, #tpu.memory_space<vmem>>, vector<1x1028xf32>
    %add3A = vector.broadcast %get3A_8 : vector<1x1028xf32> to vector<512x1028xf32>
    %add3A_9 = arith.addf %dot_general3A_5, %add3A : vector<512x1028xf32>
    %max3A = arith.constant 0.000000e+00 : f32
    %max3A_10 = vector.broadcast %max3A : f32 to vector<512x1028xf32>
    %max3A_11 = arith.maximumf %add3A_9, %max3A_10 : vector<512x1028xf32>
    %get3A_12 = arith.constant 0 : index
    %get3A_13 = arith.constant 0 : index
    %get3A_14 = arith.constant 0 : index
    %get3A_15 = vector.load %arg4[%get3A_12, %get3A_13, %get3A_14] : memref<1x1x512xi32, #tpu.memory_space<vmem>>, vector<1x1x512xi32>
    %get3A_16 = vector.shape_cast %get3A_15 : vector<1x1x512xi32> to vector<512xi32>
    %broadcast_in_dim3A = vector.shape_cast %get3A_16 : vector<512xi32> to vector<512x1xi32>
    %iota3A = tpu.iota {dimensions = array<i32: 1>} : vector<512x32xi32>
    %eq3A = vector.broadcast %broadcast_in_dim3A : vector<512x1xi32> to vector<512x32xi32>
    %eq3A_17 = arith.cmpi eq, %eq3A, %iota3A : vector<512x32xi32>
    %convert_element_type3A_18 = arith.extui %eq3A_17 : vector<512x32xi1> to vector<512x32xi32>
    %convert_element_type3A_19 = arith.sitofp %convert_element_type3A_18 : vector<512x32xi32> to vector<512x32xf32>
    %convert_element_type3A_20 = arith.truncf %convert_element_type3A_19 : vector<512x32xf32> to vector<512x32xbf16>
    %get3A_21 = arith.constant 0 : index
    %get3A_22 = arith.constant 0 : index
    %get3A_23 = vector.load %arg6[%get3A_21, %get3A_22] : memref<32x1028xbf16, #tpu.memory_space<vmem>>, vector<32x1028xbf16>
    %dot_general3A_24 = arith.constant dense<0.000000e+00> : vector<512x1028xf32>
    %dot_general3A_25 = tpu.matmul %convert_element_type3A_20, %get3A_23, %dot_general3A_24 {dimension_numbers = #tpu.dot_dimension_numbers<[1], [0], [0], [1], [0, 0, 1, 1], [], []>, transpose_lhs_hint = false} : vector<512x32xbf16>, vector<32x1028xbf16>, vector<512x1028xf32> -> vector<512x1028xf32>
    %add3A_26 = arith.addf %max3A_11, %dot_general3A_25 : vector<512x1028xf32>
    %get3A_27 = arith.constant 0 : index
    %get3A_28 = arith.constant 0 : index
    %get3A_29 = arith.constant 0 : index
    %get3A_30 = vector.load %arg5[%get3A_27, %get3A_28, %get3A_29] : memref<1x1x512xi32, #tpu.memory_space<vmem>>, vector<1x1x512xi32>
    %get3A_31 = vector.shape_cast %get3A_30 : vector<1x1x512xi32> to vector<512xi32>
    %broadcast_in_dim3A_32 = vector.shape_cast %get3A_31 : vector<512xi32> to vector<512x1xi32>
    %convert_element_type3A_33 = arith.sitofp %broadcast_in_dim3A_32 : vector<512x1xi32> to vector<512x1xf32>
    %mul3A = vector.broadcast %convert_element_type3A_33 : vector<512x1xf32> to vector<512x1028xf32>
    %mul3A_34 = arith.mulf %add3A_26, %mul3A : vector<512x1028xf32>
    %swap3A = arith.constant 0 : index
    %swap3A_35 = arith.constant 0 : index
    %swap3A_36 = vector.load %arg11[%swap3A, %swap3A_35] : memref<512x1028xf32, #tpu.memory_space<vmem>>, vector<512x1028xf32>
    tpu.vector_store %arg11[%swap3A, %swap3A_35], %mul3A_34 {strides = array<i32>} : memref<512x1028xf32, #tpu.memory_space<vmem>>, vector<512x1028xf32>,
    %convert_element_type3A_37 = arith.truncf %mul3A_34 : vector<512x1028xf32> to vector<512x1028xbf16>
    %get3A_38 = arith.constant 0 : index
    %get3A_39 = arith.constant 0 : index
    %get3A_40 = vector.load %arg7[%get3A_38, %get3A_39] : memref<1028x1028xbf16, #tpu.memory_space<vmem>>, vector<1028x1028xbf16>
    %dot_general3A_41 = arith.constant dense<0.000000e+00> : vector<512x1028xf32>
    %dot_general3A_42 = tpu.matmul %convert_element_type3A_37, %get3A_40, %dot_general3A_41 {dimension_numbers = #tpu.dot_dimension_numbers<[1], [0], [0], [1], [0, 0, 1, 1], [], []>, transpose_lhs_hint = false} : vector<512x1028xbf16>, vector<1028x1028xbf16>, vector<512x1028xf32> -> vector<512x1028xf32>
    %get3A_43 = arith.constant 0 : index
    %get3A_44 = arith.constant 0 : index
    %get3A_45 = vector.load %arg8[%get3A_43, %get3A_44] : memref<1x1028xf32, #tpu.memory_space<vmem>>, vector<1x1028xf32>
    %add3A_46 = vector.broadcast %get3A_45 : vector<1x1028xf32> to vector<512x1028xf32>
    %add3A_47 = arith.addf %dot_general3A_42, %add3A_46 : vector<512x1028xf32>
    %max3A_48 = arith.constant 0.000000e+00 : f32
    %max3A_49 = vector.broadcast %max3A_48 : f32 to vector<512x1028xf32>
    %max3A_50 = arith.maximumf %add3A_47, %max3A_49 : vector<512x1028xf32>
    %convert_element_type3A_51 = arith.truncf %max3A_50 : vector<512x1028xf32> to vector<512x1028xbf16>
    %get3A_52 = arith.constant 0 : index
    %get3A_53 = arith.constant 0 : index
    %get3A_54 = vector.load %arg9[%get3A_52, %get3A_53] : memref<1028x1028xbf16, #tpu.memory_space<vmem>>, vector<1028x1028xbf16>
    %dot_general3A_55 = arith.constant dense<0.000000e+00> : vector<512x1028xf32>
    %dot_general3A_56 = tpu.matmul %convert_element_type3A_51, %get3A_54, %dot_general3A_55 {dimension_numbers = #tpu.dot_dimension_numbers<[1], [0], [0], [1], [0, 0, 1, 1], [], []>, transpose_lhs_hint = false} : vector<512x1028xbf16>, vector<1028x1028xbf16>, vector<512x1028xf32> -> vector<512x1028xf32>
    %get3A_57 = arith.constant 0 : index
    %get3A_58 = arith.constant 0 : index
    %get3A_59 = vector.load %arg10[%get3A_57, %get3A_58] : memref<1x1028xf32, #tpu.memory_space<vmem>>, vector<1x1028xf32>
    %add3A_60 = vector.broadcast %get3A_59 : vector<1x1028xf32> to vector<512x1028xf32>
    %add3A_61 = arith.addf %dot_general3A_56, %add3A_60 : vector<512x1028xf32>
    %max3A_62 = arith.constant 0.000000e+00 : f32
    %max3A_63 = vector.broadcast %max3A_62 : f32 to vector<512x1028xf32>
    %max3A_64 = arith.maximumf %add3A_61, %max3A_63 : vector<512x1028xf32>
    %swap3A_65 = arith.constant 0 : index
    %swap3A_66 = arith.constant 0 : index
    %swap3A_67 = vector.load %arg12[%swap3A_65, %swap3A_66] : memref<512x1028xf32, #tpu.memory_space<vmem>>, vector<512x1028xf32>
    tpu.vector_store %arg12[%swap3A_65, %swap3A_66], %max3A_64 {strides = array<i32>} : memref<512x1028xf32, #tpu.memory_space<vmem>>, vector<512x1028xf32>,
    return
  }
  func.func @transform_0(%arg0: i32) -> (i32, i32) {
    %c0_i32 = arith.constant 0 : i32
    %c0_i32_0 = arith.constant 0 : i32
    return %arg0, %c0_i32 : i32, i32
  }
  func.func @transform_1(%arg0: i32) -> (i32, i32) {
    %c0_i32 = arith.constant 0 : i32
    %c0_i32_0 = arith.constant 0 : i32
    %c0_i32_1 = arith.constant 0 : i32
    return %c0_i32, %c0_i32_0 : i32, i32
  }
  func.func @transform_2(%arg0: i32) -> (i32, i32) {
    %c0_i32 = arith.constant 0 : i32
    %c0_i32_0 = arith.constant 0 : i32
    %c0_i32_1 = arith.constant 0 : i32
    return %c0_i32, %c0_i32_0 : i32, i32
  }
  func.func @transform_3(%arg0: i32) -> (i32, i32, i32) {
    %c0_i32 = arith.constant 0 : i32
    %c0_i32_0 = arith.constant 0 : i32
    %c0_i32_1 = arith.constant 0 : i32
    return %arg0, %c0_i32, %c0_i32_0 : i32, i32, i32
  }
  func.func @transform_4(%arg0: i32) -> (i32, i32, i32) {
    %c0_i32 = arith.constant 0 : i32
    %c0_i32_0 = arith.constant 0 : i32
    %c0_i32_1 = arith.constant 0 : i32
    return %arg0, %c0_i32, %c0_i32_0 : i32, i32, i32
  }
  func.func @transform_5(%arg0: i32) -> (i32, i32) {
    %c0_i32 = arith.constant 0 : i32
    %c0_i32_0 = arith.constant 0 : i32
    %c0_i32_1 = arith.constant 0 : i32
    return %c0_i32, %c0_i32_0 : i32, i32
  }
  func.func @transform_6(%arg0: i32) -> (i32, i32) {
    %c0_i32 = arith.constant 0 : i32
    %c0_i32_0 = arith.constant 0 : i32
    %c0_i32_1 = arith.constant 0 : i32
    return %c0_i32, %c0_i32_0 : i32, i32
  }
  func.func @transform_7(%arg0: i32) -> (i32, i32) {
    %c0_i32 = arith.constant 0 : i32
    %c0_i32_0 = arith.constant 0 : i32
    %c0_i32_1 = arith.constant 0 : i32
    return %c0_i32, %c0_i32_0 : i32, i32
  }
  func.func @transform_8(%arg0: i32) -> (i32, i32) {
    %c0_i32 = arith.constant 0 : i32
    %c0_i32_0 = arith.constant 0 : i32
    %c0_i32_1 = arith.constant 0 : i32
    return %c0_i32, %c0_i32_0 : i32, i32
  }
  func.func @transform_9(%arg0: i32) -> (i32, i32) {
    %c0_i32 = arith.constant 0 : i32
    %c0_i32_0 = arith.constant 0 : i32
    %c0_i32_1 = arith.constant 0 : i32
    return %c0_i32, %c0_i32_0 : i32, i32
  }
  func.func @transform_10(%arg0: i32) -> (i32, i32) {
    %c0_i32 = arith.constant 0 : i32
    %c0_i32_0 = arith.constant 0 : i32
    return %arg0, %c0_i32 : i32, i32
  }
  func.func @transform_11(%arg0: i32) -> (i32, i32) {
    %c0_i32 = arith.constant 0 : i32
    %c0_i32_0 = arith.constant 0 : i32
    return %arg0, %c0_i32 : i32, i32
  }
}

module attributes {stable_mosaic.version = 14 : i64} {
  func.func @_ta_body(%arg0: i32, %arg1: memref<1x256x256xf32, #tpu.memory_space<vmem>>, %arg2: memref<256x256xf32, #tpu.memory_space<vmem>>, %arg3: memref<1x256xf32, #tpu.memory_space<vmem>>, %arg4: memref<1x1x64xi32, #tpu.memory_space<vmem>>, %arg5: memref<1x1x64xi32, #tpu.memory_space<vmem>>, %arg6: memref<1x256xf32, #tpu.memory_space<vmem>>, %arg7: memref<1x256x256xf32, #tpu.memory_space<vmem>>, %arg8: memref<1x64x256xf32, #tpu.memory_space<vmem>>) attributes {dimension_semantics = [#tpu.dimension_semantics<arbitrary>], iteration_bounds = array<i64: 32>, scalar_prefetch = 0 : i64, scratch_operands = 0 : i64, tpu.core_type = #tpu.core_type<tc>, window_params = [{transform_indices = @transform_0, window_bounds = array<i64: 1, 256, 256>}, {pipeline_mode = #tpu.pipeline_mode<synchronous>, transform_indices = @transform_1, window_bounds = array<i64: 256, 256>}, {pipeline_mode = #tpu.pipeline_mode<synchronous>, transform_indices = @transform_2, window_bounds = array<i64: 1, 256>}, {transform_indices = @transform_3, window_bounds = array<i64: 1, 1, 64>}, {transform_indices = @transform_4, window_bounds = array<i64: 1, 1, 64>}, {pipeline_mode = #tpu.pipeline_mode<synchronous>, transform_indices = @transform_5, window_bounds = array<i64: 1, 256>}, {transform_indices = @transform_6, window_bounds = array<i64: 1, 256, 256>}, {transform_indices = @transform_7, window_bounds = array<i64: 1, 64, 256>}]} {
    %get3A = arith.constant 0 : index
    %get3A_0 = arith.constant 0 : index
    %get3A_1 = arith.constant 0 : index
    %get3A_2 = vector.load %arg1[%get3A, %get3A_0, %get3A_1] : memref<1x256x256xf32, #tpu.memory_space<vmem>>, vector<1x256x256xf32>
    %get3A_3 = vector.shape_cast %get3A_2 : vector<1x256x256xf32> to vector<256x256xf32>
    %get3A_4 = arith.constant 0 : index
    %get3A_5 = arith.constant 0 : index
    %get3A_6 = vector.load %arg2[%get3A_4, %get3A_5] : memref<256x256xf32, #tpu.memory_space<vmem>>, vector<256x256xf32>
    %dot_general3A = arith.constant dense<0.000000e+00> : vector<256x256xf32>
    %dot_general3A_7 = tpu.matmul %get3A_3, %get3A_6, %dot_general3A {dimension_numbers = #tpu.dot_dimension_numbers<[1], [0], [0], [1], [0, 0, 1, 1], [], []>, transpose_lhs_hint = false} : vector<256x256xf32>, vector<256x256xf32>, vector<256x256xf32> -> vector<256x256xf32>
    %get3A_8 = arith.constant 0 : index
    %get3A_9 = arith.constant 0 : index
    %get3A_10 = vector.load %arg3[%get3A_8, %get3A_9] : memref<1x256xf32, #tpu.memory_space<vmem>>, vector<1x256xf32>
    %add3A = vector.broadcast %get3A_10 : vector<1x256xf32> to vector<256x256xf32>
    %add3A_11 = arith.addf %dot_general3A_7, %add3A : vector<256x256xf32>
    %tanh3A = math.tanh %add3A_11 : vector<256x256xf32>
    %swap3A = arith.constant 0 : index
    %swap3A_12 = arith.constant 0 : index
    %swap3A_13 = arith.constant 0 : index
    %swap3A_14 = vector.load %arg7[%swap3A, %swap3A_12, %swap3A_13] : memref<1x256x256xf32, #tpu.memory_space<vmem>>, vector<1x256x256xf32>
    %swap3A_15 = vector.shape_cast %swap3A_14 : vector<1x256x256xf32> to vector<256x256xf32>
    %swap3A_16 = vector.shape_cast %tanh3A : vector<256x256xf32> to vector<1x256x256xf32>
    tpu.vector_store %arg7[%swap3A, %swap3A_12, %swap3A_13], %swap3A_16 {strides = array<i32>} : memref<1x256x256xf32, #tpu.memory_space<vmem>>, vector<1x256x256xf32>,
    %get3A_17 = arith.constant 0 : index
    %get3A_18 = arith.constant 0 : index
    %get3A_19 = arith.constant 0 : index
    %get3A_20 = vector.load %arg4[%get3A_17, %get3A_18, %get3A_19] : memref<1x1x64xi32, #tpu.memory_space<vmem>>, vector<1x1x64xi32>
    %get3A_21 = vector.shape_cast %get3A_20 : vector<1x1x64xi32> to vector<64xi32>
    %broadcast_in_dim3A = vector.shape_cast %get3A_21 : vector<64xi32> to vector<64x1xi32>
    %iota3A = tpu.iota {dimensions = array<i32: 1>} : vector<64x256xi32>
    %eq3A = vector.broadcast %broadcast_in_dim3A : vector<64x1xi32> to vector<64x256xi32>
    %eq3A_22 = arith.cmpi eq, %eq3A, %iota3A : vector<64x256xi32>
    %convert_element_type3A = arith.extui %eq3A_22 : vector<64x256xi1> to vector<64x256xi32>
    %convert_element_type3A_23 = arith.sitofp %convert_element_type3A : vector<64x256xi32> to vector<64x256xf32>
    %dot_general3A_24 = arith.constant dense<0.000000e+00> : vector<64x256xf32>
    %dot_general3A_25 = tpu.matmul %convert_element_type3A_23, %tanh3A, %dot_general3A_24 {dimension_numbers = #tpu.dot_dimension_numbers<[1], [0], [0], [1], [0, 0, 1, 1], [], []>, transpose_lhs_hint = false} : vector<64x256xf32>, vector<256x256xf32>, vector<64x256xf32> -> vector<64x256xf32>
    %get3A_26 = arith.constant 0 : index
    %get3A_27 = arith.constant 0 : index
    %get3A_28 = arith.constant 0 : index
    %get3A_29 = vector.load %arg5[%get3A_26, %get3A_27, %get3A_28] : memref<1x1x64xi32, #tpu.memory_space<vmem>>, vector<1x1x64xi32>
    %get3A_30 = vector.shape_cast %get3A_29 : vector<1x1x64xi32> to vector<64xi32>
    %broadcast_in_dim3A_31 = vector.shape_cast %get3A_30 : vector<64xi32> to vector<64x1xi32>
    %gt3A = arith.constant 0 : i32
    %gt3A_32 = vector.broadcast %gt3A : i32 to vector<64x1xi32>
    %gt3A_33 = arith.cmpi sgt, %broadcast_in_dim3A_31, %gt3A_32 : vector<64x1xi32>
    %get3A_34 = arith.constant 0 : index
    %get3A_35 = arith.constant 0 : index
    %get3A_36 = vector.load %arg6[%get3A_34, %get3A_35] : memref<1x256xf32, #tpu.memory_space<vmem>>, vector<1x256xf32>
    %broadcast_in_dim3A_37 = vector.shape_cast %gt3A_33 : vector<64x1xi1> to vector<64x1xi1>
    %broadcast_in_dim3A_38 = vector.broadcast %broadcast_in_dim3A_37 : vector<64x1xi1> to vector<64x256xi1>
    %broadcast_in_dim3A_39 = vector.shape_cast %get3A_36 : vector<1x256xf32> to vector<1x256xf32>
    %broadcast_in_dim3A_40 = vector.broadcast %broadcast_in_dim3A_39 : vector<1x256xf32> to vector<64x256xf32>
    %select_n3A = arith.select %broadcast_in_dim3A_38, %dot_general3A_25, %broadcast_in_dim3A_40 : vector<64x256xi1>, vector<64x256xf32>
    %swap3A_41 = arith.constant 0 : index
    %swap3A_42 = arith.constant 0 : index
    %swap3A_43 = arith.constant 0 : index
    %swap3A_44 = vector.load %arg8[%swap3A_41, %swap3A_42, %swap3A_43] : memref<1x64x256xf32, #tpu.memory_space<vmem>>, vector<1x64x256xf32>
    %swap3A_45 = vector.shape_cast %swap3A_44 : vector<1x64x256xf32> to vector<64x256xf32>
    %swap3A_46 = vector.shape_cast %select_n3A : vector<64x256xf32> to vector<1x64x256xf32>
    tpu.vector_store %arg8[%swap3A_41, %swap3A_42, %swap3A_43], %swap3A_46 {strides = array<i32>} : memref<1x64x256xf32, #tpu.memory_space<vmem>>, vector<1x64x256xf32>,
    return
  }
  func.func @transform_0(%arg0: i32) -> (i32, i32, i32) {
    %c0_i32 = arith.constant 0 : i32
    %c0_i32_0 = arith.constant 0 : i32
    %c0_i32_1 = arith.constant 0 : i32
    return %arg0, %c0_i32, %c0_i32_0 : i32, i32, i32
  }
  func.func @transform_1(%arg0: i32) -> (i32, i32) {
    %c0_i32 = arith.constant 0 : i32
    %c0_i32_0 = arith.constant 0 : i32
    %c0_i32_1 = arith.constant 0 : i32
    return %c0_i32, %c0_i32_0 : i32, i32
  }
  func.func @transform_2(%arg0: i32) -> (i32, i32) {
    %c0_i32 = arith.constant 0 : i32
    %c0_i32_0 = arith.constant 0 : i32
    %c0_i32_1 = arith.constant 0 : i32
    return %c0_i32, %c0_i32_0 : i32, i32
  }
  func.func @transform_3(%arg0: i32) -> (i32, i32, i32) {
    %c0_i32 = arith.constant 0 : i32
    %c0_i32_0 = arith.constant 0 : i32
    %c0_i32_1 = arith.constant 0 : i32
    return %arg0, %c0_i32, %c0_i32_0 : i32, i32, i32
  }
  func.func @transform_4(%arg0: i32) -> (i32, i32, i32) {
    %c0_i32 = arith.constant 0 : i32
    %c0_i32_0 = arith.constant 0 : i32
    %c0_i32_1 = arith.constant 0 : i32
    return %arg0, %c0_i32, %c0_i32_0 : i32, i32, i32
  }
  func.func @transform_5(%arg0: i32) -> (i32, i32) {
    %c0_i32 = arith.constant 0 : i32
    %c0_i32_0 = arith.constant 0 : i32
    %c0_i32_1 = arith.constant 0 : i32
    return %c0_i32, %c0_i32_0 : i32, i32
  }
  func.func @transform_6(%arg0: i32) -> (i32, i32, i32) {
    %c0_i32 = arith.constant 0 : i32
    %c0_i32_0 = arith.constant 0 : i32
    %c0_i32_1 = arith.constant 0 : i32
    return %arg0, %c0_i32, %c0_i32_0 : i32, i32, i32
  }
  func.func @transform_7(%arg0: i32) -> (i32, i32, i32) {
    %c0_i32 = arith.constant 0 : i32
    %c0_i32_0 = arith.constant 0 : i32
    %c0_i32_1 = arith.constant 0 : i32
    return %arg0, %c0_i32, %c0_i32_0 : i32, i32, i32
  }
}

</mosaic_0001>

<sc_bundles>
// kernel: kernel.6.cloned.1.call-start
scs
__scs_entry_jumppad:
0x0: {  	(pc) =	sbr.rel $0x88, $3  }
0x1: {  	(tag) =	ssettag $0x0;
	lr =	simm.s32 $0x1  }
0x2: {  	[smem:$0x3F8F] =	sst lr;
	_ =	strace $0xD0000000  }
0x3: {  	_ = 	snop  }
0x4: {  	_ = 	snop  }
0x5: {  	_ = 	snop  }
0x6: {  	_ = 	snop  }
0x7: {  	_ = 	snop  }
__scs_overlays_trampoline_lowered:
0x8: {  	[smem:$0x3F9E] =	sst s0  }
0x9: {  	[smem:$0x3F9F] =	sst s1  }
0xa: {  	[smem:$0x3FA0] =	sst s2  }
0xb: {  	[smem:$0x3FA1] =	sst s3  }
0xc: {  	[smem:$0x3FA2] =	sst s4  }
0xd: {  	[smem:$0x3FA3] =	sst s5  }
0xe: {  	[smem:$0x3FA4] =	sst s6  }
0xf: {  	[smem:$0x3FA5] =	sst s7  }
0x10: {  	[smem:$0x3FA6] =	sst s8  }
0x11: {  	[smem:$0x3FA7] =	sst s9;
	s0 =	simm.s32 @!p0 $0x0  }
0x12: {  	s1 =	sld [smem:$0x3F8D];
	s0 =	simm.s32 @p0 $0x1  }
0x13: {  	[smem:$0x3FA8] =	sst s0;
	s0 =	simm.s32 @!p1 $0x0  }
0x14: {  	s2 =	sld [smem:$0x3F8C];
	s0 =	simm.s32 @p1 $0x1  }
0x15: {  	[smem:$0x3FA9] =	sst s0;
	s0 =	simm.s32 @!p2 $0x0  }
0x16: {  	s3 =	sld [smem:$0x3FDB];
	s0 =	simm.s32 @p2 $0x1  }
0x17: {  	s4 =	simm.s32 $0x1BF5;
	[smem:$0x3FAB] =	sst s0  }
0x18: {  	s0 =	sld [smem:$0x3F8E];
	_ =	swait.ge [sflag:s4], $0x0  }
0x19: {  	s7 =	sld [smem:$0x3F8F]  }
0x1a: {  	s8 =	sadd.s32 $0xFFFFE003, lr  }
0x1b: {  	s9 =	sadd.s32 $0xFFFFFEF7, lr;
	s5 =	simm.s32 $0xFFFFFFFF;
	p2 =	slt.u32 s8, $0xFFFFF086  }
0x1c: {  	p1 =	slt.u32 s9, $0xF7A;
	s5 =	simm.s32 @!p2 $0x0  }
0x1d: {  	s5 =	simm.s32 @p1 $0x1;
	p0 =	seq.s32 s7, s2  }
0x1e: {  	s7 =	smul.u32 @!p0 $0xF7A, s2;
	p2 =	seq.s32 @!p0 s5, $0x0  }
0x1f: {  	s9 =	smul.u32 $0xF7A, s1;
	s8 =	simm.s32 @!p0 $0x1BF5;
	p2 =	por !p2, p0  }
0x20: {  	[sflag:s8] =	ssyncset.s32 @!p0 $0xFFFFF086;
	s6 =	sadd.s32 @!p0 s3, s7;
	s7 =	simm.s32 @!p0 $0x108  }
0x21: {  	s3 =	sadd.s32 s3, s9;
	s6 =	sadd.s32 @!p0 $0x88, s6;
	s7 =	simm.s32 @p2 $0x1082  }
0x22: {  	[simem:s7], [sflag:s8] =	dma.local @!p0 [hbm:s6], $0xF7A  }
0x23: {  	s9 =	sor.u32 $0xD0000000, s2;
	s6 =	simm.s32 $0x108;
	_ =	swait.ge @!p0 [sflag:s8], $0x0  }
0x24: {  	s3 =	sadd.s32 $0x88, s3;
	s6 =	simm.s32 @!p1 $0x1082;
	[sflag:s4] =	ssyncset.s32 $0xFFFFF086  }
0x25: {  	[simem:s6], [sflag:s4] =	dma.local [hbm:s3], $0xF7A  }
0x26: {  	[smem:$0x3F8F] =	sst s1;
	(tag) =	ssettag s2;
	_ =	strace s9  }
0x27: {  	s1 =	sld [smem:$0x3F9F]  }
0x28: {  	s2 =	sld [smem:$0x3FA0]  }
0x29: {  	s4 =	sld [smem:$0x3FA2]  }
0x2a: {  	p0 =	seq.s32 s5, $0x0;
	s5 =	sld [smem:$0x3FA3]  }
0x2b: {  	s6 =	sld [smem:$0x3FA4]  }
0x2c: {  	s7 =	sld [smem:$0x3FA5]  }
0x2d: {  	s3 =	simm.s32 $0x108;
	s8 =	sld [smem:$0x3FA6]  }
0x2e: {  	s3 =	simm.s32 @!p0 $0x1082;
	s9 =	sld [smem:$0x3FA7]  }
0x2f: {  	lr =	sadd.s32 s0, s3;
	s0 =	sld [smem:$0x3F9E]  }
0x30: {  	s3 =	sld [smem:$0x3FA1]  }
0x31: {  	[smem:$0x3FAA] =	sst s10  }
0x32: {  	s10 =	sld [smem:$0x3FA8];
	_ =	sdelay $0x3  }
0x33: {  	p0 =	seq.s32 s10, $0x1;
	s10 =	sld [smem:$0x3FAA];
	_ =	sdelay $0x3  }
0x34: {  	[smem:$0x3FAA] =	sst s10  }
0x35: {  	s10 =	sld [smem:$0x3FA9];
	_ =	sdelay $0x3  }
0x36: {  	p1 =	seq.s32 s10, $0x1;
	s10 =	sld [smem:$0x3FAA];
	_ =	sdelay $0x3  }
0x37: {  	[smem:$0x3FAA] =	sst s10  }
0x38: {  	s10 =	sld [smem:$0x3FAB]  }
0x39: {  	_ = 	snop;
	(pc) =	sbr.ind lr, $3  }
0x3a: {  	_ = 	snop  }
0x3b: {  	_ = 	snop  }
0x3c: {  	p2 =	seq.s32 s10, $0x1;
	s10 =	sld [smem:$0x3FAA]  }
0x3d: {  	_ =	shalt  }
0x3e: {  	_ =	shalt  }
0x3f: {  	_ =	shalt  }
0x40: {  	_ =	shalt  }
0x41: {  	_ =	shalt  }
0x42: {  	_ =	shalt  }
0x43: {  	_ =	shalt  }
0x44: {  	_ =	shalt  }
0x45: {  	_ =	shalt  }
0x46: {  	_ =	shalt  }
0x47: {  	_ =	shalt  }
0x48: {  	_ =	shalt  }
0x49: {  	_ =	shalt  }
0x4a: {  	_ =	shalt  }
0x4b: {  	_ =	shalt  }
0x4c: {  	_ =	shalt  }
0x4d: {  	_ =	shalt  }
0x4e: {  	_ =	shalt  }
0x4f: {  	_ =	shalt  }
0x50: {  	_ =	shalt  }
0x51: {  	_ =	shalt  }
0x52: {  	_ =	shalt  }
0x53: {  	_ =	shalt  }
0x54: {  	_ =	shalt  }
0x55: {  	_ =	shalt  }
0x56: {  	_ =	shalt  }
0x57: {  	_ =	shalt  }
0x58: {  	_ =	shalt  }
0x59: {  	_ =	shalt  }
0x5a: {  	_ =	shalt  }
0x5b: {  	_ =	shalt  }
0x5c: {  	_ =	shalt  }
0x5d: {  	_ =	shalt  }
0x5e: {  	_ =	shalt  }
0x5f: {  	_ =	shalt  }
0x60: {  	_ =	shalt  }
0x61: {  	_ =	shalt  }
0x62: {  	_ =	shalt  }
0x63: {  	_ =	shalt  }
0x64: {  	_ =	shalt  }
0x65: {  	_ =	shalt  }
0x66: {  	_ =	shalt  }
0x67: {  	_ =	shalt  }
0x68: {  	_ =	shalt  }
0x69: {  	_ =	shalt  }
0x6a: {  	_ =	shalt  }
0x6b: {  	_ =	shalt  }
0x6c: {  	_ =	shalt  }
0x6d: {  	_ =	shalt  }
0x6e: {  	_ =	shalt  }
0x6f: {  	_ =	shalt  }
0x70: {  	_ =	shalt  }
0x71: {  	_ =	shalt  }
0x72: {  	_ =	shalt  }
0x73: {  	_ =	shalt  }
0x74: {  	_ =	shalt  }
0x75: {  	_ =	shalt  }
0x76: {  	_ =	shalt  }
0x77: {  	_ =	shalt  }
0x78: {  	_ =	shalt  }
0x79: {  	_ =	shalt  }
0x7a: {  	_ =	shalt  }
0x7b: {  	_ =	shalt  }
0x7c: {  	_ =	shalt  }
0x7d: {  	_ =	shalt  }
0x7e: {  	_ =	shalt  }
0x7f: {  	_ =	shalt  }
0x80: {  	_ =	shalt  }
0x81: {  	_ =	shalt  }
0x82: {  	_ =	shalt  }
0x83: {  	_ =	shalt  }
0x84: {  	_ =	shalt  }
0x85: {  	_ =	shalt  }
0x86: {  	_ =	shalt  }
0x87: {  	_ =	shalt  }
.Lfunc_end0:
.L_simem_size_0:
called_computation_lowered:
.L_overlay_start_0:
0x88: {  	s2 =	sld [smem:$0x3FD9]  }
0x89: {  	s3 =	sld [smem:$0x3FFE];
	_ =	sdelay $0x1  }
0x8a: {  	s1 =	srdreg.scid  }
0x8b: {  	s0 =	sand.u32 $0x1, s1  }
0x8c: {  	s15 =	sshll.u32 s0, $0xA;
	s2 =	sadd.s32 s3, s2  }
0x8d: {  	s2 =	sadd.s32 s2, s15  }
0x8e: {  	[smem:$0x3FB6] =	sst s2  }
0x8f: {  	_ = 	snop  }
0x90: {  	s2 =	sld [smem:$0x3FD0];
	_ =	sdelay $0x2  }
0x91: {  	s4 =	simm.s32 $0xB;
	s5 =	simm.s32 $0x10;
	s16 =	sld [smem:$0x3FC0]  }
0x92: {  	[smem:s5], [sflag:s4] =	dma.local [hbm:s2], $0x1  }
0x93: {  	_ =	swait.eq [sflag:s4], $0x1  }
0x94: {  	[sflag:s4] =	ssyncset.done $0x0  }
0x95: {  	s17 =	sld [smem:$0x12];
	[sflag:s4] =	ssyncadd.s32 $0xFFFFFFFF  }
0x96: {  	s18 =	sld [smem:$0x13];
	(tm) =	ssettm $0x1  }
0x97: {  	s19 =	sld [smem:$0x3FFB];
	_ =	sdelay $0x3  }
0x98: {  	_ =	strace s19  }
0x99: {  	s5 =	sld [smem:$0x3FFC];
	_ =	sdelay $0x3  }
0x9a: {  	_ =	strace s5  }
0x9b: {  	s5 =	sld [smem:$0x3FFD];
	_ =	sdelay $0x3  }
0x9c: {  	_ =	strace s5  }
0x9d: {  	_ =	strace $0x8FFFFFFF  }
0x9e: {  	s20 =	sld [smem:$0x3FDB];
	_ =	sdelay $0x1  }
0x9f: {  	s6 =	simm.s32 $_scs_section_size  }
0xa0: {  	s7 =	simm.s32 $_size__tile_overlayer_lowered;
	s8 =	simm.s32 $_tile_overlayer_lowered  }
0xa1: {  	s23 =	simm.s32 $0x1BFF;
	s22 =	sshll.u32 s8, $0x1;
	s5 =	sadd.s32 s6, s20  }
0xa2: {  	s9 =	simm.s32 $0x0;
	s21 =	sshll.u32 s7, $0x1;
	s7 =	sadd.s32 s22, s5  }
0xa3: {  	[timem:s9], [sflag:s23] =	dma.local [hbm:s7], s21  }
0xa4: {  	_ =	swait.ge [sflag:s23], s21  }
0xa5: {  	s6 =	ssub.s32 $0x0, s21;
	[sflag:s23] =	ssyncset.done $0x0  }
0xa6: {  	[sflag:s23] =	ssyncadd.s32 s6;
	_ =	sdelay $0x1  }
0xa7: {  	s24 =	simm.s32 $0x1B8B  }
0xa8: {  	_ =	swait.ge [sflag:s24], $0x1  }
0xa9: {  	[sflag:s24] =	ssyncset.done $0x0  }
0xaa: {  	s25 =	simm.s32 $0x1B8E;
	[sflag:s24] =	ssyncadd.s32 $0xFFFFFFFF  }
0xab: {  	s26 =	simm.s32 $execute0_lowered;
	[smem:$0x3FD2] =	sst s25  }
0xac: {  	s6 =	sshll.u32 s26, $0x1;
	_ =	strace $0x80000046;
	[dreg:$0x1] =	wrdreg $0xFFFFFFFF  }
0xad: {  	s28 =	simm.s32 $_size_execute0_lowered;
	s5 =	sadd.s32 s5, s6;
	[dreg:$0x0] =	wrdreg $0x0  }
0xae: {  	s6 =	sshll.u32 s28, $0x1;
	[dreg:$0x2] =	wrdreg s5  }
0xaf: {  	[dreg:$0x3] =	wrdreg s6  }
0xb0: {  	[dreg:$0x4] =	wrdreg $0xC0  }
0xb1: {  	_ =	task [dreg:s9], $0x5FFFF  }
0xb2: {  	[dreg:$0x1] =	wrdreg $0xFFFFFFFF  }
0xb3: {  	[dreg:$0x0] =	wrdreg $0x60  }
0xb4: {  	[dreg:$0x2] =	wrdreg s16  }
0xb5: {  	[dreg:$0x3] =	wrdreg s17  }
0xb6: {  	[dreg:$0x4] =	wrdreg s18  }
0xb7: {  	[dreg:$0x5] =	wrdreg $0x9  }
0xb8: {  	_ =	task.clear_ibuf [dreg:s9], $0x6FFFF;
	_ =	strace $0x90000046  }
0xb9: {  	s29 =	simm.s32 $0x9;
	_ =	strace $0x80000048  }
0xba: {  	_ =	swait.ge [sflag:s29], $0x1  }
0xbb: {  	[sflag:s29] =	ssyncadd.s32 $0xFFFFFFFF  }
0xbc: {  	_ =	strace $0x90000048  }
0xbd: {  	_ =	sfence  }
0xbe: {  	s30 =	sld [smem:$0x0];
	_ =	sdelay $0x2  }
0xbf: {  	s31 =	sshll.u32 s1, $0xD;
	s1 =	sshrl.u32 s1, $0x2  }
0xc0: {  	s3 =	sand.u32 $0x4000, s31;
	s1 =	sadd.s32 s1, s30  }
0xc1: {  	s0 =	sor.u32 s3, s0;
	s1 =	sshll.u32 s1, $0x11  }
0xc2: {  	s0 =	sor.u32 s1, s0  }
0xc3: {  	s0 =	sadd.s32 $0x8F2B, s0  }
0xc4: {  	[sflag:s0] =	ssyncadd.remote.s32 $0x1  }
0xc5: {  	_ =	sfence.sel $0xFFFF  }
0xc6: {  	[dreg:$0x0] =	wrdreg $0xFFFFFFFF;
	(pc) =	sbr.abs _section_cstart, $3  }
0xc7: {  	[dreg:$0x1] =	wrdreg $0xFFFFFFFF  }
0xc8: {  	_ =	task.clear_ibuf [dreg:s9], $0x2FFFF;
	_ =	strace $0x9FFFFFFF  }
0xc9: {  	(tm) =	ssettm $0x7FFFFFFF  }
tec
execute0_lowered:
.L_overlay_start_1:
0x0: {  	(tag) =	ssettag $0x1  }
0x1: {  	s2 =	rddreg [dreg:$0x0]  }
0x2: {  	s0 =	rddreg [dreg:$0x1]  }
0x3: {  	s7 =	rddreg [dreg:$0x2];
	s1 =	srdreg.scid  }
0x4: {  	s3 =	stileid.u32;
	s4 =	simm.s32 $0x0;
	s14 =	simm.s32 $0xF000  }
0x5: {  	s15 =	simm.s32 $0xF800;
	s16 =	simm.s32 $0x1;
	s17 =	simm.s32 $0x200  }
0x6: {  	s18 =	simm.s32 $0x400;
	s19 =	simm.s32 $0x10000;
	s20 =	simm.s32 $0x2  }
0x7: {  	s21 =	simm.s32 $0x4;
	s1 =	sand.u32 $0x1, s1;
	s3 =	sshll.u32 s3, $0x1  }
0x8: {  	s22 =	simm.s32 $0x10400;
	s5 =	ssub.s32 $0x2, s1;
	s1 =	sor.u32 s1, s3  }
0x9: {  	[smem:$0x7FF] =	sst s4;
	s30 =	sshrl.u32 s5, $0x1;
	s6 =	sshll.u32 s1, $0x9  }
0xa: {  	v2 =	vlaneseq.u32;
	s7 =	sadd.s32 $0x40, s7;
	s3 =	ssub.s32 s5, s30;
	s0 =	sadd.s32 s0, s6  }
0xb: {  	vm0 =	vmmov $0xffff;
	v1 =	vshrl.u32 v2, $0x3;
	_ =	strace $0x80000047;
	[dreg:$0x4] =	wrdreg s0;
	s31 =	smax.u32 s3, $0x1  }
0xc: {  	v0 =	vand.u32 $0x7, v2;
	v2 =	vor.u32 $0x8, v2;
	v1 =	vmul.u32 $0x8, v1;
	s6 =	sshll.u32 s1, $0xC;
	s1 =	simm.s32 $0x0;
	[dreg:$0x5] =	wrdreg s31  }
.LBB2_1:
0xd: {  	[dreg:$0x6] =	wrdreg s1  }
0xe: {  	s0 =	rddreg [dreg:$0x4];
	s31 =	simm.s32 $0x10800;
	s3 =	simm.s32 $0x5  }
0xf: {  	[tilespmem:s31], [sflag:$0x5] =	stream.linear.gather [hbm4b:s0+s4], $0x1000, $0x38;
	[tilespmem:$0x11800] =	vst v63  }
0x10: {  	_ =	swait.ge [sflag:s3], $0x1000  }
0x11: {  	[sflag:s3] =	ssyncset.done $0x0  }
0x12: {  	[sflag:s3] =	ssyncadd.s32 $0xFFFFF000  }
0x13: {  	v3 =	vld [tilespmem:$0x10800];
	_ =	sdelay $0x4  }
0x14: {  	v4 =	vshll.u32 v3, $0x1  }
0x15: {  	v3 =	vand.u32 $0x7, v3;
	v4 =	vand.u32 $0xFFFFFFF0, v4  }
0x16: {  	v3 =	vor.u32 v3, v4  }
0x17: {  	v4 =	vperm.xlane v3, v0;
	_ =	sdelay $0x1  }
0x18: {  	v3 =	vperm.xlane v3, v2;
	v4 =	vadd.s32 v1, v4;
	_ =	sdelay $0x1  }
0x19: {  	v3 =	vadd.s32 v1, v3;
	_ =	sdelay $0x2  }
0x1a: {  	[tilespmem:s4], [sflag:$0x1] =	stream.indirect_vreg.gather [hbm4b:s2+s4], $0x80, v4, vm0, $0xb8;
	[tilespmem:$0x11800] =	vst v63  }
0x1b: {  	s5 =	simm.s32 $0x800  }
0x1c: {  	[tilespmem:s5], [sflag:$0x1] =	stream.indirect_vreg.gather [hbm4b:s2+s4], $0x80, v3, vm0, $0xb8;
	[tilespmem:$0x11800] =	vst v63  }
0x1d: {  	v3 =	vld [tilespmem:$0x10810];
	_ =	sdelay $0x4  }
0x1e: {  	v57 =	vshll.u32 v3, $0x1  }
0x1f: {  	v3 =	vand.u32 $0x7, v3;
	v4 =	vand.u32 $0xFFFFFFF0, v57  }
0x20: {  	v3 =	vor.u32 v3, v4  }
0x21: {  	v4 =	vperm.xlane v3, v0;
	_ =	sdelay $0x1  }
0x22: {  	v3 =	vperm.xlane v3, v2;
	v4 =	vadd.s32 v1, v4;
	_ =	sdelay $0x1  }
0x23: {  	v3 =	vadd.s32 v1, v3;
	_ =	sdelay $0x1  }
0x24: {  	s8 =	simm.s32 $0x1000  }
0x25: {  	[tilespmem:s8], [sflag:$0x1] =	stream.indirect_vreg.gather [hbm4b:s2+s4], $0x80, v4, vm0, $0xb8;
	[tilespmem:$0x11800] =	vst v63  }
0x26: {  	s9 =	simm.s32 $0x1800  }
0x27: {  	[tilespmem:s9], [sflag:$0x1] =	stream.indirect_vreg.gather [hbm4b:s2+s4], $0x80, v3, vm0, $0xb8;
	[tilespmem:$0x11800] =	vst v63  }
0x28: {  	v3 =	vld [tilespmem:$0x10820];
	_ =	sdelay $0x4  }
0x29: {  	v58 =	vshll.u32 v3, $0x1  }
0x2a: {  	v3 =	vand.u32 $0x7, v3;
	v4 =	vand.u32 $0xFFFFFFF0, v58  }
0x2b: {  	v3 =	vor.u32 v3, v4  }
0x2c: {  	v4 =	vperm.xlane v3, v0;
	_ =	sdelay $0x1  }
0x2d: {  	v3 =	vperm.xlane v3, v2;
	v4 =	vadd.s32 v1, v4;
	_ =	sdelay $0x1  }
0x2e: {  	v3 =	vadd.s32 v1, v3;
	_ =	sdelay $0x1  }
0x2f: {  	s10 =	simm.s32 $0x2000  }
0x30: {  	[tilespmem:s10], [sflag:$0x1] =	stream.indirect_vreg.gather [hbm4b:s2+s4], $0x80, v4, vm0, $0xb8;
	[tilespmem:$0x11800] =	vst v63  }
0x31: {  	s11 =	simm.s32 $0x2800  }
0x32: {  	[tilespmem:s11], [sflag:$0x1] =	stream.indirect_vreg.gather [hbm4b:s2+s4], $0x80, v3, vm0, $0xb8;
	[tilespmem:$0x11800] =	vst v63  }
0x33: {  	v3 =	vld [tilespmem:$0x10830];
	_ =	sdelay $0x4  }
0x34: {  	v59 =	vshll.u32 v3, $0x1  }
0x35: {  	v3 =	vand.u32 $0x7, v3;
	v4 =	vand.u32 $0xFFFFFFF0, v59  }
0x36: {  	v3 =	vor.u32 v3, v4  }
0x37: {  	v4 =	vperm.xlane v3, v0;
	_ =	sdelay $0x1  }
0x38: {  	v3 =	vperm.xlane v3, v2;
	v4 =	vadd.s32 v1, v4;
	_ =	sdelay $0x1  }
0x39: {  	v3 =	vadd.s32 v1, v3;
	_ =	sdelay $0x1  }
0x3a: {  	s12 =	simm.s32 $0x3000  }
0x3b: {  	[tilespmem:s12], [sflag:$0x1] =	stream.indirect_vreg.gather [hbm4b:s2+s4], $0x80, v4, vm0, $0xb8;
	[tilespmem:$0x11800] =	vst v63  }
0x3c: {  	s13 =	simm.s32 $0x3800  }
0x3d: {  	[tilespmem:s13], [sflag:$0x1] =	stream.indirect_vreg.gather [hbm4b:s2+s4], $0x80, v3, vm0, $0xb8;
	[tilespmem:$0x11800] =	vst v63  }
0x3e: {  	v3 =	vld [tilespmem:$0x10840];
	_ =	sdelay $0x4  }
0x3f: {  	v60 =	vshll.u32 v3, $0x1  }
0x40: {  	v3 =	vand.u32 $0x7, v3;
	v4 =	vand.u32 $0xFFFFFFF0, v60  }
0x41: {  	v3 =	vor.u32 v3, v4  }
0x42: {  	v4 =	vperm.xlane v3, v0;
	_ =	sdelay $0x1  }
0x43: {  	v3 =	vperm.xlane v3, v2;
	v4 =	vadd.s32 v1, v4;
	_ =	sdelay $0x1  }
0x44: {  	v3 =	vadd.s32 v1, v3;
	_ =	sdelay $0x1  }
0x45: {  	s23 =	simm.s32 $0x4000  }
0x46: {  	[tilespmem:s23], [sflag:$0x1] =	stream.indirect_vreg.gather [hbm4b:s2+s4], $0x80, v4, vm0, $0xb8;
	[tilespmem:$0x11800] =	vst v63  }
0x47: {  	s24 =	simm.s32 $0x4800  }
0x48: {  	[tilespmem:s24], [sflag:$0x1] =	stream.indirect_vreg.gather [hbm4b:s2+s4], $0x80, v3, vm0, $0xb8;
	[tilespmem:$0x11800] =	vst v63  }
0x49: {  	v3 =	vld [tilespmem:$0x10850];
	_ =	sdelay $0x4  }
0x4a: {  	v61 =	vshll.u32 v3, $0x1  }
0x4b: {  	v3 =	vand.u32 $0x7, v3;
	v4 =	vand.u32 $0xFFFFFFF0, v61  }
0x4c: {  	v3 =	vor.u32 v3, v4  }
0x4d: {  	v4 =	vperm.xlane v3, v0;
	_ =	sdelay $0x1  }
0x4e: {  	v3 =	vperm.xlane v3, v2;
	v4 =	vadd.s32 v1, v4;
	_ =	sdelay $0x1  }
0x4f: {  	v3 =	vadd.s32 v1, v3;
	_ =	sdelay $0x1  }
0x50: {  	s25 =	simm.s32 $0x5000  }
0x51: {  	[tilespmem:s25], [sflag:$0x1] =	stream.indirect_vreg.gather [hbm4b:s2+s4], $0x80, v4, vm0, $0xb8;
	[tilespmem:$0x11800] =	vst v63  }
0x52: {  	s26 =	simm.s32 $0x5800  }
0x53: {  	[tilespmem:s26], [sflag:$0x1] =	stream.indirect_vreg.gather [hbm4b:s2+s4], $0x80, v3, vm0, $0xb8;
	[tilespmem:$0x11800] =	vst v63  }
0x54: {  	v3 =	vld [tilespmem:$0x10860];
	_ =	sdelay $0x4  }
0x55: {  	v62 =	vshll.u32 v3, $0x1  }
0x56: {  	v3 =	vand.u32 $0x7, v3;
	v4 =	vand.u32 $0xFFFFFFF0, v62  }
0x57: {  	v3 =	vor.u32 v3, v4  }
0x58: {  	v4 =	vperm.xlane v3, v0;
	_ =	sdelay $0x1  }
0x59: {  	v3 =	vperm.xlane v3, v2;
	v4 =	vadd.s32 v1, v4;
	_ =	sdelay $0x1  }
0x5a: {  	v3 =	vadd.s32 v1, v3;
	_ =	sdelay $0x1  }
0x5b: {  	s28 =	simm.s32 $0x6000  }
0x5c: {  	[tilespmem:s28], [sflag:$0x1] =	stream.indirect_vreg.gather [hbm4b:s2+s4], $0x80, v4, vm0, $0xb8;
	[tilespmem:$0x11800] =	vst v63  }
0x5d: {  	s29 =	simm.s32 $0x6800  }
0x5e: {  	[tilespmem:s29], [sflag:$0x1] =	stream.indirect_vreg.gather [hbm4b:s2+s4], $0x80, v3, vm0, $0xb8;
	[tilespmem:$0x11800] =	vst v63  }
0x5f: {  	v3 =	vld [tilespmem:$0x10870];
	_ =	sdelay $0x4  }
0x60: {  	v63 =	vshll.u32 v3, $0x1  }
0x61: {  	v3 =	vand.u32 $0x7, v3;
	v4 =	vand.u32 $0xFFFFFFF0, v63  }
0x62: {  	v3 =	vor.u32 v3, v4  }
0x63: {  	v4 =	vperm.xlane v3, v0;
	_ =	sdelay $0x1  }
0x64: {  	v3 =	vperm.xlane v3, v2;
	v4 =	vadd.s32 v1, v4;
	_ =	sdelay $0x1  }
0x65: {  	v3 =	vadd.s32 v1, v3;
	_ =	sdelay $0x1  }
0x66: {  	s30 =	simm.s32 $0x7000  }
0x67: {  	[tilespmem:s30], [sflag:$0x1] =	stream.indirect_vreg.gather [hbm4b:s2+s4], $0x80, v4, vm0, $0xb8;
	[tilespmem:$0x11800] =	vst v63  }
0x68: {  	s31 =	simm.s32 $0x7800;
	s23 =	simm.s32 $0x0  }
0x69: {  	[tilespmem:s31], [sflag:$0x1] =	stream.indirect_vreg.gather [hbm4b:s2+s4], $0x80, v3, vm0, $0xb8;
	[tilespmem:$0x11800] =	vst v63  }
.LBB2_2:
0x6a: {  	s25 =	sshll.u32 s23, $0x8  }
0x6b: {  	s24 =	sand.u32 $0x3FFFFF00, s25  }
0x6c: {  	v3 =	vld [tilespmem:s24+$0x10880];
	_ =	sdelay $0x4  }
0x6d: {  	v4 =	vshll.u32 v3, $0x1  }
0x6e: {  	v3 =	vand.u32 $0x7, v3;
	v4 =	vand.u32 $0xFFFFFFF0, v4  }
0x6f: {  	v3 =	vor.u32 v3, v4  }
0x70: {  	v4 =	vperm.xlane v3, v0;
	_ =	sdelay $0x1  }
0x71: {  	v3 =	vperm.xlane v3, v2;
	v4 =	vadd.s32 v1, v4;
	_ =	sdelay $0x1  }
0x72: {  	v3 =	vadd.s32 v1, v3;
	_ =	sdelay $0x1  }
0x73: {  	s0 =	simm.s32 $0x8000  }
0x74: {  	[tilespmem:s0], [sflag:$0x2] =	stream.indirect_vreg.gather [hbm4b:s2+s4], $0x80, v4, vm0, $0xb8;
	[tilespmem:$0x11800] =	vst v63  }
0x75: {  	s3 =	simm.s32 $0x8800  }
0x76: {  	[tilespmem:s3], [sflag:$0x2] =	stream.indirect_vreg.gather [hbm4b:s2+s4], $0x80, v3, vm0, $0xb8;
	[tilespmem:$0x11800] =	vst v63  }
0x77: {  	v3 =	vld [tilespmem:s24+$0x10890];
	_ =	sdelay $0x4  }
0x78: {  	v57 =	vshll.u32 v3, $0x1  }
0x79: {  	v3 =	vand.u32 $0x7, v3;
	v4 =	vand.u32 $0xFFFFFFF0, v57  }
0x7a: {  	v3 =	vor.u32 v3, v4  }
0x7b: {  	v4 =	vperm.xlane v3, v0;
	_ =	sdelay $0x1  }
0x7c: {  	v3 =	vperm.xlane v3, v2;
	v4 =	vadd.s32 v1, v4;
	_ =	sdelay $0x1  }
0x7d: {  	v3 =	vadd.s32 v1, v3;
	_ =	sdelay $0x1  }
0x7e: {  	s5 =	simm.s32 $0x9000  }
0x7f: {  	[tilespmem:s5], [sflag:$0x2] =	stream.indirect_vreg.gather [hbm4b:s2+s4], $0x80, v4, vm0, $0xb8;
	[tilespmem:$0x11800] =	vst v63  }
0x80: {  	s8 =	simm.s32 $0x9800  }
0x81: {  	[tilespmem:s8], [sflag:$0x2] =	stream.indirect_vreg.gather [hbm4b:s2+s4], $0x80, v3, vm0, $0xb8;
	[tilespmem:$0x11800] =	vst v63  }
0x82: {  	v3 =	vld [tilespmem:s24+$0x108A0];
	_ =	sdelay $0x4  }
0x83: {  	v58 =	vshll.u32 v3, $0x1  }
0x84: {  	v3 =	vand.u32 $0x7, v3;
	v4 =	vand.u32 $0xFFFFFFF0, v58  }
0x85: {  	v3 =	vor.u32 v3, v4  }
0x86: {  	v4 =	vperm.xlane v3, v0;
	_ =	sdelay $0x1  }
0x87: {  	v3 =	vperm.xlane v3, v2;
	v4 =	vadd.s32 v1, v4;
	_ =	sdelay $0x1  }
0x88: {  	v3 =	vadd.s32 v1, v3;
	_ =	sdelay $0x1  }
0x89: {  	s9 =	simm.s32 $0xA000  }
0x8a: {  	[tilespmem:s9], [sflag:$0x2] =	stream.indirect_vreg.gather [hbm4b:s2+s4], $0x80, v4, vm0, $0xb8;
	[tilespmem:$0x11800] =	vst v63  }
0x8b: {  	s10 =	simm.s32 $0xA800  }
0x8c: {  	[tilespmem:s10], [sflag:$0x2] =	stream.indirect_vreg.gather [hbm4b:s2+s4], $0x80, v3, vm0, $0xb8;
	[tilespmem:$0x11800] =	vst v63  }
0x8d: {  	v3 =	vld [tilespmem:s24+$0x108B0];
	_ =	sdelay $0x4  }
0x8e: {  	v59 =	vshll.u32 v3, $0x1  }
0x8f: {  	v3 =	vand.u32 $0x7, v3;
	v4 =	vand.u32 $0xFFFFFFF0, v59  }
0x90: {  	v3 =	vor.u32 v3, v4  }
0x91: {  	v4 =	vperm.xlane v3, v0;
	_ =	sdelay $0x1  }
0x92: {  	v3 =	vperm.xlane v3, v2;
	v4 =	vadd.s32 v1, v4;
	_ =	sdelay $0x1  }
0x93: {  	v3 =	vadd.s32 v1, v3;
	_ =	sdelay $0x1  }
0x94: {  	s11 =	simm.s32 $0xB000  }
0x95: {  	[tilespmem:s11], [sflag:$0x2] =	stream.indirect_vreg.gather [hbm4b:s2+s4], $0x80, v4, vm0, $0xb8;
	[tilespmem:$0x11800] =	vst v63  }
0x96: {  	s12 =	simm.s32 $0xB800  }
0x97: {  	[tilespmem:s12], [sflag:$0x2] =	stream.indirect_vreg.gather [hbm4b:s2+s4], $0x80, v3, vm0, $0xb8;
	[tilespmem:$0x11800] =	vst v63  }
0x98: {  	v3 =	vld [tilespmem:s24+$0x108C0];
	_ =	sdelay $0x4  }
0x99: {  	v60 =	vshll.u32 v3, $0x1  }
0x9a: {  	v3 =	vand.u32 $0x7, v3;
	v4 =	vand.u32 $0xFFFFFFF0, v60  }
0x9b: {  	v3 =	vor.u32 v3, v4  }
0x9c: {  	v4 =	vperm.xlane v3, v0;
	_ =	sdelay $0x1  }
0x9d: {  	v3 =	vperm.xlane v3, v2;
	v4 =	vadd.s32 v1, v4;
	_ =	sdelay $0x1  }
0x9e: {  	v3 =	vadd.s32 v1, v3;
	_ =	sdelay $0x1  }
0x9f: {  	s13 =	simm.s32 $0xC000  }
0xa0: {  	[tilespmem:s13], [sflag:$0x2] =	stream.indirect_vreg.gather [hbm4b:s2+s4], $0x80, v4, vm0, $0xb8;
	[tilespmem:$0x11800] =	vst v63  }
0xa1: {  	s26 =	simm.s32 $0xC800  }
0xa2: {  	[tilespmem:s26], [sflag:$0x2] =	stream.indirect_vreg.gather [hbm4b:s2+s4], $0x80, v3, vm0, $0xb8;
	[tilespmem:$0x11800] =	vst v63  }
0xa3: {  	v3 =	vld [tilespmem:s24+$0x108D0];
	_ =	sdelay $0x4  }
0xa4: {  	v61 =	vshll.u32 v3, $0x1  }
0xa5: {  	v3 =	vand.u32 $0x7, v3;
	v4 =	vand.u32 $0xFFFFFFF0, v61  }
0xa6: {  	v3 =	vor.u32 v3, v4  }
0xa7: {  	v4 =	vperm.xlane v3, v0;
	_ =	sdelay $0x1  }
0xa8: {  	v3 =	vperm.xlane v3, v2;
	v4 =	vadd.s32 v1, v4;
	_ =	sdelay $0x1  }
0xa9: {  	v3 =	vadd.s32 v1, v3;
	_ =	sdelay $0x1  }
0xaa: {  	s28 =	simm.s32 $0xD000  }
0xab: {  	[tilespmem:s28], [sflag:$0x2] =	stream.indirect_vreg.gather [hbm4b:s2+s4], $0x80, v4, vm0, $0xb8;
	[tilespmem:$0x11800] =	vst v63  }
0xac: {  	s29 =	simm.s32 $0xD800  }
0xad: {  	[tilespmem:s29], [sflag:$0x2] =	stream.indirect_vreg.gather [hbm4b:s2+s4], $0x80, v3, vm0, $0xb8;
	[tilespmem:$0x11800] =	vst v63  }
0xae: {  	v3 =	vld [tilespmem:s24+$0x108E0];
	_ =	sdelay $0x4  }
0xaf: {  	v62 =	vshll.u32 v3, $0x1  }
0xb0: {  	v3 =	vand.u32 $0x7, v3;
	v4 =	vand.u32 $0xFFFFFFF0, v62  }
0xb1: {  	v3 =	vor.u32 v3, v4  }
0xb2: {  	v4 =	vperm.xlane v3, v0;
	_ =	sdelay $0x1  }
0xb3: {  	v3 =	vperm.xlane v3, v2;
	v4 =	vadd.s32 v1, v4;
	_ =	sdelay $0x1  }
0xb4: {  	v3 =	vadd.s32 v1, v3;
	_ =	sdelay $0x1  }
0xb5: {  	s30 =	simm.s32 $0xE000  }
0xb6: {  	[tilespmem:s30], [sflag:$0x2] =	stream.indirect_vreg.gather [hbm4b:s2+s4], $0x80, v4, vm0, $0xb8;
	[tilespmem:$0x11800] =	vst v63  }
0xb7: {  	s31 =	simm.s32 $0xE800  }
0xb8: {  	[tilespmem:s31], [sflag:$0x2] =	stream.indirect_vreg.gather [hbm4b:s2+s4], $0x80, v3, vm0, $0xb8;
	[tilespmem:$0x11800] =	vst v63  }
0xb9: {  	v3 =	vld [tilespmem:s24+$0x108F0];
	_ =	sdelay $0x4  }
0xba: {  	v63 =	vshll.u32 v3, $0x1  }
0xbb: {  	v3 =	vand.u32 $0x7, v3;
	v4 =	vand.u32 $0xFFFFFFF0, v63  }
0xbc: {  	v3 =	vor.u32 v3, v4  }
0xbd: {  	v4 =	vperm.xlane v3, v0;
	_ =	sdelay $0x1  }
0xbe: {  	v3 =	vperm.xlane v3, v2;
	v4 =	vadd.s32 v1, v4;
	_ =	sdelay $0x1  }
0xbf: {  	v3 =	vadd.s32 v1, v3;
	_ =	sdelay $0x2  }
0xc0: {  	[tilespmem:s14], [sflag:$0x2] =	stream.indirect_vreg.gather [hbm4b:s2+s4], $0x80, v4, vm0, $0xb8;
	[tilespmem:$0x11800] =	vst v63  }
0xc1: {  	_ = 	snop  }
0xc2: {  	[tilespmem:s15], [sflag:$0x2] =	stream.indirect_vreg.gather [hbm4b:s2+s4], $0x80, v3, vm0, $0xb8;
	[tilespmem:$0x11800] =	vst v63  }
0xc3: {  	_ =	swait.ge [sflag:s16], $0x8000  }
0xc4: {  	p0 =	seq.s32 s23, $0x0;
	[sflag:s16] =	ssyncset.done $0x0  }
0xc5: {  	s0 =	simm.s32 @!p0 $0x3;
	[sflag:s16] =	ssyncadd.s32 $0xFFFF8000  }
0xc6: {  	_ =	swait.ge @!p0 [sflag:s0], $0x400  }
0xc7: {  	[sflag:s0] =	ssyncset.done @!p0 $0x0  }
0xc8: {  	s3 =	simm.s32 $0x0;
	s26 =	simm.s32 $0x0;
	[sflag:s0] =	ssyncadd.s32 @!p0 $0xFFFFFC00  }
.LBB2_3:
0xc9: {  	s0 =	sshll.u32 s26, $0xD;
	s1 =	simm.s32 $0x0  }
0xca: {  	s29 =	sand.u32 $0x3FFFE000, s0;
	s5 =	sand.u32 $0xFFFFFC00, s1  }
0xcb: {  	s1 =	sand.u32 $0x70, s3;
	s0 =	sadd.s32 s5, s29  }
0xcc: {  	s0 =	sadd.s32 s1, s0  }
0xcd: {  	v3 =	vld [tilespmem:s0+$0x80]  }
0xce: {  	v4 =	vld [tilespmem:s0+$0x0];
	_ =	sdelay $0x1  }
0xcf: {  	v5 =	vld [tilespmem:s0+$0x100];
	_ =	sdelay $0x1  }
0xd0: {  	v6 =	vld [tilespmem:s0+$0x180]  }
0xd1: {  	v3 =	vadd.f32 v3, v4  }
0xd2: {  	v4 =	vld [tilespmem:s0+$0x200]  }
0xd3: {  	v3 =	vadd.f32 v5, v3  }
0xd4: {  	v5 =	vld [tilespmem:s0+$0x280]  }
0xd5: {  	v3 =	vadd.f32 v6, v3  }
0xd6: {  	v55 =	vld [tilespmem:s0+$0x300]  }
0xd7: {  	s28 =	sor.u32 $0x800, s29;
	v3 =	vadd.f32 v4, v3  }
0xd8: {  	s8 =	sadd.s32 s5, s28;
	v4 =	vld [tilespmem:s0+$0x380]  }
0xd9: {  	s8 =	sadd.s32 s1, s8;
	v3 =	vadd.f32 v5, v3  }
0xda: {  	v5 =	vld [tilespmem:s8+$0x0]  }
0xdb: {  	v3 =	vadd.f32 v55, v3  }
0xdc: {  	v56 =	vld [tilespmem:s0+$0x880]  }
0xdd: {  	v3 =	vadd.f32 v4, v3  }
0xde: {  	v4 =	vld [tilespmem:s0+$0x900]  }
0xdf: {  	v3 =	vadd.f32 v5, v3  }
0xe0: {  	v5 =	vld [tilespmem:s0+$0x980]  }
0xe1: {  	v3 =	vadd.f32 v56, v3  }
0xe2: {  	v57 =	vld [tilespmem:s0+$0xA00]  }
0xe3: {  	v3 =	vadd.f32 v4, v3  }
0xe4: {  	v4 =	vld [tilespmem:s0+$0xA80]  }
0xe5: {  	v3 =	vadd.f32 v5, v3  }
0xe6: {  	v5 =	vld [tilespmem:s0+$0xB00]  }
0xe7: {  	s30 =	sor.u32 $0x1000, s29;
	v3 =	vadd.f32 v57, v3  }
0xe8: {  	s10 =	sadd.s32 s5, s30;
	v58 =	vld [tilespmem:s0+$0xB80]  }
0xe9: {  	s8 =	sadd.s32 s1, s10;
	v3 =	vadd.f32 v4, v3  }
0xea: {  	v4 =	vld [tilespmem:s8+$0x0]  }
0xeb: {  	v3 =	vadd.f32 v5, v3  }
0xec: {  	v5 =	vld [tilespmem:s0+$0x1080]  }
0xed: {  	v3 =	vadd.f32 v58, v3  }
0xee: {  	v59 =	vld [tilespmem:s0+$0x1100]  }
0xef: {  	v3 =	vadd.f32 v4, v3  }
0xf0: {  	v4 =	vld [tilespmem:s0+$0x1180]  }
0xf1: {  	v3 =	vadd.f32 v5, v3  }
0xf2: {  	v5 =	vld [tilespmem:s0+$0x1200]  }
0xf3: {  	v3 =	vadd.f32 v59, v3  }
0xf4: {  	v60 =	vld [tilespmem:s0+$0x1280]  }
0xf5: {  	v3 =	vadd.f32 v4, v3  }
0xf6: {  	v4 =	vld [tilespmem:s0+$0x1300]  }
0xf7: {  	s31 =	sor.u32 $0x1800, s29;
	v3 =	vadd.f32 v5, v3  }
0xf8: {  	s5 =	sadd.s32 s5, s31;
	v5 =	vld [tilespmem:s0+$0x1380]  }
0xf9: {  	s5 =	sadd.s32 s1, s5;
	v3 =	vadd.f32 v60, v3  }
0xfa: {  	v61 =	vld [tilespmem:s5+$0x0]  }
0xfb: {  	v3 =	vadd.f32 v4, v3  }
0xfc: {  	v4 =	vld [tilespmem:s0+$0x1880]  }
0xfd: {  	v3 =	vadd.f32 v5, v3  }
0xfe: {  	v5 =	vld [tilespmem:s0+$0x1900]  }
0xff: {  	v3 =	vadd.f32 v61, v3  }
0x100: {  	v62 =	vld [tilespmem:s0+$0x1980]  }
0x101: {  	v3 =	vadd.f32 v4, v3  }
0x102: {  	v4 =	vld [tilespmem:s0+$0x1A00]  }
0x103: {  	v3 =	vadd.f32 v5, v3  }
0x104: {  	v5 =	vld [tilespmem:s0+$0x1A80]  }
0x105: {  	v3 =	vadd.f32 v62, v3  }
0x106: {  	v63 =	vld [tilespmem:s0+$0x1B00]  }
0x107: {  	v3 =	vadd.f32 v4, v3  }
0x108: {  	v4 =	vld [tilespmem:s0+$0x1B80]  }
0x109: {  	v3 =	vadd.f32 v5, v3  }
0x10a: {  	s11 =	sshll.u32 s26, $0x7;
	s9 =	simm.s32 $0x1;
	s13 =	simm.s32 $0x0  }
0x10b: {  	s12 =	sand.u32 $0x3FFFFF80, s11;
	s11 =	sand.u32 $0x3FFFFE00, s13;
	s10 =	simm.s32 $0x80;
	v3 =	vadd.f32 v63, v3  }
0x10c: {  	s5 =	sand.u32 $0xFFFFFC00, s10;
	s8 =	simm.s32 $0x10;
	s0 =	sadd.s32 $0x10000, s12  }
0x10d: {  	s10 =	simm.s32 $0x2;
	s12 =	sand.u32 $0x70, s8;
	s11 =	sadd.s32 s11, s0;
	v3 =	vadd.f32 v4, v3  }
.LBB2_4:
0x10e: {  	p1 =	sne.s32 s10, $0xF;
	s13 =	sadd.s32 s5, s29;
	s1 =	sadd.s32 s1, s11  }
0x10f: {  	s11 =	sadd.s32 s12, s13;
	[tilespmem:s1+$0x0] =	vst v3;
	s1 =	smov.u32 s12  }
0x110: {  	v3 =	vld [tilespmem:s11+$0x80]  }
0x111: {  	v4 =	vld [tilespmem:s11+$0x0];
	_ =	sdelay $0x1  }
0x112: {  	v5 =	vld [tilespmem:s11+$0x100];
	_ =	sdelay $0x1  }
0x113: {  	v6 =	vld [tilespmem:s11+$0x180]  }
0x114: {  	v3 =	vadd.f32 v3, v4  }
0x115: {  	v4 =	vld [tilespmem:s11+$0x200]  }
0x116: {  	v3 =	vadd.f32 v5, v3  }
0x117: {  	v5 =	vld [tilespmem:s11+$0x280]  }
0x118: {  	v3 =	vadd.f32 v6, v3  }
0x119: {  	v6 =	vld [tilespmem:s11+$0x300]  }
0x11a: {  	v3 =	vadd.f32 v4, v3  }
0x11b: {  	s12 =	sadd.s32 s5, s28;
	v4 =	vld [tilespmem:s11+$0x380]  }
0x11c: {  	s12 =	sadd.s32 s1, s12;
	v3 =	vadd.f32 v5, v3  }
0x11d: {  	v5 =	vld [tilespmem:s12+$0x0]  }
0x11e: {  	v3 =	vadd.f32 v6, v3  }
0x11f: {  	v6 =	vld [tilespmem:s11+$0x880]  }
0x120: {  	v3 =	vadd.f32 v4, v3  }
0x121: {  	v4 =	vld [tilespmem:s11+$0x900]  }
0x122: {  	v3 =	vadd.f32 v5, v3  }
0x123: {  	v5 =	vld [tilespmem:s11+$0x980]  }
0x124: {  	v3 =	vadd.f32 v6, v3  }
0x125: {  	v6 =	vld [tilespmem:s11+$0xA00]  }
0x126: {  	v3 =	vadd.f32 v4, v3  }
0x127: {  	v4 =	vld [tilespmem:s11+$0xA80]  }
0x128: {  	v3 =	vadd.f32 v5, v3  }
0x129: {  	v5 =	vld [tilespmem:s11+$0xB00]  }
0x12a: {  	v3 =	vadd.f32 v6, v3  }
0x12b: {  	s12 =	sadd.s32 s5, s30;
	v6 =	vld [tilespmem:s11+$0xB80]  }
0x12c: {  	s12 =	sadd.s32 s1, s12;
	v3 =	vadd.f32 v4, v3  }
0x12d: {  	v4 =	vld [tilespmem:s12+$0x0]  }
0x12e: {  	v3 =	vadd.f32 v5, v3  }
0x12f: {  	v5 =	vld [tilespmem:s11+$0x1080]  }
0x130: {  	v3 =	vadd.f32 v6, v3  }
0x131: {  	v6 =	vld [tilespmem:s11+$0x1100]  }
0x132: {  	v3 =	vadd.f32 v4, v3  }
0x133: {  	v4 =	vld [tilespmem:s11+$0x1180]  }
0x134: {  	v3 =	vadd.f32 v5, v3  }
0x135: {  	v5 =	vld [tilespmem:s11+$0x1200]  }
0x136: {  	v3 =	vadd.f32 v6, v3  }
0x137: {  	v6 =	vld [tilespmem:s11+$0x1280]  }
0x138: {  	v3 =	vadd.f32 v4, v3  }
0x139: {  	v4 =	vld [tilespmem:s11+$0x1300]  }
0x13a: {  	v3 =	vadd.f32 v5, v3  }
0x13b: {  	s5 =	sadd.s32 s5, s31;
	v5 =	vld [tilespmem:s11+$0x1380]  }
0x13c: {  	s5 =	sadd.s32 s1, s5;
	v3 =	vadd.f32 v6, v3  }
0x13d: {  	v6 =	vld [tilespmem:s5+$0x0]  }
0x13e: {  	v3 =	vadd.f32 v4, v3  }
0x13f: {  	v4 =	vld [tilespmem:s11+$0x1880]  }
0x140: {  	v3 =	vadd.f32 v5, v3  }
0x141: {  	v5 =	vld [tilespmem:s11+$0x1900]  }
0x142: {  	v3 =	vadd.f32 v6, v3  }
0x143: {  	v6 =	vld [tilespmem:s11+$0x1980]  }
0x144: {  	v3 =	vadd.f32 v4, v3  }
0x145: {  	v4 =	vld [tilespmem:s11+$0x1A00]  }
0x146: {  	v3 =	vadd.f32 v5, v3  }
0x147: {  	v5 =	vld [tilespmem:s11+$0x1A80]  }
0x148: {  	v3 =	vadd.f32 v6, v3  }
0x149: {  	v6 =	vld [tilespmem:s11+$0x1B00]  }
0x14a: {  	v3 =	vadd.f32 v4, v3  }
0x14b: {  	v4 =	vld [tilespmem:s11+$0x1B80]  }
.Ltmp0:
0x14c: {  	v3 =	vadd.f32 v5, v3;
	(pc) =	sbr.rel @p1 .LBB2_4-.Ltmp0, $4  }
0x14d: {  	_ = 	snop  }
0x14e: {  	s8 =	sadd.s32 $0x10, s8;
	s5 =	sshll.u32 s9, $0x6;
	s9 =	smov.u32 s10;
	v3 =	vadd.f32 v6, v3  }
0x14f: {  	s12 =	sand.u32 $0x70, s8;
	s13 =	sand.u32 $0x3FFFFE00, s5;
	s11 =	sshll.u32 s10, $0x7  }
0x150: {  	s10 =	sadd.s32 $0x1, s10;
	s5 =	sand.u32 $0xFFFFFC00, s11;
	s11 =	sadd.s32 s13, s0;
	v3 =	vadd.f32 v4, v3  }
0x151: {  	s8 =	sadd.s32 s5, s29;
	s10 =	sadd.s32 s1, s11  }
0x152: {  	s13 =	sadd.s32 s12, s8;
	[tilespmem:s10+$0x0] =	vst v3  }
0x153: {  	v3 =	vld [tilespmem:s13+$0x80]  }
0x154: {  	v4 =	vld [tilespmem:s13+$0x0];
	_ =	sdelay $0x1  }
0x155: {  	v5 =	vld [tilespmem:s13+$0x100];
	_ =	sdelay $0x1  }
0x156: {  	v6 =	vld [tilespmem:s13+$0x180]  }
0x157: {  	v3 =	vadd.f32 v3, v4  }
0x158: {  	v36 =	vld [tilespmem:s13+$0x200]  }
0x159: {  	v3 =	vadd.f32 v5, v3  }
0x15a: {  	v37 =	vld [tilespmem:s13+$0x280]  }
0x15b: {  	v3 =	vadd.f32 v6, v3  }
0x15c: {  	v38 =	vld [tilespmem:s13+$0x300]  }
0x15d: {  	v3 =	vadd.f32 v36, v3  }
0x15e: {  	s28 =	sadd.s32 s5, s28;
	v39 =	vld [tilespmem:s13+$0x380]  }
0x15f: {  	s8 =	sadd.s32 s12, s28;
	v3 =	vadd.f32 v37, v3  }
0x160: {  	v40 =	vld [tilespmem:s8+$0x0]  }
0x161: {  	v3 =	vadd.f32 v38, v3  }
0x162: {  	v41 =	vld [tilespmem:s13+$0x880]  }
0x163: {  	v3 =	vadd.f32 v39, v3  }
0x164: {  	v42 =	vld [tilespmem:s13+$0x900]  }
0x165: {  	v3 =	vadd.f32 v40, v3  }
0x166: {  	v43 =	vld [tilespmem:s13+$0x980]  }
0x167: {  	v3 =	vadd.f32 v41, v3  }
0x168: {  	v44 =	vld [tilespmem:s13+$0xA00]  }
0x169: {  	v3 =	vadd.f32 v42, v3  }
0x16a: {  	v45 =	vld [tilespmem:s13+$0xA80]  }
0x16b: {  	v3 =	vadd.f32 v43, v3  }
0x16c: {  	v46 =	vld [tilespmem:s13+$0xB00]  }
0x16d: {  	v3 =	vadd.f32 v44, v3  }
0x16e: {  	s29 =	sadd.s32 s5, s30;
	v47 =	vld [tilespmem:s13+$0xB80]  }
0x16f: {  	s8 =	sadd.s32 s12, s29;
	v3 =	vadd.f32 v45, v3  }
0x170: {  	v48 =	vld [tilespmem:s8+$0x0]  }
0x171: {  	v3 =	vadd.f32 v46, v3  }
0x172: {  	v49 =	vld [tilespmem:s13+$0x1080]  }
0x173: {  	v3 =	vadd.f32 v47, v3  }
0x174: {  	v50 =	vld [tilespmem:s13+$0x1100]  }
0x175: {  	v3 =	vadd.f32 v48, v3  }
0x176: {  	v51 =	vld [tilespmem:s13+$0x1180]  }
0x177: {  	v3 =	vadd.f32 v49, v3  }
0x178: {  	v52 =	vld [tilespmem:s13+$0x1200]  }
0x179: {  	v3 =	vadd.f32 v50, v3  }
0x17a: {  	v53 =	vld [tilespmem:s13+$0x1280]  }
0x17b: {  	v3 =	vadd.f32 v51, v3  }
0x17c: {  	v54 =	vld [tilespmem:s13+$0x1300]  }
0x17d: {  	v3 =	vadd.f32 v52, v3  }
0x17e: {  	s30 =	sadd.s32 s5, s31;
	v55 =	vld [tilespmem:s13+$0x1380]  }
0x17f: {  	s5 =	sadd.s32 s12, s30;
	v3 =	vadd.f32 v53, v3  }
0x180: {  	v56 =	vld [tilespmem:s5+$0x0]  }
0x181: {  	v3 =	vadd.f32 v54, v3  }
0x182: {  	v57 =	vld [tilespmem:s13+$0x1880]  }
0x183: {  	v3 =	vadd.f32 v55, v3  }
0x184: {  	v58 =	vld [tilespmem:s13+$0x1900]  }
0x185: {  	v3 =	vadd.f32 v56, v3  }
0x186: {  	v59 =	vld [tilespmem:s13+$0x1980]  }
0x187: {  	v3 =	vadd.f32 v57, v3  }
0x188: {  	v60 =	vld [tilespmem:s13+$0x1A00]  }
0x189: {  	v3 =	vadd.f32 v58, v3  }
0x18a: {  	v61 =	vld [tilespmem:s13+$0x1A80]  }
0x18b: {  	v3 =	vadd.f32 v59, v3  }
0x18c: {  	v62 =	vld [tilespmem:s13+$0x1B00]  }
0x18d: {  	v3 =	vadd.f32 v60, v3  }
0x18e: {  	v63 =	vld [tilespmem:s13+$0x1B80]  }
0x18f: {  	s26 =	sadd.s32 $0x1, s26;
	v3 =	vadd.f32 v61, v3  }
0x190: {  	p1 =	sne.s32 s26, $0x4  }
.Ltmp1:
0x191: {  	s31 =	sshll.u32 s9, $0x6;
	v3 =	vadd.f32 v62, v3;
	(pc) =	sbr.rel @p1 .LBB2_3-.Ltmp1, $4  }
0x192: {  	s1 =	sand.u32 $0x3FFFFE00, s31  }
0x193: {  	s0 =	sadd.s32 s1, s0;
	v3 =	vadd.f32 v63, v3  }
0x194: {  	s0 =	sadd.s32 s12, s0  }
0x195: {  	[tilespmem:s0+$0x0] =	vst v3  }
0x196: {  	p1 =	sne.s32 s23, $0xF  }
.Ltmp2:
0x197: {  	_ = 	snop;
	(pc) =	sbr.rel @p1 .LBB2_8-.Ltmp2, $4  }
0x198: {  	_ = 	snop  }
0x199: {  	s25 =	sadd.s32 s6, s25;
	s0 =	rddreg [dreg:$0x2]  }
0x19a: {  	s0 =	sadd.s32 s0, s25  }
0x19b: {  	[hbm4b:s0+s17] =	stream.strided.scatter [tilespmem:s19], [sflag:$0x3], $0x400, s18, s17, $0x38;
	[tilespmem:$0x11800] =	vst v63  }
.Ltmp3:
0x19c: {  	(pc) =	sbr.rel .LBB2_9-.Ltmp3, $4  }
0x19d: {  	_ = 	snop  }
0x19e: {  	_ =	swait.ge [sflag:s20], $0x8000  }
0x19f: {  	[sflag:s20] =	ssyncset.done $0x0  }
0x1a0: {  	[sflag:s20] =	ssyncadd.s32 $0xFFFF8000  }
.LBB2_8:
0x1a1: {  	v3 =	vld [tilespmem:s24+$0x10900];
	_ =	sdelay $0x4  }
0x1a2: {  	v4 =	vshll.u32 v3, $0x1  }
0x1a3: {  	v3 =	vand.u32 $0x7, v3;
	v4 =	vand.u32 $0xFFFFFFF0, v4  }
0x1a4: {  	v3 =	vor.u32 v3, v4  }
0x1a5: {  	v4 =	vperm.xlane v3, v0;
	_ =	sdelay $0x1  }
0x1a6: {  	v3 =	vperm.xlane v3, v2;
	v4 =	vadd.s32 v1, v4;
	_ =	sdelay $0x1  }
0x1a7: {  	v3 =	vadd.s32 v1, v3;
	_ =	sdelay $0x2  }
0x1a8: {  	[tilespmem:s4], [sflag:$0x1] =	stream.indirect_vreg.gather [hbm4b:s2+s4], $0x80, v4, vm0, $0xb8;
	[tilespmem:$0x11800] =	vst v63  }
0x1a9: {  	s0 =	simm.s32 $0x800  }
0x1aa: {  	[tilespmem:s0], [sflag:$0x1] =	stream.indirect_vreg.gather [hbm4b:s2+s4], $0x80, v3, vm0, $0xb8;
	[tilespmem:$0x11800] =	vst v63  }
0x1ab: {  	v3 =	vld [tilespmem:s24+$0x10910];
	_ =	sdelay $0x4  }
0x1ac: {  	v57 =	vshll.u32 v3, $0x1  }
0x1ad: {  	v3 =	vand.u32 $0x7, v3;
	v4 =	vand.u32 $0xFFFFFFF0, v57  }
0x1ae: {  	v3 =	vor.u32 v3, v4  }
0x1af: {  	v4 =	vperm.xlane v3, v0;
	_ =	sdelay $0x1  }
0x1b0: {  	v3 =	vperm.xlane v3, v2;
	v4 =	vadd.s32 v1, v4;
	_ =	sdelay $0x1  }
0x1b1: {  	v3 =	vadd.s32 v1, v3;
	_ =	sdelay $0x1  }
0x1b2: {  	s1 =	simm.s32 $0x1000  }
0x1b3: {  	[tilespmem:s1], [sflag:$0x1] =	stream.indirect_vreg.gather [hbm4b:s2+s4], $0x80, v4, vm0, $0xb8;
	[tilespmem:$0x11800] =	vst v63  }
0x1b4: {  	s3 =	simm.s32 $0x1800  }
0x1b5: {  	[tilespmem:s3], [sflag:$0x1] =	stream.indirect_vreg.gather [hbm4b:s2+s4], $0x80, v3, vm0, $0xb8;
	[tilespmem:$0x11800] =	vst v63  }
0x1b6: {  	v3 =	vld [tilespmem:s24+$0x10920];
	_ =	sdelay $0x4  }
0x1b7: {  	v58 =	vshll.u32 v3, $0x1  }
0x1b8: {  	v3 =	vand.u32 $0x7, v3;
	v4 =	vand.u32 $0xFFFFFFF0, v58  }
0x1b9: {  	v3 =	vor.u32 v3, v4  }
0x1ba: {  	v4 =	vperm.xlane v3, v0;
	_ =	sdelay $0x1  }
0x1bb: {  	v3 =	vperm.xlane v3, v2;
	v4 =	vadd.s32 v1, v4;
	_ =	sdelay $0x1  }
0x1bc: {  	v3 =	vadd.s32 v1, v3;
	_ =	sdelay $0x1  }
0x1bd: {  	s5 =	simm.s32 $0x2000  }
0x1be: {  	[tilespmem:s5], [sflag:$0x1] =	stream.indirect_vreg.gather [hbm4b:s2+s4], $0x80, v4, vm0, $0xb8;
	[tilespmem:$0x11800] =	vst v63  }
0x1bf: {  	s8 =	simm.s32 $0x2800  }
0x1c0: {  	[tilespmem:s8], [sflag:$0x1] =	stream.indirect_vreg.gather [hbm4b:s2+s4], $0x80, v3, vm0, $0xb8;
	[tilespmem:$0x11800] =	vst v63  }
0x1c1: {  	v3 =	vld [tilespmem:s24+$0x10930];
	_ =	sdelay $0x4  }
0x1c2: {  	v59 =	vshll.u32 v3, $0x1  }
0x1c3: {  	v3 =	vand.u32 $0x7, v3;
	v4 =	vand.u32 $0xFFFFFFF0, v59  }
0x1c4: {  	v3 =	vor.u32 v3, v4  }
0x1c5: {  	v4 =	vperm.xlane v3, v0;
	_ =	sdelay $0x1  }
0x1c6: {  	v3 =	vperm.xlane v3, v2;
	v4 =	vadd.s32 v1, v4;
	_ =	sdelay $0x1  }
0x1c7: {  	v3 =	vadd.s32 v1, v3;
	_ =	sdelay $0x1  }
0x1c8: {  	s9 =	simm.s32 $0x3000  }
0x1c9: {  	[tilespmem:s9], [sflag:$0x1] =	stream.indirect_vreg.gather [hbm4b:s2+s4], $0x80, v4, vm0, $0xb8;
	[tilespmem:$0x11800] =	vst v63  }
0x1ca: {  	s10 =	simm.s32 $0x3800  }
0x1cb: {  	[tilespmem:s10], [sflag:$0x1] =	stream.indirect_vreg.gather [hbm4b:s2+s4], $0x80, v3, vm0, $0xb8;
	[tilespmem:$0x11800] =	vst v63  }
0x1cc: {  	v3 =	vld [tilespmem:s24+$0x10940];
	_ =	sdelay $0x4  }
0x1cd: {  	v60 =	vshll.u32 v3, $0x1  }
0x1ce: {  	v3 =	vand.u32 $0x7, v3;
	v4 =	vand.u32 $0xFFFFFFF0, v60  }
0x1cf: {  	v3 =	vor.u32 v3, v4  }
0x1d0: {  	v4 =	vperm.xlane v3, v0;
	_ =	sdelay $0x1  }
0x1d1: {  	v3 =	vperm.xlane v3, v2;
	v4 =	vadd.s32 v1, v4;
	_ =	sdelay $0x1  }
0x1d2: {  	v3 =	vadd.s32 v1, v3;
	_ =	sdelay $0x1  }
0x1d3: {  	s11 =	simm.s32 $0x4000  }
0x1d4: {  	[tilespmem:s11], [sflag:$0x1] =	stream.indirect_vreg.gather [hbm4b:s2+s4], $0x80, v4, vm0, $0xb8;
	[tilespmem:$0x11800] =	vst v63  }
0x1d5: {  	s12 =	simm.s32 $0x4800  }
0x1d6: {  	[tilespmem:s12], [sflag:$0x1] =	stream.indirect_vreg.gather [hbm4b:s2+s4], $0x80, v3, vm0, $0xb8;
	[tilespmem:$0x11800] =	vst v63  }
0x1d7: {  	v3 =	vld [tilespmem:s24+$0x10950];
	_ =	sdelay $0x4  }
0x1d8: {  	v61 =	vshll.u32 v3, $0x1  }
0x1d9: {  	v3 =	vand.u32 $0x7, v3;
	v4 =	vand.u32 $0xFFFFFFF0, v61  }
0x1da: {  	v3 =	vor.u32 v3, v4  }
0x1db: {  	v4 =	vperm.xlane v3, v0;
	_ =	sdelay $0x1  }
0x1dc: {  	v3 =	vperm.xlane v3, v2;
	v4 =	vadd.s32 v1, v4;
	_ =	sdelay $0x1  }
0x1dd: {  	v3 =	vadd.s32 v1, v3;
	_ =	sdelay $0x1  }
0x1de: {  	s13 =	simm.s32 $0x5000  }
0x1df: {  	[tilespmem:s13], [sflag:$0x1] =	stream.indirect_vreg.gather [hbm4b:s2+s4], $0x80, v4, vm0, $0xb8;
	[tilespmem:$0x11800] =	vst v63  }
0x1e0: {  	s26 =	simm.s32 $0x5800  }
0x1e1: {  	[tilespmem:s26], [sflag:$0x1] =	stream.indirect_vreg.gather [hbm4b:s2+s4], $0x80, v3, vm0, $0xb8;
	[tilespmem:$0x11800] =	vst v63  }
0x1e2: {  	v3 =	vld [tilespmem:s24+$0x10960];
	_ =	sdelay $0x4  }
0x1e3: {  	v62 =	vshll.u32 v3, $0x1  }
0x1e4: {  	v3 =	vand.u32 $0x7, v3;
	v4 =	vand.u32 $0xFFFFFFF0, v62  }
0x1e5: {  	v3 =	vor.u32 v3, v4  }
0x1e6: {  	v4 =	vperm.xlane v3, v0;
	_ =	sdelay $0x1  }
0x1e7: {  	v3 =	vperm.xlane v3, v2;
	v4 =	vadd.s32 v1, v4;
	_ =	sdelay $0x1  }
0x1e8: {  	v3 =	vadd.s32 v1, v3;
	_ =	sdelay $0x1  }
0x1e9: {  	s28 =	simm.s32 $0x6000  }
0x1ea: {  	[tilespmem:s28], [sflag:$0x1] =	stream.indirect_vreg.gather [hbm4b:s2+s4], $0x80, v4, vm0, $0xb8;
	[tilespmem:$0x11800] =	vst v63  }
0x1eb: {  	s29 =	simm.s32 $0x6800  }
0x1ec: {  	[tilespmem:s29], [sflag:$0x1] =	stream.indirect_vreg.gather [hbm4b:s2+s4], $0x80, v3, vm0, $0xb8;
	[tilespmem:$0x11800] =	vst v63  }
0x1ed: {  	v3 =	vld [tilespmem:s24+$0x10970];
	_ =	sdelay $0x4  }
0x1ee: {  	v63 =	vshll.u32 v3, $0x1  }
0x1ef: {  	v3 =	vand.u32 $0x7, v3;
	v4 =	vand.u32 $0xFFFFFFF0, v63  }
0x1f0: {  	v3 =	vor.u32 v3, v4  }
0x1f1: {  	v4 =	vperm.xlane v3, v0;
	_ =	sdelay $0x1  }
0x1f2: {  	v3 =	vperm.xlane v3, v2;
	v4 =	vadd.s32 v1, v4;
	_ =	sdelay $0x1  }
0x1f3: {  	v3 =	vadd.s32 v1, v3;
	_ =	sdelay $0x1  }
0x1f4: {  	s30 =	simm.s32 $0x7000  }
0x1f5: {  	[tilespmem:s30], [sflag:$0x1] =	stream.indirect_vreg.gather [hbm4b:s2+s4], $0x80, v4, vm0, $0xb8;
	[tilespmem:$0x11800] =	vst v63  }
.Ltmp4:
0x1f6: {  	s31 =	simm.s32 $0x7800;
	(pc) =	sbr.rel @p0 .LBB2_10-.Ltmp4, $4  }
0x1f7: {  	[tilespmem:s31], [sflag:$0x1] =	stream.indirect_vreg.gather [hbm4b:s2+s4], $0x80, v3, vm0, $0xb8;
	[tilespmem:$0x11800] =	vst v63  }
0x1f8: {  	_ =	swait.ge [sflag:s20], $0x8000  }
0x1f9: {  	[sflag:s20] =	ssyncset.done $0x0  }
0x1fa: {  	[sflag:s20] =	ssyncadd.s32 $0xFFFF8000  }
.LBB2_9:
0x1fb: {  	_ =	swait.ge [sflag:s21], $0x400  }
0x1fc: {  	[sflag:s21] =	ssyncset.done $0x0  }
0x1fd: {  	[sflag:s21] =	ssyncadd.s32 $0xFFFFFC00  }
.LBB2_10:
0x1fe: {  	s24 =	simm.s32 $0x0;
	s3 =	simm.s32 $0x0  }
.LBB2_11:
0x1ff: {  	s0 =	sshll.u32 s3, $0xD  }
0x200: {  	s10 =	simm.s32 $0x0;
	s5 =	sand.u32 $0x3FFFE000, s0  }
0x201: {  	s8 =	sand.u32 $0xFFFFFC00, s10;
	s28 =	sadd.s32 $0x8000, s5  }
0x202: {  	s1 =	sand.u32 $0x70, s24;
	s0 =	sadd.s32 s8, s28  }
0x203: {  	s0 =	sadd.s32 s1, s0  }
0x204: {  	v3 =	vld [tilespmem:s0+$0x80]  }
0x205: {  	v4 =	vld [tilespmem:s0+$0x0];
	_ =	sdelay $0x1  }
0x206: {  	v5 =	vld [tilespmem:s0+$0x100];
	_ =	sdelay $0x1  }
0x207: {  	v6 =	vld [tilespmem:s0+$0x180]  }
0x208: {  	v3 =	vadd.f32 v3, v4  }
0x209: {  	v4 =	vld [tilespmem:s0+$0x200]  }
0x20a: {  	v3 =	vadd.f32 v5, v3  }
0x20b: {  	v5 =	vld [tilespmem:s0+$0x280]  }
0x20c: {  	v3 =	vadd.f32 v6, v3  }
0x20d: {  	v55 =	vld [tilespmem:s0+$0x300]  }
0x20e: {  	s26 =	sadd.s32 $0x8800, s5;
	v3 =	vadd.f32 v4, v3  }
0x20f: {  	s9 =	sadd.s32 s8, s26;
	v4 =	vld [tilespmem:s0+$0x380]  }
0x210: {  	s9 =	sadd.s32 s1, s9;
	v3 =	vadd.f32 v5, v3  }
0x211: {  	v5 =	vld [tilespmem:s9+$0x0]  }
0x212: {  	v3 =	vadd.f32 v55, v3  }
0x213: {  	v56 =	vld [tilespmem:s0+$0x880]  }
0x214: {  	v3 =	vadd.f32 v4, v3  }
0x215: {  	v4 =	vld [tilespmem:s0+$0x900]  }
0x216: {  	v3 =	vadd.f32 v5, v3  }
0x217: {  	v5 =	vld [tilespmem:s0+$0x980]  }
0x218: {  	v3 =	vadd.f32 v56, v3  }
0x219: {  	v57 =	vld [tilespmem:s0+$0xA00]  }
0x21a: {  	v3 =	vadd.f32 v4, v3  }
0x21b: {  	v4 =	vld [tilespmem:s0+$0xA80]  }
0x21c: {  	v3 =	vadd.f32 v5, v3  }
0x21d: {  	v5 =	vld [tilespmem:s0+$0xB00]  }
0x21e: {  	s29 =	sadd.s32 $0x9000, s5;
	v3 =	vadd.f32 v57, v3  }
0x21f: {  	s11 =	sadd.s32 s8, s29;
	v58 =	vld [tilespmem:s0+$0xB80]  }
0x220: {  	s9 =	sadd.s32 s1, s11;
	v3 =	vadd.f32 v4, v3  }
0x221: {  	v4 =	vld [tilespmem:s9+$0x0]  }
0x222: {  	v3 =	vadd.f32 v5, v3  }
0x223: {  	v5 =	vld [tilespmem:s0+$0x1080]  }
0x224: {  	v3 =	vadd.f32 v58, v3  }
0x225: {  	v59 =	vld [tilespmem:s0+$0x1100]  }
0x226: {  	v3 =	vadd.f32 v4, v3  }
0x227: {  	v4 =	vld [tilespmem:s0+$0x1180]  }
0x228: {  	v3 =	vadd.f32 v5, v3  }
0x229: {  	v5 =	vld [tilespmem:s0+$0x1200]  }
0x22a: {  	v3 =	vadd.f32 v59, v3  }
0x22b: {  	v60 =	vld [tilespmem:s0+$0x1280]  }
0x22c: {  	v3 =	vadd.f32 v4, v3  }
0x22d: {  	v4 =	vld [tilespmem:s0+$0x1300]  }
0x22e: {  	s30 =	sadd.s32 $0x9800, s5;
	v3 =	vadd.f32 v5, v3  }
0x22f: {  	s5 =	sadd.s32 s8, s30;
	v5 =	vld [tilespmem:s0+$0x1380]  }
0x230: {  	s5 =	sadd.s32 s1, s5;
	v3 =	vadd.f32 v60, v3  }
0x231: {  	v61 =	vld [tilespmem:s5+$0x0]  }
0x232: {  	v3 =	vadd.f32 v4, v3  }
0x233: {  	v4 =	vld [tilespmem:s0+$0x1880]  }
0x234: {  	v3 =	vadd.f32 v5, v3  }
0x235: {  	v5 =	vld [tilespmem:s0+$0x1900]  }
0x236: {  	v3 =	vadd.f32 v61, v3  }
0x237: {  	v62 =	vld [tilespmem:s0+$0x1980]  }
0x238: {  	v3 =	vadd.f32 v4, v3  }
0x239: {  	v4 =	vld [tilespmem:s0+$0x1A00]  }
0x23a: {  	v3 =	vadd.f32 v5, v3  }
0x23b: {  	v5 =	vld [tilespmem:s0+$0x1A80]  }
0x23c: {  	v3 =	vadd.f32 v62, v3  }
0x23d: {  	v63 =	vld [tilespmem:s0+$0x1B00]  }
0x23e: {  	v3 =	vadd.f32 v4, v3  }
0x23f: {  	v4 =	vld [tilespmem:s0+$0x1B80]  }
0x240: {  	v3 =	vadd.f32 v5, v3  }
0x241: {  	s12 =	sshll.u32 s3, $0x7;
	s31 =	simm.s32 $0x0;
	s8 =	simm.s32 $0x10  }
0x242: {  	s13 =	sand.u32 $0x3FFFFF80, s12;
	s10 =	simm.s32 $0x80;
	s12 =	sand.u32 $0x70, s8;
	v3 =	vadd.f32 v63, v3  }
0x243: {  	s5 =	sand.u32 $0xFFFFFC00, s10;
	s11 =	sand.u32 $0x3FFFFE00, s31;
	s0 =	sadd.s32 $0x10400, s13  }
0x244: {  	s10 =	simm.s32 $0x2;
	s9 =	simm.s32 $0x1;
	s11 =	sadd.s32 s11, s0;
	v3 =	vadd.f32 v4, v3  }
.LBB2_12:
0x245: {  	p0 =	sne.s32 s10, $0xF;
	s13 =	sadd.s32 s5, s28;
	s1 =	sadd.s32 s1, s11  }
0x246: {  	s11 =	sadd.s32 s12, s13;
	[tilespmem:s1+$0x0] =	vst v3;
	s1 =	smov.u32 s12  }
0x247: {  	v3 =	vld [tilespmem:s11+$0x80]  }
0x248: {  	v4 =	vld [tilespmem:s11+$0x0];
	_ =	sdelay $0x1  }
0x249: {  	v5 =	vld [tilespmem:s11+$0x100];
	_ =	sdelay $0x1  }
0x24a: {  	v6 =	vld [tilespmem:s11+$0x180]  }
0x24b: {  	v3 =	vadd.f32 v3, v4  }
0x24c: {  	v4 =	vld [tilespmem:s11+$0x200]  }
0x24d: {  	v3 =	vadd.f32 v5, v3  }
0x24e: {  	v5 =	vld [tilespmem:s11+$0x280]  }
0x24f: {  	v3 =	vadd.f32 v6, v3  }
0x250: {  	v6 =	vld [tilespmem:s11+$0x300]  }
0x251: {  	v3 =	vadd.f32 v4, v3  }
0x252: {  	s12 =	sadd.s32 s5, s26;
	v4 =	vld [tilespmem:s11+$0x380]  }
0x253: {  	s12 =	sadd.s32 s1, s12;
	v3 =	vadd.f32 v5, v3  }
0x254: {  	v5 =	vld [tilespmem:s12+$0x0]  }
0x255: {  	v3 =	vadd.f32 v6, v3  }
0x256: {  	v6 =	vld [tilespmem:s11+$0x880]  }
0x257: {  	v3 =	vadd.f32 v4, v3  }
0x258: {  	v4 =	vld [tilespmem:s11+$0x900]  }
0x259: {  	v3 =	vadd.f32 v5, v3  }
0x25a: {  	v5 =	vld [tilespmem:s11+$0x980]  }
0x25b: {  	v3 =	vadd.f32 v6, v3  }
0x25c: {  	v6 =	vld [tilespmem:s11+$0xA00]  }
0x25d: {  	v3 =	vadd.f32 v4, v3  }
0x25e: {  	v4 =	vld [tilespmem:s11+$0xA80]  }
0x25f: {  	v3 =	vadd.f32 v5, v3  }
0x260: {  	v5 =	vld [tilespmem:s11+$0xB00]  }
0x261: {  	v3 =	vadd.f32 v6, v3  }
0x262: {  	s12 =	sadd.s32 s5, s29;
	v6 =	vld [tilespmem:s11+$0xB80]  }
0x263: {  	s12 =	sadd.s32 s1, s12;
	v3 =	vadd.f32 v4, v3  }
0x264: {  	v4 =	vld [tilespmem:s12+$0x0]  }
0x265: {  	v3 =	vadd.f32 v5, v3  }
0x266: {  	v5 =	vld [tilespmem:s11+$0x1080]  }
0x267: {  	v3 =	vadd.f32 v6, v3  }
0x268: {  	v6 =	vld [tilespmem:s11+$0x1100]  }
0x269: {  	v3 =	vadd.f32 v4, v3  }
0x26a: {  	v4 =	vld [tilespmem:s11+$0x1180]  }
0x26b: {  	v3 =	vadd.f32 v5, v3  }
0x26c: {  	v5 =	vld [tilespmem:s11+$0x1200]  }
0x26d: {  	v3 =	vadd.f32 v6, v3  }
0x26e: {  	v6 =	vld [tilespmem:s11+$0x1280]  }
0x26f: {  	v3 =	vadd.f32 v4, v3  }
0x270: {  	v4 =	vld [tilespmem:s11+$0x1300]  }
0x271: {  	v3 =	vadd.f32 v5, v3  }
0x272: {  	s5 =	sadd.s32 s5, s30;
	v5 =	vld [tilespmem:s11+$0x1380]  }
0x273: {  	s5 =	sadd.s32 s1, s5;
	v3 =	vadd.f32 v6, v3  }
0x274: {  	v6 =	vld [tilespmem:s5+$0x0]  }
0x275: {  	v3 =	vadd.f32 v4, v3  }
0x276: {  	v4 =	vld [tilespmem:s11+$0x1880]  }
0x277: {  	v3 =	vadd.f32 v5, v3  }
0x278: {  	v5 =	vld [tilespmem:s11+$0x1900]  }
0x279: {  	v3 =	vadd.f32 v6, v3  }
0x27a: {  	v6 =	vld [tilespmem:s11+$0x1980]  }
0x27b: {  	v3 =	vadd.f32 v4, v3  }
0x27c: {  	v4 =	vld [tilespmem:s11+$0x1A00]  }
0x27d: {  	v3 =	vadd.f32 v5, v3  }
0x27e: {  	v5 =	vld [tilespmem:s11+$0x1A80]  }
0x27f: {  	v3 =	vadd.f32 v6, v3  }
0x280: {  	v6 =	vld [tilespmem:s11+$0x1B00]  }
0x281: {  	v3 =	vadd.f32 v4, v3  }
0x282: {  	v4 =	vld [tilespmem:s11+$0x1B80]  }
.Ltmp5:
0x283: {  	v3 =	vadd.f32 v5, v3;
	(pc) =	sbr.rel @p0 .LBB2_12-.Ltmp5, $4  }
0x284: {  	_ = 	snop  }
0x285: {  	s8 =	sadd.s32 $0x10, s8;
	s5 =	sshll.u32 s9, $0x6;
	s9 =	smov.u32 s10;
	v3 =	vadd.f32 v6, v3  }
0x286: {  	s12 =	sand.u32 $0x70, s8;
	s13 =	sand.u32 $0x3FFFFE00, s5;
	s11 =	sshll.u32 s10, $0x7  }
0x287: {  	s10 =	sadd.s32 $0x1, s10;
	s5 =	sand.u32 $0xFFFFFC00, s11;
	s11 =	sadd.s32 s13, s0;
	v3 =	vadd.f32 v4, v3  }
0x288: {  	s8 =	sadd.s32 s5, s28;
	s10 =	sadd.s32 s1, s11  }
0x289: {  	s13 =	sadd.s32 s12, s8;
	[tilespmem:s10+$0x0] =	vst v3  }
0x28a: {  	v3 =	vld [tilespmem:s13+$0x80]  }
0x28b: {  	v4 =	vld [tilespmem:s13+$0x0];
	_ =	sdelay $0x1  }
0x28c: {  	v5 =	vld [tilespmem:s13+$0x100];
	_ =	sdelay $0x1  }
0x28d: {  	v6 =	vld [tilespmem:s13+$0x180]  }
0x28e: {  	v3 =	vadd.f32 v3, v4  }
0x28f: {  	v36 =	vld [tilespmem:s13+$0x200]  }
0x290: {  	v3 =	vadd.f32 v5, v3  }
0x291: {  	v37 =	vld [tilespmem:s13+$0x280]  }
0x292: {  	v3 =	vadd.f32 v6, v3  }
0x293: {  	v38 =	vld [tilespmem:s13+$0x300]  }
0x294: {  	v3 =	vadd.f32 v36, v3  }
0x295: {  	s28 =	sadd.s32 s5, s26;
	v39 =	vld [tilespmem:s13+$0x380]  }
0x296: {  	s8 =	sadd.s32 s12, s28;
	v3 =	vadd.f32 v37, v3  }
0x297: {  	v40 =	vld [tilespmem:s8+$0x0]  }
0x298: {  	v3 =	vadd.f32 v38, v3  }
0x299: {  	v41 =	vld [tilespmem:s13+$0x880]  }
0x29a: {  	v3 =	vadd.f32 v39, v3  }
0x29b: {  	v42 =	vld [tilespmem:s13+$0x900]  }
0x29c: {  	v3 =	vadd.f32 v40, v3  }
0x29d: {  	v43 =	vld [tilespmem:s13+$0x980]  }
0x29e: {  	v3 =	vadd.f32 v41, v3  }
0x29f: {  	v44 =	vld [tilespmem:s13+$0xA00]  }
0x2a0: {  	v3 =	vadd.f32 v42, v3  }
0x2a1: {  	v45 =	vld [tilespmem:s13+$0xA80]  }
0x2a2: {  	v3 =	vadd.f32 v43, v3  }
0x2a3: {  	v46 =	vld [tilespmem:s13+$0xB00]  }
0x2a4: {  	v3 =	vadd.f32 v44, v3  }
0x2a5: {  	s29 =	sadd.s32 s5, s29;
	v47 =	vld [tilespmem:s13+$0xB80]  }
0x2a6: {  	s8 =	sadd.s32 s12, s29;
	v3 =	vadd.f32 v45, v3  }
0x2a7: {  	v48 =	vld [tilespmem:s8+$0x0]  }
0x2a8: {  	v3 =	vadd.f32 v46, v3  }
0x2a9: {  	v49 =	vld [tilespmem:s13+$0x1080]  }
0x2aa: {  	v3 =	vadd.f32 v47, v3  }
0x2ab: {  	v50 =	vld [tilespmem:s13+$0x1100]  }
0x2ac: {  	v3 =	vadd.f32 v48, v3  }
0x2ad: {  	v51 =	vld [tilespmem:s13+$0x1180]  }
0x2ae: {  	v3 =	vadd.f32 v49, v3  }
0x2af: {  	v52 =	vld [tilespmem:s13+$0x1200]  }
0x2b0: {  	v3 =	vadd.f32 v50, v3  }
0x2b1: {  	v53 =	vld [tilespmem:s13+$0x1280]  }
0x2b2: {  	v3 =	vadd.f32 v51, v3  }
0x2b3: {  	v54 =	vld [tilespmem:s13+$0x1300]  }
0x2b4: {  	v3 =	vadd.f32 v52, v3  }
0x2b5: {  	s30 =	sadd.s32 s5, s30;
	v55 =	vld [tilespmem:s13+$0x1380]  }
0x2b6: {  	s5 =	sadd.s32 s12, s30;
	v3 =	vadd.f32 v53, v3  }
0x2b7: {  	v56 =	vld [tilespmem:s5+$0x0]  }
0x2b8: {  	v3 =	vadd.f32 v54, v3  }
0x2b9: {  	v57 =	vld [tilespmem:s13+$0x1880]  }
0x2ba: {  	v3 =	vadd.f32 v55, v3  }
0x2bb: {  	v58 =	vld [tilespmem:s13+$0x1900]  }
0x2bc: {  	v3 =	vadd.f32 v56, v3  }
0x2bd: {  	v59 =	vld [tilespmem:s13+$0x1980]  }
0x2be: {  	v3 =	vadd.f32 v57, v3  }
0x2bf: {  	v60 =	vld [tilespmem:s13+$0x1A00]  }
0x2c0: {  	v3 =	vadd.f32 v58, v3  }
0x2c1: {  	v61 =	vld [tilespmem:s13+$0x1A80]  }
0x2c2: {  	v3 =	vadd.f32 v59, v3  }
0x2c3: {  	v62 =	vld [tilespmem:s13+$0x1B00]  }
0x2c4: {  	v3 =	vadd.f32 v60, v3  }
0x2c5: {  	v63 =	vld [tilespmem:s13+$0x1B80]  }
0x2c6: {  	s3 =	sadd.s32 $0x1, s3;
	v3 =	vadd.f32 v61, v3  }
0x2c7: {  	p0 =	sne.s32 s3, $0x4  }
.Ltmp6:
0x2c8: {  	s31 =	sshll.u32 s9, $0x6;
	v3 =	vadd.f32 v62, v3;
	(pc) =	sbr.rel @p0 .LBB2_11-.Ltmp6, $4  }
0x2c9: {  	s1 =	sand.u32 $0x3FFFFE00, s31  }
0x2ca: {  	s0 =	sadd.s32 s1, s0;
	v3 =	vadd.f32 v63, v3  }
0x2cb: {  	s0 =	sadd.s32 s12, s0  }
0x2cc: {  	[tilespmem:s0+$0x0] =	vst v3  }
0x2cd: {  	s23 =	sadd.s32 $0x1, s23  }
0x2ce: {  	p0 =	sne.s32 s23, $0x10  }
.Ltmp7:
0x2cf: {  	_ = 	snop;
	(pc) =	sbr.rel @p0 .LBB2_2-.Ltmp7, $3  }
0x2d0: {  	_ =	sdelay $0x1  }
0x2d1: {  	s0 =	sadd.s32 s25, s7  }
0x2d2: {  	[hbm4b:s0+s17] =	stream.strided.scatter [tilespmem:s22], [sflag:$0x4], $0x400, s18, s17, $0x38;
	[tilespmem:$0x11800] =	vst v63  }
0x2d3: {  	s0 =	simm.s32 $0x3  }
0x2d4: {  	_ =	swait.ge [sflag:s0], $0x400  }
0x2d5: {  	[sflag:s0] =	ssyncset.done $0x0  }
0x2d6: {  	[sflag:s0] =	ssyncadd.s32 $0xFFFFFC00  }
0x2d7: {  	_ =	swait.ge [sflag:s21], $0x400  }
0x2d8: {  	s1 =	rddreg [dreg:$0x6]  }
0x2d9: {  	s31 =	rddreg [dreg:$0x5];
	s1 =	sadd.s32 $0x1, s1  }
0x2da: {  	p0 =	sne.s32 s1, s31  }
.Ltmp8:
0x2db: {  	_ = 	snop;
	(pc) =	sbr.rel @p0 .LBB2_1-.Ltmp8, $3  }
0x2dc: {  	_ =	sdelay $0x1  }
0x2dd: {  	[sflag:s21] =	ssyncset.done $0x0  }
0x2de: {  	[sflag:s21] =	ssyncadd.s32 $0xFFFFFC00  }
0x2df: {  	_ =	sfence.sel $0x180000  }
0x2e0: {  	[bflag:$0x0] =	sbarrier.arrive $0xFFFF  }
0x2e1: {  	_ =	strace $0x90000047  }
0x2e2: {  	s0 =	stileid.u32;
	[bflag:$0x2] =	sbarrier.arrive $0xFFFF  }
0x2e3: {  	p0 =	sne.s32 s0, $0x0;
	s0 =	rddreg [dreg:$0x3]  }
0x2e4: {  	s0 =	sadd.s32 @!p0 $0x100000, s0  }
0x2e5: {  	[sflag:s0] =	ssyncadd.tile.s32 @!p0 $0x1;
	_ =	shalt  }
.Lfunc_end2:
_tile_overlayer_lowered:
.L_overlay_start_2:
0x2e6: {  	(tag) =	ssettag $0x2  }
0x2e7: {  	s0 =	rddreg [dreg:$0x0];
	s2 =	stileid.u32  }
0x2e8: {  	s1 =	rddreg [dreg:$0x1];
	p0 =	sne.s32 s2, $0x0  }
0x2e9: {  	s3 =	rddreg [dreg:$0x2];
	[bflag:$0x3] =	sbarrier.arrive $0xFFFF;
	s2 =	simm.s32 @!p0 $0x1C05  }
0x2ea: {  	[timem:s3], [sflag:s2] =	dma.local @!p0 [hbm:s0], s1  }
0x2eb: {  	s0 =	simm.s32 @!p0 $0x5  }
0x2ec: {  	_ =	swait.ge @!p0 [sflag:s0], s1  }
0x2ed: {  	s1 =	ssub.s32 @!p0 $0x0, s1;
	[sflag:s0] =	ssyncset.done @!p0 $0x0  }
0x2ee: {  	[sflag:s0] =	ssyncadd.s32 @!p0 s1  }
0x2ef: {  	[bflag:$0x3] =	sbarrier.arrive $0xFFFF  }
0x2f0: {  	_ =	shalt  }

// kernel: kernel.9.cloned.1.call-start
scs
__scs_entry_jumppad:
0x0: {  	(pc) =	sbr.rel $0x88, $3  }
0x1: {  	(tag) =	ssettag $0x0;
	lr =	simm.s32 $0x1  }
0x2: {  	[smem:$0x3F8F] =	sst lr;
	_ =	strace $0xD0000000  }
0x3: {  	_ = 	snop  }
0x4: {  	_ = 	snop  }
0x5: {  	_ = 	snop  }
0x6: {  	_ = 	snop  }
0x7: {  	_ = 	snop  }
__scs_overlays_trampoline_lowered:
0x8: {  	[smem:$0x3F9E] =	sst s0  }
0x9: {  	[smem:$0x3F9F] =	sst s1  }
0xa: {  	[smem:$0x3FA0] =	sst s2  }
0xb: {  	[smem:$0x3FA1] =	sst s3  }
0xc: {  	[smem:$0x3FA2] =	sst s4  }
0xd: {  	[smem:$0x3FA3] =	sst s5  }
0xe: {  	[smem:$0x3FA4] =	sst s6  }
0xf: {  	[smem:$0x3FA5] =	sst s7  }
0x10: {  	[smem:$0x3FA6] =	sst s8  }
0x11: {  	[smem:$0x3FA7] =	sst s9;
	s0 =	simm.s32 @!p0 $0x0  }
0x12: {  	s1 =	sld [smem:$0x3F8D];
	s0 =	simm.s32 @p0 $0x1  }
0x13: {  	[smem:$0x3FA8] =	sst s0;
	s0 =	simm.s32 @!p1 $0x0  }
0x14: {  	s2 =	sld [smem:$0x3F8C];
	s0 =	simm.s32 @p1 $0x1  }
0x15: {  	[smem:$0x3FA9] =	sst s0;
	s0 =	simm.s32 @!p2 $0x0  }
0x16: {  	s3 =	sld [smem:$0x3FDB];
	s0 =	simm.s32 @p2 $0x1  }
0x17: {  	s4 =	simm.s32 $0x1BF5;
	[smem:$0x3FAB] =	sst s0  }
0x18: {  	s0 =	sld [smem:$0x3F8E];
	_ =	swait.ge [sflag:s4], $0x0  }
0x19: {  	s7 =	sld [smem:$0x3F8F]  }
0x1a: {  	s8 =	sadd.s32 $0xFFFFE003, lr  }
0x1b: {  	s9 =	sadd.s32 $0xFFFFFEF7, lr;
	s5 =	simm.s32 $0xFFFFFFFF;
	p2 =	slt.u32 s8, $0xFFFFF086  }
0x1c: {  	p1 =	slt.u32 s9, $0xF7A;
	s5 =	simm.s32 @!p2 $0x0  }
0x1d: {  	s5 =	simm.s32 @p1 $0x1;
	p0 =	seq.s32 s7, s2  }
0x1e: {  	s7 =	smul.u32 @!p0 $0xF7A, s2;
	p2 =	seq.s32 @!p0 s5, $0x0  }
0x1f: {  	s9 =	smul.u32 $0xF7A, s1;
	s8 =	simm.s32 @!p0 $0x1BF5;
	p2 =	por !p2, p0  }
0x20: {  	[sflag:s8] =	ssyncset.s32 @!p0 $0xFFFFF086;
	s6 =	sadd.s32 @!p0 s3, s7;
	s7 =	simm.s32 @!p0 $0x108  }
0x21: {  	s3 =	sadd.s32 s3, s9;
	s6 =	sadd.s32 @!p0 $0x88, s6;
	s7 =	simm.s32 @p2 $0x1082  }
0x22: {  	[simem:s7], [sflag:s8] =	dma.local @!p0 [hbm:s6], $0xF7A  }
0x23: {  	s9 =	sor.u32 $0xD0000000, s2;
	s6 =	simm.s32 $0x108;
	_ =	swait.ge @!p0 [sflag:s8], $0x0  }
0x24: {  	s3 =	sadd.s32 $0x88, s3;
	s6 =	simm.s32 @!p1 $0x1082;
	[sflag:s4] =	ssyncset.s32 $0xFFFFF086  }
0x25: {  	[simem:s6], [sflag:s4] =	dma.local [hbm:s3], $0xF7A  }
0x26: {  	[smem:$0x3F8F] =	sst s1;
	(tag) =	ssettag s2;
	_ =	strace s9  }
0x27: {  	s1 =	sld [smem:$0x3F9F]  }
0x28: {  	s2 =	sld [smem:$0x3FA0]  }
0x29: {  	s4 =	sld [smem:$0x3FA2]  }
0x2a: {  	p0 =	seq.s32 s5, $0x0;
	s5 =	sld [smem:$0x3FA3]  }
0x2b: {  	s6 =	sld [smem:$0x3FA4]  }
0x2c: {  	s7 =	sld [smem:$0x3FA5]  }
0x2d: {  	s3 =	simm.s32 $0x108;
	s8 =	sld [smem:$0x3FA6]  }
0x2e: {  	s3 =	simm.s32 @!p0 $0x1082;
	s9 =	sld [smem:$0x3FA7]  }
0x2f: {  	lr =	sadd.s32 s0, s3;
	s0 =	sld [smem:$0x3F9E]  }
0x30: {  	s3 =	sld [smem:$0x3FA1]  }
0x31: {  	[smem:$0x3FAA] =	sst s10  }
0x32: {  	s10 =	sld [smem:$0x3FA8];
	_ =	sdelay $0x3  }
0x33: {  	p0 =	seq.s32 s10, $0x1;
	s10 =	sld [smem:$0x3FAA];
	_ =	sdelay $0x3  }
0x34: {  	[smem:$0x3FAA] =	sst s10  }
0x35: {  	s10 =	sld [smem:$0x3FA9];
	_ =	sdelay $0x3  }
0x36: {  	p1 =	seq.s32 s10, $0x1;
	s10 =	sld [smem:$0x3FAA];
	_ =	sdelay $0x3  }
0x37: {  	[smem:$0x3FAA] =	sst s10  }
0x38: {  	s10 =	sld [smem:$0x3FAB]  }
0x39: {  	_ = 	snop;
	(pc) =	sbr.ind lr, $3  }
0x3a: {  	_ = 	snop  }
0x3b: {  	_ = 	snop  }
0x3c: {  	p2 =	seq.s32 s10, $0x1;
	s10 =	sld [smem:$0x3FAA]  }
0x3d: {  	_ =	shalt  }
0x3e: {  	_ =	shalt  }
0x3f: {  	_ =	shalt  }
0x40: {  	_ =	shalt  }
0x41: {  	_ =	shalt  }
0x42: {  	_ =	shalt  }
0x43: {  	_ =	shalt  }
0x44: {  	_ =	shalt  }
0x45: {  	_ =	shalt  }
0x46: {  	_ =	shalt  }
0x47: {  	_ =	shalt  }
0x48: {  	_ =	shalt  }
0x49: {  	_ =	shalt  }
0x4a: {  	_ =	shalt  }
0x4b: {  	_ =	shalt  }
0x4c: {  	_ =	shalt  }
0x4d: {  	_ =	shalt  }
0x4e: {  	_ =	shalt  }
0x4f: {  	_ =	shalt  }
0x50: {  	_ =	shalt  }
0x51: {  	_ =	shalt  }
0x52: {  	_ =	shalt  }
0x53: {  	_ =	shalt  }
0x54: {  	_ =	shalt  }
0x55: {  	_ =	shalt  }
0x56: {  	_ =	shalt  }
0x57: {  	_ =	shalt  }
0x58: {  	_ =	shalt  }
0x59: {  	_ =	shalt  }
0x5a: {  	_ =	shalt  }
0x5b: {  	_ =	shalt  }
0x5c: {  	_ =	shalt  }
0x5d: {  	_ =	shalt  }
0x5e: {  	_ =	shalt  }
0x5f: {  	_ =	shalt  }
0x60: {  	_ =	shalt  }
0x61: {  	_ =	shalt  }
0x62: {  	_ =	shalt  }
0x63: {  	_ =	shalt  }
0x64: {  	_ =	shalt  }
0x65: {  	_ =	shalt  }
0x66: {  	_ =	shalt  }
0x67: {  	_ =	shalt  }
0x68: {  	_ =	shalt  }
0x69: {  	_ =	shalt  }
0x6a: {  	_ =	shalt  }
0x6b: {  	_ =	shalt  }
0x6c: {  	_ =	shalt  }
0x6d: {  	_ =	shalt  }
0x6e: {  	_ =	shalt  }
0x6f: {  	_ =	shalt  }
0x70: {  	_ =	shalt  }
0x71: {  	_ =	shalt  }
0x72: {  	_ =	shalt  }
0x73: {  	_ =	shalt  }
0x74: {  	_ =	shalt  }
0x75: {  	_ =	shalt  }
0x76: {  	_ =	shalt  }
0x77: {  	_ =	shalt  }
0x78: {  	_ =	shalt  }
0x79: {  	_ =	shalt  }
0x7a: {  	_ =	shalt  }
0x7b: {  	_ =	shalt  }
0x7c: {  	_ =	shalt  }
0x7d: {  	_ =	shalt  }
0x7e: {  	_ =	shalt  }
0x7f: {  	_ =	shalt  }
0x80: {  	_ =	shalt  }
0x81: {  	_ =	shalt  }
0x82: {  	_ =	shalt  }
0x83: {  	_ =	shalt  }
0x84: {  	_ =	shalt  }
0x85: {  	_ =	shalt  }
0x86: {  	_ =	shalt  }
0x87: {  	_ =	shalt  }
.Lfunc_end0:
.L_simem_size_0:
called_computation.1_lowered:
.L_overlay_start_0:
0x88: {  	s2 =	sld [smem:$0x3FD9]  }
0x89: {  	s3 =	sld [smem:$0x3FFE];
	_ =	sdelay $0x1  }
0x8a: {  	s1 =	srdreg.scid  }
0x8b: {  	s0 =	sand.u32 $0x1, s1  }
0x8c: {  	s15 =	sshll.u32 s0, $0xA;
	s2 =	sadd.s32 s3, s2  }
0x8d: {  	s2 =	sadd.s32 s2, s15  }
0x8e: {  	[smem:$0x3FB6] =	sst s2  }
0x8f: {  	_ = 	snop  }
0x90: {  	s16 =	sld [smem:$0x3FD0];
	_ =	sdelay $0x2  }
0x91: {  	s4 =	simm.s32 $0xB;
	s5 =	simm.s32 $0x10;
	s2 =	sld [smem:$0x3FC3]  }
0x92: {  	[smem:s5], [sflag:s4] =	dma.local [hbm:s16], $0x1  }
0x93: {  	_ =	swait.eq [sflag:s4], $0x1  }
0x94: {  	[sflag:s4] =	ssyncset.done $0x0  }
0x95: {  	[sflag:s4] =	ssyncadd.s32 $0xFFFFFFFF  }
0x96: {  	s17 =	sld [smem:$0x10];
	(tm) =	ssettm $0x1  }
0x97: {  	s18 =	sld [smem:$0x3FFB];
	_ =	sdelay $0x3  }
0x98: {  	_ =	strace s18  }
0x99: {  	s3 =	sld [smem:$0x3FFC];
	_ =	sdelay $0x3  }
0x9a: {  	_ =	strace s3  }
0x9b: {  	s3 =	sld [smem:$0x3FFD];
	_ =	sdelay $0x3  }
0x9c: {  	_ =	strace s3  }
0x9d: {  	_ =	strace $0x8FFFFFFF  }
0x9e: {  	s19 =	sld [smem:$0x3FDB];
	_ =	sdelay $0x1  }
0x9f: {  	s20 =	simm.s32 $_scs_section_size  }
0xa0: {  	s6 =	simm.s32 $_size__tile_overlayer_lowered;
	s7 =	simm.s32 $_tile_overlayer_lowered  }
0xa1: {  	s8 =	simm.s32 $0x1BFF;
	s21 =	sshll.u32 s7, $0x1;
	s5 =	sadd.s32 s20, s19  }
0xa2: {  	s22 =	simm.s32 $0x0;
	s6 =	sshll.u32 s6, $0x1;
	s7 =	sadd.s32 s21, s5  }
0xa3: {  	[timem:s22], [sflag:s8] =	dma.local [hbm:s7], s6  }
0xa4: {  	_ =	swait.ge [sflag:s8], s6  }
0xa5: {  	s6 =	ssub.s32 $0x0, s6;
	[sflag:s8] =	ssyncset.done $0x0  }
0xa6: {  	[sflag:s8] =	ssyncadd.s32 s6;
	_ =	sdelay $0x1  }
0xa7: {  	s23 =	simm.s32 $0x1B8B  }
0xa8: {  	_ =	swait.ge [sflag:s23], $0x1  }
0xa9: {  	[sflag:s23] =	ssyncset.done $0x0  }
0xaa: {  	[sflag:s23] =	ssyncadd.s32 $0xFFFFFFFF  }
0xab: {  	s6 =	sld [smem:$0x0]  }
0xac: {  	s7 =	sand.u32 $0xFFFFFFFE, s1  }
0xad: {  	p0 =	sne.s32 s1, s7  }
0xae: {  	s7 =	sshll.u32 @p0 s7, $0xE  }
0xaf: {  	s7 =	sadd.s32 @p0 $0x11B8D, s7;
	s8 =	sshll.u32 @p0 s6, $0x11  }
0xb0: {  	s7 =	sor.u32 @p0 s8, s7  }
0xb1: {  	[sflag:s7] =	ssyncadd.remote.s32 @p0 $0x1;
	_ =	sdelay $0x1  }
0xb2: {  	s7 =	simm.s32 @p0 $0x1B8D  }
0xb3: {  	_ =	swait.eq @p0 [sflag:s7], $0x1  }
0xb4: {  	[sflag:s7] =	ssyncadd.s32 @p0 $0xFFFFFFFF  }
0xb5: {  	s8 =	sshll.u32 @!p0 s1, $0xE  }
0xb6: {  	s8 =	sor.u32 @!p0 $0x4000, s8;
	s7 =	simm.s32 @!p0 $0x1B8D  }
0xb7: {  	s6 =	sshll.u32 @!p0 s6, $0x11;
	s8 =	sadd.s32 @!p0 $0x11B8D, s8;
	_ =	swait.eq @!p0 [sflag:s7], $0x1  }
0xb8: {  	s6 =	sor.u32 @!p0 s6, s8;
	[sflag:s7] =	ssyncadd.s32 @!p0 $0xFFFFFFFF  }
0xb9: {  	s25 =	simm.s32 $0x1B8E;
	s24 =	sld [smem:$0x3FFE];
	[sflag:s6] =	ssyncadd.remote.s32 @!p0 $0x1  }
0xba: {  	s26 =	simm.s32 $execute0_lowered;
	[smem:$0x3FD2] =	sst s25  }
0xbb: {  	s7 =	sshll.u32 s26, $0x1;
	_ =	strace $0x80000049;
	[dreg:$0x1] =	wrdreg $0xFFFFFFFF  }
0xbc: {  	s28 =	simm.s32 $_size_execute0_lowered;
	s5 =	sadd.s32 s5, s7;
	[dreg:$0x0] =	wrdreg $0x0  }
0xbd: {  	s7 =	sshll.u32 s28, $0x1;
	[dreg:$0x2] =	wrdreg s5  }
0xbe: {  	[dreg:$0x3] =	wrdreg s7  }
0xbf: {  	[dreg:$0x4] =	wrdreg $0xC0  }
0xc0: {  	_ =	task [dreg:s22], $0x5FFFF  }
0xc1: {  	[dreg:$0x1] =	wrdreg $0xFFFFFFFF  }
0xc2: {  	[dreg:$0x0] =	wrdreg $0x60  }
0xc3: {  	[dreg:$0x2] =	wrdreg s2  }
0xc4: {  	[dreg:$0x3] =	wrdreg s24  }
0xc5: {  	[dreg:$0x4] =	wrdreg s17  }
0xc6: {  	[dreg:$0x5] =	wrdreg $0xA  }
0xc7: {  	_ =	task.clear_ibuf [dreg:s22], $0x6FFFF;
	_ =	strace $0x90000049  }
0xc8: {  	s29 =	simm.s32 $0xA;
	_ =	strace $0x8000004B  }
0xc9: {  	_ =	swait.ge [sflag:s29], $0x1  }
0xca: {  	[sflag:s29] =	ssyncadd.s32 $0xFFFFFFFF  }
0xcb: {  	_ =	strace $0x9000004B  }
0xcc: {  	_ =	sfence  }
0xcd: {  	s30 =	sld [smem:$0x0];
	_ =	sdelay $0x2  }
0xce: {  	s31 =	sshll.u32 s1, $0xD;
	s1 =	sshrl.u32 s1, $0x2  }
0xcf: {  	s4 =	sand.u32 $0x4000, s31;
	s1 =	sadd.s32 s1, s30  }
0xd0: {  	s0 =	sor.u32 s4, s0;
	s1 =	sshll.u32 s1, $0x11  }
0xd1: {  	s0 =	sor.u32 s1, s0  }
0xd2: {  	s0 =	sadd.s32 $0x8F2B, s0  }
0xd3: {  	[sflag:s0] =	ssyncadd.remote.s32 $0x1  }
0xd4: {  	_ =	sfence.sel $0xFFFF  }
0xd5: {  	[dreg:$0x0] =	wrdreg $0xFFFFFFFF;
	(pc) =	sbr.abs _section_cstart, $3  }
0xd6: {  	[dreg:$0x1] =	wrdreg $0xFFFFFFFF  }
0xd7: {  	_ =	task.clear_ibuf [dreg:s22], $0x2FFFF;
	_ =	strace $0x9FFFFFFF  }
0xd8: {  	(tm) =	ssettm $0x7FFFFFFF  }
0xd9: {  	_ =	shalt  }
tec
execute0_lowered:
.L_overlay_start_1:
0x0: {  	(tag) =	ssettag $0x1  }
0x1: {  	s1 =	rddreg [dreg:$0x0]  }
0x2: {  	s0 =	rddreg [dreg:$0x1]  }
0x3: {  	s2 =	srdreg.scid;
	s3 =	stileid.u32  }
0x4: {  	s4 =	rddreg [dreg:$0x2];
	s22 =	simm.s32 $0x15000;
	s23 =	simm.s32 $0x15800  }
0x5: {  	s24 =	simm.s32 $0x16000;
	s28 =	simm.s32 $0x17800;
	s29 =	simm.s32 $0x1  }
0x6: {  	s30 =	simm.s32 $0x18000;
	s2 =	sand.u32 $0x1, s2;
	s5 =	sshll.u32 s3, $0x1  }
0x7: {  	s31 =	simm.s32 $0x2;
	s3 =	simm.s32 $0x0;
	s5 =	sor.u32 s2, s5  }
0x8: {  	[smem:$0x7FF] =	sst s3;
	s2 =	ssub.s32 $0x2, s2;
	s6 =	smul.u32 $0xC0, s5  }
0x9: {  	_ =	strace $0x8000004A;
	s25 =	sshrl.u32 s2, $0x1;
	s5 =	sshll.u32 s5, $0xD  }
0xa: {  	s2 =	ssub.s32 s2, s25;
	s5 =	sadd.s32 s4, s5;
	s25 =	simm.s32 $0x16800  }
0xb: {  	v2 =	vlaneseq.u32;
	s0 =	sadd.s32 s6, s0;
	s26 =	smax.u32 s2, $0x1;
	s2 =	simm.s32 $0x4  }
0xc: {  	vm0 =	vmmov $0xffff;
	v1 =	vshrl.u32 v2, $0x3;
	s6 =	simm.s32 $0x0;
	s0 =	sadd.s32 $0x4E00, s0;
	[dreg:$0x5] =	wrdreg s26  }
0xd: {  	v0 =	vand.u32 $0x7, v2;
	v2 =	vor.u32 $0x8, v2;
	v1 =	vmul.u32 $0x8, v1;
	s26 =	simm.s32 $0x17000;
	[dreg:$0x4] =	wrdreg s0;
	s0 =	simm.s32 $0x1A000  }
.LBB2_1:
0xe: {  	[dreg:$0x6] =	wrdreg s6  }
0xf: {  	s4 =	rddreg [dreg:$0x4];
	s13 =	simm.s32 $0x1C000;
	s14 =	simm.s32 $0x5  }
0x10: {  	[tilespmem:s13], [sflag:$0x5] =	stream.linear.gather [hbm4b:s4+s3], $0x600, $0x38;
	[tilespmem:$0x1C600] =	vst v63  }
0x11: {  	_ =	swait.ge [sflag:s14], $0x600  }
0x12: {  	[sflag:s14] =	ssyncset.done $0x0  }
0x13: {  	[sflag:s14] =	ssyncadd.s32 $0xFFFFFA00  }
0x14: {  	v3 =	vld [tilespmem:$0x1C000];
	_ =	sdelay $0x4  }
0x15: {  	v4 =	vshll.u32 v3, $0x1  }
0x16: {  	v3 =	vand.u32 $0x7, v3;
	v4 =	vand.u32 $0xFFFFFFF0, v4  }
0x17: {  	v3 =	vor.u32 v3, v4  }
0x18: {  	v4 =	vperm.xlane v3, v0;
	_ =	sdelay $0x1  }
0x19: {  	v3 =	vperm.xlane v3, v2;
	v4 =	vadd.s32 v1, v4;
	_ =	sdelay $0x1  }
0x1a: {  	v3 =	vadd.s32 v1, v3;
	_ =	sdelay $0x2  }
0x1b: {  	[tilespmem:s3], [sflag:$0x1] =	stream.indirect_vreg.gather [hbm4b:s1+s3], $0x80, v4, vm0, $0xb8;
	[tilespmem:$0x1C600] =	vst v63  }
0x1c: {  	s15 =	simm.s32 $0x800  }
0x1d: {  	[tilespmem:s15], [sflag:$0x1] =	stream.indirect_vreg.gather [hbm4b:s1+s3], $0x80, v3, vm0, $0xb8;
	[tilespmem:$0x1C600] =	vst v63  }
0x1e: {  	v3 =	vld [tilespmem:$0x1C010];
	_ =	sdelay $0x4  }
0x1f: {  	v53 =	vshll.u32 v3, $0x1  }
0x20: {  	v3 =	vand.u32 $0x7, v3;
	v4 =	vand.u32 $0xFFFFFFF0, v53  }
0x21: {  	v3 =	vor.u32 v3, v4  }
0x22: {  	v4 =	vperm.xlane v3, v0;
	_ =	sdelay $0x1  }
0x23: {  	v3 =	vperm.xlane v3, v2;
	v4 =	vadd.s32 v1, v4;
	_ =	sdelay $0x1  }
0x24: {  	v3 =	vadd.s32 v1, v3;
	_ =	sdelay $0x1  }
0x25: {  	s16 =	simm.s32 $0x1000  }
0x26: {  	[tilespmem:s16], [sflag:$0x1] =	stream.indirect_vreg.gather [hbm4b:s1+s3], $0x80, v4, vm0, $0xb8;
	[tilespmem:$0x1C600] =	vst v63  }
0x27: {  	s17 =	simm.s32 $0x1800  }
0x28: {  	[tilespmem:s17], [sflag:$0x1] =	stream.indirect_vreg.gather [hbm4b:s1+s3], $0x80, v3, vm0, $0xb8;
	[tilespmem:$0x1C600] =	vst v63  }
0x29: {  	v3 =	vld [tilespmem:$0x1C020];
	_ =	sdelay $0x4  }
0x2a: {  	v54 =	vshll.u32 v3, $0x1  }
0x2b: {  	v3 =	vand.u32 $0x7, v3;
	v4 =	vand.u32 $0xFFFFFFF0, v54  }
0x2c: {  	v3 =	vor.u32 v3, v4  }
0x2d: {  	v4 =	vperm.xlane v3, v0;
	_ =	sdelay $0x1  }
0x2e: {  	v3 =	vperm.xlane v3, v2;
	v4 =	vadd.s32 v1, v4;
	_ =	sdelay $0x1  }
0x2f: {  	v3 =	vadd.s32 v1, v3;
	_ =	sdelay $0x1  }
0x30: {  	s18 =	simm.s32 $0x2000  }
0x31: {  	[tilespmem:s18], [sflag:$0x1] =	stream.indirect_vreg.gather [hbm4b:s1+s3], $0x80, v4, vm0, $0xb8;
	[tilespmem:$0x1C600] =	vst v63  }
0x32: {  	s19 =	simm.s32 $0x2800  }
0x33: {  	[tilespmem:s19], [sflag:$0x1] =	stream.indirect_vreg.gather [hbm4b:s1+s3], $0x80, v3, vm0, $0xb8;
	[tilespmem:$0x1C600] =	vst v63  }
0x34: {  	v3 =	vld [tilespmem:$0x1C030];
	_ =	sdelay $0x4  }
0x35: {  	v55 =	vshll.u32 v3, $0x1  }
0x36: {  	v3 =	vand.u32 $0x7, v3;
	v4 =	vand.u32 $0xFFFFFFF0, v55  }
0x37: {  	v3 =	vor.u32 v3, v4  }
0x38: {  	v4 =	vperm.xlane v3, v0;
	_ =	sdelay $0x1  }
0x39: {  	v3 =	vperm.xlane v3, v2;
	v4 =	vadd.s32 v1, v4;
	_ =	sdelay $0x1  }
0x3a: {  	v3 =	vadd.s32 v1, v3;
	_ =	sdelay $0x1  }
0x3b: {  	s20 =	simm.s32 $0x3000  }
0x3c: {  	[tilespmem:s20], [sflag:$0x1] =	stream.indirect_vreg.gather [hbm4b:s1+s3], $0x80, v4, vm0, $0xb8;
	[tilespmem:$0x1C600] =	vst v63  }
0x3d: {  	s21 =	simm.s32 $0x3800  }
0x3e: {  	[tilespmem:s21], [sflag:$0x1] =	stream.indirect_vreg.gather [hbm4b:s1+s3], $0x80, v3, vm0, $0xb8;
	[tilespmem:$0x1C600] =	vst v63  }
0x3f: {  	v3 =	vld [tilespmem:$0x1C040];
	_ =	sdelay $0x4  }
0x40: {  	v56 =	vshll.u32 v3, $0x1  }
0x41: {  	v3 =	vand.u32 $0x7, v3;
	v4 =	vand.u32 $0xFFFFFFF0, v56  }
0x42: {  	v3 =	vor.u32 v3, v4  }
0x43: {  	v4 =	vperm.xlane v3, v0;
	_ =	sdelay $0x1  }
0x44: {  	v3 =	vperm.xlane v3, v2;
	v4 =	vadd.s32 v1, v4;
	_ =	sdelay $0x1  }
0x45: {  	v3 =	vadd.s32 v1, v3;
	_ =	sdelay $0x1  }
0x46: {  	s6 =	simm.s32 $0x4000  }
0x47: {  	[tilespmem:s6], [sflag:$0x1] =	stream.indirect_vreg.gather [hbm4b:s1+s3], $0x80, v4, vm0, $0xb8;
	[tilespmem:$0x1C600] =	vst v63  }
0x48: {  	s7 =	simm.s32 $0x4800  }
0x49: {  	[tilespmem:s7], [sflag:$0x1] =	stream.indirect_vreg.gather [hbm4b:s1+s3], $0x80, v3, vm0, $0xb8;
	[tilespmem:$0x1C600] =	vst v63  }
0x4a: {  	v3 =	vld [tilespmem:$0x1C050];
	_ =	sdelay $0x4  }
0x4b: {  	v57 =	vshll.u32 v3, $0x1  }
0x4c: {  	v3 =	vand.u32 $0x7, v3;
	v4 =	vand.u32 $0xFFFFFFF0, v57  }
0x4d: {  	v3 =	vor.u32 v3, v4  }
0x4e: {  	v4 =	vperm.xlane v3, v0;
	_ =	sdelay $0x1  }
0x4f: {  	v3 =	vperm.xlane v3, v2;
	v4 =	vadd.s32 v1, v4;
	_ =	sdelay $0x1  }
0x50: {  	v3 =	vadd.s32 v1, v3;
	_ =	sdelay $0x1  }
0x51: {  	s8 =	simm.s32 $0x5000  }
0x52: {  	[tilespmem:s8], [sflag:$0x1] =	stream.indirect_vreg.gather [hbm4b:s1+s3], $0x80, v4, vm0, $0xb8;
	[tilespmem:$0x1C600] =	vst v63  }
0x53: {  	s9 =	simm.s32 $0x5800  }
0x54: {  	[tilespmem:s9], [sflag:$0x1] =	stream.indirect_vreg.gather [hbm4b:s1+s3], $0x80, v3, vm0, $0xb8;
	[tilespmem:$0x1C600] =	vst v63  }
0x55: {  	v3 =	vld [tilespmem:$0x1C060];
	_ =	sdelay $0x4  }
0x56: {  	v58 =	vshll.u32 v3, $0x1  }
0x57: {  	v3 =	vand.u32 $0x7, v3;
	v4 =	vand.u32 $0xFFFFFFF0, v58  }
0x58: {  	v3 =	vor.u32 v3, v4  }
0x59: {  	v4 =	vperm.xlane v3, v0;
	_ =	sdelay $0x1  }
0x5a: {  	v3 =	vperm.xlane v3, v2;
	v4 =	vadd.s32 v1, v4;
	_ =	sdelay $0x1  }
0x5b: {  	v3 =	vadd.s32 v1, v3;
	_ =	sdelay $0x1  }
0x5c: {  	s10 =	simm.s32 $0x6000  }
0x5d: {  	[tilespmem:s10], [sflag:$0x1] =	stream.indirect_vreg.gather [hbm4b:s1+s3], $0x80, v4, vm0, $0xb8;
	[tilespmem:$0x1C600] =	vst v63  }
0x5e: {  	s11 =	simm.s32 $0x6800  }
0x5f: {  	[tilespmem:s11], [sflag:$0x1] =	stream.indirect_vreg.gather [hbm4b:s1+s3], $0x80, v3, vm0, $0xb8;
	[tilespmem:$0x1C600] =	vst v63  }
0x60: {  	v3 =	vld [tilespmem:$0x1C070];
	_ =	sdelay $0x4  }
0x61: {  	v59 =	vshll.u32 v3, $0x1  }
0x62: {  	v3 =	vand.u32 $0x7, v3;
	v4 =	vand.u32 $0xFFFFFFF0, v59  }
0x63: {  	v3 =	vor.u32 v3, v4  }
0x64: {  	v4 =	vperm.xlane v3, v0;
	_ =	sdelay $0x1  }
0x65: {  	v3 =	vperm.xlane v3, v2;
	v4 =	vadd.s32 v1, v4;
	_ =	sdelay $0x1  }
0x66: {  	v3 =	vadd.s32 v1, v3;
	_ =	sdelay $0x1  }
0x67: {  	s12 =	simm.s32 $0x7000  }
0x68: {  	[tilespmem:s12], [sflag:$0x1] =	stream.indirect_vreg.gather [hbm4b:s1+s3], $0x80, v4, vm0, $0xb8;
	[tilespmem:$0x1C600] =	vst v63  }
0x69: {  	s13 =	simm.s32 $0x7800  }
0x6a: {  	[tilespmem:s13], [sflag:$0x1] =	stream.indirect_vreg.gather [hbm4b:s1+s3], $0x80, v3, vm0, $0xb8;
	[tilespmem:$0x1C600] =	vst v63  }
0x6b: {  	v3 =	vld [tilespmem:$0x1C080];
	_ =	sdelay $0x4  }
0x6c: {  	v60 =	vshll.u32 v3, $0x1  }
0x6d: {  	v3 =	vand.u32 $0x7, v3;
	v4 =	vand.u32 $0xFFFFFFF0, v60  }
0x6e: {  	v3 =	vor.u32 v3, v4  }
0x6f: {  	v4 =	vperm.xlane v3, v0;
	_ =	sdelay $0x1  }
0x70: {  	v3 =	vperm.xlane v3, v2;
	v4 =	vadd.s32 v1, v4;
	_ =	sdelay $0x1  }
0x71: {  	v3 =	vadd.s32 v1, v3;
	_ =	sdelay $0x1  }
0x72: {  	s14 =	simm.s32 $0x8000  }
0x73: {  	[tilespmem:s14], [sflag:$0x1] =	stream.indirect_vreg.gather [hbm4b:s1+s3], $0x80, v4, vm0, $0xb8;
	[tilespmem:$0x1C600] =	vst v63  }
0x74: {  	s15 =	simm.s32 $0x8800  }
0x75: {  	[tilespmem:s15], [sflag:$0x1] =	stream.indirect_vreg.gather [hbm4b:s1+s3], $0x80, v3, vm0, $0xb8;
	[tilespmem:$0x1C600] =	vst v63  }
0x76: {  	v3 =	vld [tilespmem:$0x1C090];
	_ =	sdelay $0x4  }
0x77: {  	v61 =	vshll.u32 v3, $0x1  }
0x78: {  	v3 =	vand.u32 $0x7, v3;
	v4 =	vand.u32 $0xFFFFFFF0, v61  }
0x79: {  	v3 =	vor.u32 v3, v4  }
0x7a: {  	v4 =	vperm.xlane v3, v0;
	_ =	sdelay $0x1  }
0x7b: {  	v3 =	vperm.xlane v3, v2;
	v4 =	vadd.s32 v1, v4;
	_ =	sdelay $0x1  }
0x7c: {  	v3 =	vadd.s32 v1, v3;
	_ =	sdelay $0x1  }
0x7d: {  	s16 =	simm.s32 $0x9000  }
0x7e: {  	[tilespmem:s16], [sflag:$0x1] =	stream.indirect_vreg.gather [hbm4b:s1+s3], $0x80, v4, vm0, $0xb8;
	[tilespmem:$0x1C600] =	vst v63  }
0x7f: {  	s17 =	simm.s32 $0x9800  }
0x80: {  	[tilespmem:s17], [sflag:$0x1] =	stream.indirect_vreg.gather [hbm4b:s1+s3], $0x80, v3, vm0, $0xb8;
	[tilespmem:$0x1C600] =	vst v63  }
0x81: {  	v3 =	vld [tilespmem:$0x1C0A0];
	_ =	sdelay $0x4  }
0x82: {  	v62 =	vshll.u32 v3, $0x1  }
0x83: {  	v3 =	vand.u32 $0x7, v3;
	v4 =	vand.u32 $0xFFFFFFF0, v62  }
0x84: {  	v3 =	vor.u32 v3, v4  }
0x85: {  	v4 =	vperm.xlane v3, v0;
	_ =	sdelay $0x1  }
0x86: {  	v3 =	vperm.xlane v3, v2;
	v4 =	vadd.s32 v1, v4;
	_ =	sdelay $0x1  }
0x87: {  	v3 =	vadd.s32 v1, v3;
	_ =	sdelay $0x1  }
0x88: {  	s18 =	simm.s32 $0xA000  }
0x89: {  	[tilespmem:s18], [sflag:$0x1] =	stream.indirect_vreg.gather [hbm4b:s1+s3], $0x80, v4, vm0, $0xb8;
	[tilespmem:$0x1C600] =	vst v63  }
0x8a: {  	s19 =	simm.s32 $0xA800  }
0x8b: {  	[tilespmem:s19], [sflag:$0x1] =	stream.indirect_vreg.gather [hbm4b:s1+s3], $0x80, v3, vm0, $0xb8;
	[tilespmem:$0x1C600] =	vst v63  }
0x8c: {  	v3 =	vld [tilespmem:$0x1C0B0];
	_ =	sdelay $0x4  }
0x8d: {  	v63 =	vshll.u32 v3, $0x1  }
0x8e: {  	v3 =	vand.u32 $0x7, v3;
	v4 =	vand.u32 $0xFFFFFFF0, v63  }
0x8f: {  	v3 =	vor.u32 v3, v4  }
0x90: {  	v4 =	vperm.xlane v3, v0;
	_ =	sdelay $0x1  }
0x91: {  	v3 =	vperm.xlane v3, v2;
	v4 =	vadd.s32 v1, v4;
	_ =	sdelay $0x1  }
0x92: {  	v3 =	vadd.s32 v1, v3;
	_ =	sdelay $0x1  }
0x93: {  	s20 =	simm.s32 $0xB000  }
0x94: {  	[tilespmem:s20], [sflag:$0x1] =	stream.indirect_vreg.gather [hbm4b:s1+s3], $0x80, v4, vm0, $0xb8;
	[tilespmem:$0x1C600] =	vst v63  }
0x95: {  	s21 =	simm.s32 $0xB800;
	s7 =	simm.s32 $0x0  }
0x96: {  	[tilespmem:s21], [sflag:$0x1] =	stream.indirect_vreg.gather [hbm4b:s1+s3], $0x80, v3, vm0, $0xb8;
	[tilespmem:$0x1C600] =	vst v63  }
.LBB2_2:
0x97: {  	s4 =	sshllo.u32 s7, $0x1  }
0x98: {  	s6 =	smul.u32 $0x300, s4;
	_ =	sdelay $0x1  }
0x99: {  	s6 =	sshra.s32 s6, $0x2  }
0x9a: {  	v3 =	vld [tilespmem:s6+$0x1C000];
	_ =	sdelay $0x4  }
0x9b: {  	v4 =	vshll.u32 v3, $0x1  }
0x9c: {  	v3 =	vand.u32 $0x7, v3;
	v4 =	vand.u32 $0xFFFFFFF0, v4  }
0x9d: {  	v3 =	vor.u32 v3, v4  }
0x9e: {  	v4 =	vperm.xlane v3, v0;
	_ =	sdelay $0x1  }
0x9f: {  	v3 =	vperm.xlane v3, v2;
	v4 =	vadd.s32 v1, v4;
	_ =	sdelay $0x1  }
0xa0: {  	v3 =	vadd.s32 v1, v3;
	_ =	sdelay $0x1  }
0xa1: {  	s8 =	simm.s32 $0xC000  }
0xa2: {  	[tilespmem:s8], [sflag:$0x2] =	stream.indirect_vreg.gather [hbm4b:s1+s3], $0x80, v4, vm0, $0xb8;
	[tilespmem:$0x1C600] =	vst v63  }
0xa3: {  	s18 =	simm.s32 $0xC800  }
0xa4: {  	[tilespmem:s18], [sflag:$0x2] =	stream.indirect_vreg.gather [hbm4b:s1+s3], $0x80, v3, vm0, $0xb8;
	[tilespmem:$0x1C600] =	vst v63  }
0xa5: {  	v3 =	vld [tilespmem:s6+$0x1C010];
	_ =	sdelay $0x4  }
0xa6: {  	v53 =	vshll.u32 v3, $0x1  }
0xa7: {  	v3 =	vand.u32 $0x7, v3;
	v4 =	vand.u32 $0xFFFFFFF0, v53  }
0xa8: {  	v3 =	vor.u32 v3, v4  }
0xa9: {  	v4 =	vperm.xlane v3, v0;
	_ =	sdelay $0x1  }
0xaa: {  	v3 =	vperm.xlane v3, v2;
	v4 =	vadd.s32 v1, v4;
	_ =	sdelay $0x1  }
0xab: {  	v3 =	vadd.s32 v1, v3;
	_ =	sdelay $0x1  }
0xac: {  	s19 =	simm.s32 $0xD000  }
0xad: {  	[tilespmem:s19], [sflag:$0x2] =	stream.indirect_vreg.gather [hbm4b:s1+s3], $0x80, v4, vm0, $0xb8;
	[tilespmem:$0x1C600] =	vst v63  }
0xae: {  	s20 =	simm.s32 $0xD800  }
0xaf: {  	[tilespmem:s20], [sflag:$0x2] =	stream.indirect_vreg.gather [hbm4b:s1+s3], $0x80, v3, vm0, $0xb8;
	[tilespmem:$0x1C600] =	vst v63  }
0xb0: {  	v3 =	vld [tilespmem:s6+$0x1C020];
	_ =	sdelay $0x4  }
0xb1: {  	v54 =	vshll.u32 v3, $0x1  }
0xb2: {  	v3 =	vand.u32 $0x7, v3;
	v4 =	vand.u32 $0xFFFFFFF0, v54  }
0xb3: {  	v3 =	vor.u32 v3, v4  }
0xb4: {  	v4 =	vperm.xlane v3, v0;
	_ =	sdelay $0x1  }
0xb5: {  	v3 =	vperm.xlane v3, v2;
	v4 =	vadd.s32 v1, v4;
	_ =	sdelay $0x1  }
0xb6: {  	v3 =	vadd.s32 v1, v3;
	_ =	sdelay $0x1  }
0xb7: {  	s21 =	simm.s32 $0xE000  }
0xb8: {  	[tilespmem:s21], [sflag:$0x2] =	stream.indirect_vreg.gather [hbm4b:s1+s3], $0x80, v4, vm0, $0xb8;
	[tilespmem:$0x1C600] =	vst v63  }
0xb9: {  	s9 =	simm.s32 $0xE800  }
0xba: {  	[tilespmem:s9], [sflag:$0x2] =	stream.indirect_vreg.gather [hbm4b:s1+s3], $0x80, v3, vm0, $0xb8;
	[tilespmem:$0x1C600] =	vst v63  }
0xbb: {  	v3 =	vld [tilespmem:s6+$0x1C030];
	_ =	sdelay $0x4  }
0xbc: {  	v55 =	vshll.u32 v3, $0x1  }
0xbd: {  	v3 =	vand.u32 $0x7, v3;
	v4 =	vand.u32 $0xFFFFFFF0, v55  }
0xbe: {  	v3 =	vor.u32 v3, v4  }
0xbf: {  	v4 =	vperm.xlane v3, v0;
	_ =	sdelay $0x1  }
0xc0: {  	v3 =	vperm.xlane v3, v2;
	v4 =	vadd.s32 v1, v4;
	_ =	sdelay $0x1  }
0xc1: {  	v3 =	vadd.s32 v1, v3;
	_ =	sdelay $0x1  }
0xc2: {  	s10 =	simm.s32 $0xF000  }
0xc3: {  	[tilespmem:s10], [sflag:$0x2] =	stream.indirect_vreg.gather [hbm4b:s1+s3], $0x80, v4, vm0, $0xb8;
	[tilespmem:$0x1C600] =	vst v63  }
0xc4: {  	s11 =	simm.s32 $0xF800  }
0xc5: {  	[tilespmem:s11], [sflag:$0x2] =	stream.indirect_vreg.gather [hbm4b:s1+s3], $0x80, v3, vm0, $0xb8;
	[tilespmem:$0x1C600] =	vst v63  }
0xc6: {  	v3 =	vld [tilespmem:s6+$0x1C040];
	_ =	sdelay $0x4  }
0xc7: {  	v56 =	vshll.u32 v3, $0x1  }
0xc8: {  	v3 =	vand.u32 $0x7, v3;
	v4 =	vand.u32 $0xFFFFFFF0, v56  }
0xc9: {  	v3 =	vor.u32 v3, v4  }
0xca: {  	v4 =	vperm.xlane v3, v0;
	_ =	sdelay $0x1  }
0xcb: {  	v3 =	vperm.xlane v3, v2;
	v4 =	vadd.s32 v1, v4;
	_ =	sdelay $0x1  }
0xcc: {  	v3 =	vadd.s32 v1, v3;
	_ =	sdelay $0x1  }
0xcd: {  	s12 =	simm.s32 $0x10000  }
0xce: {  	[tilespmem:s12], [sflag:$0x2] =	stream.indirect_vreg.gather [hbm4b:s1+s3], $0x80, v4, vm0, $0xb8;
	[tilespmem:$0x1C600] =	vst v63  }
0xcf: {  	s13 =	simm.s32 $0x10800  }
0xd0: {  	[tilespmem:s13], [sflag:$0x2] =	stream.indirect_vreg.gather [hbm4b:s1+s3], $0x80, v3, vm0, $0xb8;
	[tilespmem:$0x1C600] =	vst v63  }
0xd1: {  	v3 =	vld [tilespmem:s6+$0x1C050];
	_ =	sdelay $0x4  }
0xd2: {  	v57 =	vshll.u32 v3, $0x1  }
0xd3: {  	v3 =	vand.u32 $0x7, v3;
	v4 =	vand.u32 $0xFFFFFFF0, v57  }
0xd4: {  	v3 =	vor.u32 v3, v4  }
0xd5: {  	v4 =	vperm.xlane v3, v0;
	_ =	sdelay $0x1  }
0xd6: {  	v3 =	vperm.xlane v3, v2;
	v4 =	vadd.s32 v1, v4;
	_ =	sdelay $0x1  }
0xd7: {  	v3 =	vadd.s32 v1, v3;
	_ =	sdelay $0x1  }
0xd8: {  	s14 =	simm.s32 $0x11000  }
0xd9: {  	[tilespmem:s14], [sflag:$0x2] =	stream.indirect_vreg.gather [hbm4b:s1+s3], $0x80, v4, vm0, $0xb8;
	[tilespmem:$0x1C600] =	vst v63  }
0xda: {  	s15 =	simm.s32 $0x11800  }
0xdb: {  	[tilespmem:s15], [sflag:$0x2] =	stream.indirect_vreg.gather [hbm4b:s1+s3], $0x80, v3, vm0, $0xb8;
	[tilespmem:$0x1C600] =	vst v63  }
0xdc: {  	v3 =	vld [tilespmem:s6+$0x1C060];
	_ =	sdelay $0x4  }
0xdd: {  	v58 =	vshll.u32 v3, $0x1  }
0xde: {  	v3 =	vand.u32 $0x7, v3;
	v4 =	vand.u32 $0xFFFFFFF0, v58  }
0xdf: {  	v3 =	vor.u32 v3, v4  }
0xe0: {  	v4 =	vperm.xlane v3, v0;
	_ =	sdelay $0x1  }
0xe1: {  	v3 =	vperm.xlane v3, v2;
	v4 =	vadd.s32 v1, v4;
	_ =	sdelay $0x1  }
0xe2: {  	v3 =	vadd.s32 v1, v3;
	_ =	sdelay $0x1  }
0xe3: {  	s16 =	simm.s32 $0x12000  }
0xe4: {  	[tilespmem:s16], [sflag:$0x2] =	stream.indirect_vreg.gather [hbm4b:s1+s3], $0x80, v4, vm0, $0xb8;
	[tilespmem:$0x1C600] =	vst v63  }
0xe5: {  	s17 =	simm.s32 $0x12800  }
0xe6: {  	[tilespmem:s17], [sflag:$0x2] =	stream.indirect_vreg.gather [hbm4b:s1+s3], $0x80, v3, vm0, $0xb8;
	[tilespmem:$0x1C600] =	vst v63  }
0xe7: {  	v3 =	vld [tilespmem:s6+$0x1C070];
	_ =	sdelay $0x4  }
0xe8: {  	v59 =	vshll.u32 v3, $0x1  }
0xe9: {  	v3 =	vand.u32 $0x7, v3;
	v4 =	vand.u32 $0xFFFFFFF0, v59  }
0xea: {  	v3 =	vor.u32 v3, v4  }
0xeb: {  	v4 =	vperm.xlane v3, v0;
	_ =	sdelay $0x1  }
0xec: {  	v3 =	vperm.xlane v3, v2;
	v4 =	vadd.s32 v1, v4;
	_ =	sdelay $0x1  }
0xed: {  	v3 =	vadd.s32 v1, v3;
	_ =	sdelay $0x1  }
0xee: {  	s18 =	simm.s32 $0x13000  }
0xef: {  	[tilespmem:s18], [sflag:$0x2] =	stream.indirect_vreg.gather [hbm4b:s1+s3], $0x80, v4, vm0, $0xb8;
	[tilespmem:$0x1C600] =	vst v63  }
0xf0: {  	s19 =	simm.s32 $0x13800  }
0xf1: {  	[tilespmem:s19], [sflag:$0x2] =	stream.indirect_vreg.gather [hbm4b:s1+s3], $0x80, v3, vm0, $0xb8;
	[tilespmem:$0x1C600] =	vst v63  }
0xf2: {  	v3 =	vld [tilespmem:s6+$0x1C080];
	_ =	sdelay $0x4  }
0xf3: {  	v60 =	vshll.u32 v3, $0x1  }
0xf4: {  	v3 =	vand.u32 $0x7, v3;
	v4 =	vand.u32 $0xFFFFFFF0, v60  }
0xf5: {  	v3 =	vor.u32 v3, v4  }
0xf6: {  	v4 =	vperm.xlane v3, v0;
	_ =	sdelay $0x1  }
0xf7: {  	v3 =	vperm.xlane v3, v2;
	v4 =	vadd.s32 v1, v4;
	_ =	sdelay $0x1  }
0xf8: {  	v3 =	vadd.s32 v1, v3;
	_ =	sdelay $0x1  }
0xf9: {  	s20 =	simm.s32 $0x14000  }
0xfa: {  	[tilespmem:s20], [sflag:$0x2] =	stream.indirect_vreg.gather [hbm4b:s1+s3], $0x80, v4, vm0, $0xb8;
	[tilespmem:$0x1C600] =	vst v63  }
0xfb: {  	s21 =	simm.s32 $0x14800  }
0xfc: {  	[tilespmem:s21], [sflag:$0x2] =	stream.indirect_vreg.gather [hbm4b:s1+s3], $0x80, v3, vm0, $0xb8;
	[tilespmem:$0x1C600] =	vst v63  }
0xfd: {  	v3 =	vld [tilespmem:s6+$0x1C090];
	_ =	sdelay $0x4  }
0xfe: {  	v61 =	vshll.u32 v3, $0x1  }
0xff: {  	v3 =	vand.u32 $0x7, v3;
	v4 =	vand.u32 $0xFFFFFFF0, v61  }
0x100: {  	v3 =	vor.u32 v3, v4  }
0x101: {  	v4 =	vperm.xlane v3, v0;
	_ =	sdelay $0x1  }
0x102: {  	v3 =	vperm.xlane v3, v2;
	v4 =	vadd.s32 v1, v4;
	_ =	sdelay $0x1  }
0x103: {  	v3 =	vadd.s32 v1, v3;
	_ =	sdelay $0x2  }
0x104: {  	[tilespmem:s22], [sflag:$0x2] =	stream.indirect_vreg.gather [hbm4b:s1+s3], $0x80, v4, vm0, $0xb8;
	[tilespmem:$0x1C600] =	vst v63  }
0x105: {  	_ = 	snop  }
0x106: {  	[tilespmem:s23], [sflag:$0x2] =	stream.indirect_vreg.gather [hbm4b:s1+s3], $0x80, v3, vm0, $0xb8;
	[tilespmem:$0x1C600] =	vst v63  }
0x107: {  	v3 =	vld [tilespmem:s6+$0x1C0A0];
	_ =	sdelay $0x4  }
0x108: {  	v62 =	vshll.u32 v3, $0x1  }
0x109: {  	v3 =	vand.u32 $0x7, v3;
	v4 =	vand.u32 $0xFFFFFFF0, v62  }
0x10a: {  	v3 =	vor.u32 v3, v4  }
0x10b: {  	v4 =	vperm.xlane v3, v0;
	_ =	sdelay $0x1  }
0x10c: {  	v3 =	vperm.xlane v3, v2;
	v4 =	vadd.s32 v1, v4;
	_ =	sdelay $0x1  }
0x10d: {  	v3 =	vadd.s32 v1, v3;
	_ =	sdelay $0x2  }
0x10e: {  	[tilespmem:s24], [sflag:$0x2] =	stream.indirect_vreg.gather [hbm4b:s1+s3], $0x80, v4, vm0, $0xb8;
	[tilespmem:$0x1C600] =	vst v63  }
0x10f: {  	_ = 	snop  }
0x110: {  	[tilespmem:s25], [sflag:$0x2] =	stream.indirect_vreg.gather [hbm4b:s1+s3], $0x80, v3, vm0, $0xb8;
	[tilespmem:$0x1C600] =	vst v63  }
0x111: {  	v3 =	vld [tilespmem:s6+$0x1C0B0];
	_ =	sdelay $0x4  }
0x112: {  	v63 =	vshll.u32 v3, $0x1  }
0x113: {  	v3 =	vand.u32 $0x7, v3;
	v4 =	vand.u32 $0xFFFFFFF0, v63  }
0x114: {  	v3 =	vor.u32 v3, v4  }
0x115: {  	v4 =	vperm.xlane v3, v0;
	_ =	sdelay $0x1  }
0x116: {  	v3 =	vperm.xlane v3, v2;
	v4 =	vadd.s32 v1, v4;
	_ =	sdelay $0x1  }
0x117: {  	v3 =	vadd.s32 v1, v3;
	_ =	sdelay $0x2  }
0x118: {  	[tilespmem:s26], [sflag:$0x2] =	stream.indirect_vreg.gather [hbm4b:s1+s3], $0x80, v4, vm0, $0xb8;
	[tilespmem:$0x1C600] =	vst v63  }
0x119: {  	_ = 	snop  }
0x11a: {  	[tilespmem:s28], [sflag:$0x2] =	stream.indirect_vreg.gather [hbm4b:s1+s3], $0x80, v3, vm0, $0xb8;
	[tilespmem:$0x1C600] =	vst v63  }
0x11b: {  	_ =	swait.ge [sflag:s29], $0xC000  }
0x11c: {  	p0 =	seq.s32 s7, $0x0;
	[sflag:s29] =	ssyncset.done $0x0  }
0x11d: {  	s6 =	simm.s32 @!p0 $0x3;
	[sflag:s29] =	ssyncadd.s32 $0xFFFF4000  }
0x11e: {  	_ =	swait.ge @!p0 [sflag:s6], $0x2000  }
0x11f: {  	[sflag:s6] =	ssyncset.done @!p0 $0x0  }
0x120: {  	s8 =	simm.s32 $0x0;
	[sflag:s6] =	ssyncadd.s32 @!p0 $0xFFFFE000;
	s6 =	simm.s32 $0x0  }
.LBB2_3:
0x121: {  	s13 =	smul.u32 $0x6, s8  }
0x122: {  	s9 =	smul.u32 $0x600, s8  }
0x123: {  	s10 =	smul.u32 $0x300, s8  }
0x124: {  	s20 =	sand.u32 $0x70, s6;
	s9 =	sand.u32 $0xF800, s9  }
0x125: {  	s10 =	sand.u32 $0x300, s10;
	s11 =	sadd.s32 $0x2, s13;
	s12 =	sadd.s32 $0x3, s13  }
0x126: {  	s18 =	sadd.s32 $0x4, s13;
	s13 =	sadd.s32 $0x5, s13;
	s17 =	sshll.u32 s11, $0x8  }
0x127: {  	s9 =	sor.u32 s10, s9;
	s10 =	sand.u32 $0x1F800, s17;
	s17 =	sand.u32 $0x400, s6  }
0x128: {  	s11 =	sshll.u32 s11, $0x7;
	s14 =	sshll.u32 s12, $0x8;
	s15 =	sadd.s32 s17, s9  }
0x129: {  	s12 =	sshll.u32 s12, $0x7;
	s11 =	sand.u32 $0x300, s11;
	s15 =	sadd.s32 s20, s15  }
0x12a: {  	s19 =	sshll.u32 s18, $0x8;
	s16 =	sshll.u32 s13, $0x8;
	s11 =	sor.u32 s11, s10;
	v3 =	vld [tilespmem:s15+$0x80]  }
0x12b: {  	s14 =	sand.u32 $0x1F800, s14;
	s12 =	sand.u32 $0x380, s12;
	s21 =	sadd.s32 s17, s11;
	v4 =	vld [tilespmem:s15+$0x0]  }
0x12c: {  	s10 =	sor.u32 s12, s14;
	s12 =	sshll.u32 s18, $0x7;
	s15 =	sadd.s32 s20, s21  }
0x12d: {  	s14 =	sand.u32 $0x1F800, s19;
	s12 =	sand.u32 $0x300, s12;
	v5 =	vld [tilespmem:s15+$0x0];
	s15 =	sadd.s32 s17, s10  }
0x12e: {  	s13 =	sshll.u32 s13, $0x7;
	s12 =	sor.u32 s12, s14;
	s14 =	sadd.s32 s20, s15  }
0x12f: {  	s13 =	sand.u32 $0x380, s13;
	s18 =	sadd.s32 s17, s12;
	s15 =	sand.u32 $0x1F800, s16;
	v6 =	vld [tilespmem:s14+$0x0]  }
0x130: {  	s13 =	sor.u32 s13, s15;
	s14 =	sadd.s32 s20, s18;
	v3 =	vadd.f32 v3, v4  }
0x131: {  	s19 =	sadd.s32 s17, s13;
	v4 =	vld [tilespmem:s14+$0x0]  }
0x132: {  	s14 =	sadd.s32 s20, s19;
	v3 =	vadd.f32 v5, v3  }
0x133: {  	v5 =	vld [tilespmem:s14+$0x0]  }
0x134: {  	s21 =	sshll.u32 s8, $0x8;
	s16 =	sshll.u32 s8, $0x7;
	v3 =	vadd.f32 v6, v3  }
0x135: {  	s18 =	sand.u32 $0x1800, s21;
	s19 =	sand.u32 $0x380, s16  }
0x136: {  	s14 =	sor.u32 s19, s18;
	v3 =	vadd.f32 v4, v3  }
0x137: {  	s21 =	simm.s32 $0x10;
	s16 =	simm.s32 $0x80;
	s14 =	sor.u32 $0x18000, s14  }
0x138: {  	s15 =	sand.u32 $0x400, s16;
	s18 =	sand.u32 $0x70, s21;
	s21 =	sadd.s32 s17, s14;
	v3 =	vadd.f32 v5, v3  }
0x139: {  	s19 =	sadd.s32 s15, s9;
	s17 =	simm.s32 $0x20;
	s20 =	sadd.s32 s20, s21  }
.LBB2_4:
0x13a: {  	p1 =	sne.s32 s17, $0xF0;
	s19 =	sadd.s32 s18, s19;
	[tilespmem:s20+$0x0] =	vst v3;
	s20 =	smov.u32 s18  }
0x13b: {  	v3 =	vld [tilespmem:s19+$0x80]  }
0x13c: {  	s18 =	sadd.s32 s15, s11;
	v4 =	vld [tilespmem:s19+$0x0]  }
0x13d: {  	s18 =	sadd.s32 s20, s18  }
0x13e: {  	v5 =	vld [tilespmem:s18+$0x0];
	s18 =	sadd.s32 s15, s10  }
0x13f: {  	s18 =	sadd.s32 s20, s18  }
0x140: {  	v6 =	vld [tilespmem:s18+$0x0];
	s18 =	sadd.s32 s15, s12  }
0x141: {  	v3 =	vadd.f32 v3, v4;
	s18 =	sadd.s32 s20, s18  }
0x142: {  	v4 =	vld [tilespmem:s18+$0x0];
	s18 =	sadd.s32 s15, s13  }
0x143: {  	v3 =	vadd.f32 v5, v3;
	s18 =	sadd.s32 s20, s18  }
0x144: {  	v5 =	vld [tilespmem:s18+$0x0]  }
0x145: {  	v3 =	vadd.f32 v6, v3  }
.Ltmp0:
0x146: {  	(pc) =	sbr.rel @p1 .LBB2_4-.Ltmp0, $4  }
0x147: {  	v3 =	vadd.f32 v4, v3  }
0x148: {  	s16 =	sadd.s32 $0x80, s16  }
0x149: {  	s21 =	sadd.s32 s15, s14;
	s15 =	sand.u32 $0x400, s16;
	s18 =	sand.u32 $0x70, s17;
	v3 =	vadd.f32 v5, v3  }
0x14a: {  	s19 =	sadd.s32 s15, s9;
	s20 =	sadd.s32 s20, s21;
	s17 =	sadd.s32 $0x10, s17  }
0x14b: {  	s9 =	sadd.s32 s18, s19;
	[tilespmem:s20+$0x0] =	vst v3  }
0x14c: {  	v3 =	vld [tilespmem:s9+$0x80]  }
0x14d: {  	s16 =	sadd.s32 s15, s11;
	v4 =	vld [tilespmem:s9+$0x0]  }
0x14e: {  	s9 =	sadd.s32 s18, s16  }
0x14f: {  	s17 =	sadd.s32 s15, s10;
	v5 =	vld [tilespmem:s9+$0x0]  }
0x150: {  	s9 =	sadd.s32 s18, s17  }
0x151: {  	s19 =	sadd.s32 s15, s12;
	v6 =	vld [tilespmem:s9+$0x0]  }
0x152: {  	s9 =	sadd.s32 s18, s19;
	v3 =	vadd.f32 v3, v4  }
0x153: {  	s20 =	sadd.s32 s15, s13;
	v62 =	vld [tilespmem:s9+$0x0]  }
0x154: {  	s9 =	sadd.s32 s18, s20;
	v3 =	vadd.f32 v5, v3  }
0x155: {  	v63 =	vld [tilespmem:s9+$0x0]  }
0x156: {  	s8 =	sadd.s32 $0x1, s8;
	v3 =	vadd.f32 v6, v3  }
0x157: {  	p1 =	sne.s32 s8, $0x20  }
.Ltmp1:
0x158: {  	v3 =	vadd.f32 v62, v3;
	(pc) =	sbr.rel @p1 .LBB2_3-.Ltmp1, $4  }
0x159: {  	_ = 	snop  }
0x15a: {  	s21 =	sadd.s32 s15, s14;
	v3 =	vadd.f32 v63, v3  }
0x15b: {  	s9 =	sadd.s32 s18, s21  }
0x15c: {  	[tilespmem:s9+$0x0] =	vst v3  }
0x15d: {  	p1 =	sne.s32 s7, $0x3  }
.Ltmp2:
0x15e: {  	_ = 	snop;
	(pc) =	sbr.rel @p1 .LBB2_8-.Ltmp2, $4  }
0x15f: {  	_ = 	snop  }
0x160: {  	s6 =	sshll.u32 s7, $0xB  }
0x161: {  	s6 =	sadd.s32 s6, s5  }
0x162: {  	[hbm4b:s6+s3] =	stream.linear.scatter [tilespmem:s30], [sflag:$0x3], $0x2000, $0x38;
	[tilespmem:$0x1C600] =	vst v63  }
.Ltmp3:
0x163: {  	(pc) =	sbr.rel .LBB2_9-.Ltmp3, $4  }
0x164: {  	_ = 	snop  }
0x165: {  	_ =	swait.ge [sflag:s31], $0xC000  }
0x166: {  	[sflag:s31] =	ssyncset.done $0x0  }
0x167: {  	[sflag:s31] =	ssyncadd.s32 $0xFFFF4000  }
.LBB2_8:
0x168: {  	s6 =	smul.u32 $0x600, s7;
	_ =	sdelay $0x1  }
0x169: {  	s6 =	sshra.s32 s6, $0x2  }
0x16a: {  	v3 =	vld [tilespmem:s6+$0x1C180];
	_ =	sdelay $0x4  }
0x16b: {  	v4 =	vshll.u32 v3, $0x1  }
0x16c: {  	v3 =	vand.u32 $0x7, v3;
	v4 =	vand.u32 $0xFFFFFFF0, v4  }
0x16d: {  	v3 =	vor.u32 v3, v4  }
0x16e: {  	v4 =	vperm.xlane v3, v0;
	_ =	sdelay $0x1  }
0x16f: {  	v3 =	vperm.xlane v3, v2;
	v4 =	vadd.s32 v1, v4;
	_ =	sdelay $0x1  }
0x170: {  	v3 =	vadd.s32 v1, v3;
	_ =	sdelay $0x2  }
0x171: {  	[tilespmem:s3], [sflag:$0x1] =	stream.indirect_vreg.gather [hbm4b:s1+s3], $0x80, v4, vm0, $0xb8;
	[tilespmem:$0x1C600] =	vst v63  }
0x172: {  	s8 =	simm.s32 $0x800  }
0x173: {  	[tilespmem:s8], [sflag:$0x1] =	stream.indirect_vreg.gather [hbm4b:s1+s3], $0x80, v3, vm0, $0xb8;
	[tilespmem:$0x1C600] =	vst v63  }
0x174: {  	v3 =	vld [tilespmem:s6+$0x1C190];
	_ =	sdelay $0x4  }
0x175: {  	v53 =	vshll.u32 v3, $0x1  }
0x176: {  	v3 =	vand.u32 $0x7, v3;
	v4 =	vand.u32 $0xFFFFFFF0, v53  }
0x177: {  	v3 =	vor.u32 v3, v4  }
0x178: {  	v4 =	vperm.xlane v3, v0;
	_ =	sdelay $0x1  }
0x179: {  	v3 =	vperm.xlane v3, v2;
	v4 =	vadd.s32 v1, v4;
	_ =	sdelay $0x1  }
0x17a: {  	v3 =	vadd.s32 v1, v3;
	_ =	sdelay $0x1  }
0x17b: {  	s13 =	simm.s32 $0x1000  }
0x17c: {  	[tilespmem:s13], [sflag:$0x1] =	stream.indirect_vreg.gather [hbm4b:s1+s3], $0x80, v4, vm0, $0xb8;
	[tilespmem:$0x1C600] =	vst v63  }
0x17d: {  	s14 =	simm.s32 $0x1800  }
0x17e: {  	[tilespmem:s14], [sflag:$0x1] =	stream.indirect_vreg.gather [hbm4b:s1+s3], $0x80, v3, vm0, $0xb8;
	[tilespmem:$0x1C600] =	vst v63  }
0x17f: {  	v3 =	vld [tilespmem:s6+$0x1C1A0];
	_ =	sdelay $0x4  }
0x180: {  	v54 =	vshll.u32 v3, $0x1  }
0x181: {  	v3 =	vand.u32 $0x7, v3;
	v4 =	vand.u32 $0xFFFFFFF0, v54  }
0x182: {  	v3 =	vor.u32 v3, v4  }
0x183: {  	v4 =	vperm.xlane v3, v0;
	_ =	sdelay $0x1  }
0x184: {  	v3 =	vperm.xlane v3, v2;
	v4 =	vadd.s32 v1, v4;
	_ =	sdelay $0x1  }
0x185: {  	v3 =	vadd.s32 v1, v3;
	_ =	sdelay $0x1  }
0x186: {  	s15 =	simm.s32 $0x2000  }
0x187: {  	[tilespmem:s15], [sflag:$0x1] =	stream.indirect_vreg.gather [hbm4b:s1+s3], $0x80, v4, vm0, $0xb8;
	[tilespmem:$0x1C600] =	vst v63  }
0x188: {  	s16 =	simm.s32 $0x2800  }
0x189: {  	[tilespmem:s16], [sflag:$0x1] =	stream.indirect_vreg.gather [hbm4b:s1+s3], $0x80, v3, vm0, $0xb8;
	[tilespmem:$0x1C600] =	vst v63  }
0x18a: {  	v3 =	vld [tilespmem:s6+$0x1C1B0];
	_ =	sdelay $0x4  }
0x18b: {  	v55 =	vshll.u32 v3, $0x1  }
0x18c: {  	v3 =	vand.u32 $0x7, v3;
	v4 =	vand.u32 $0xFFFFFFF0, v55  }
0x18d: {  	v3 =	vor.u32 v3, v4  }
0x18e: {  	v4 =	vperm.xlane v3, v0;
	_ =	sdelay $0x1  }
0x18f: {  	v3 =	vperm.xlane v3, v2;
	v4 =	vadd.s32 v1, v4;
	_ =	sdelay $0x1  }
0x190: {  	v3 =	vadd.s32 v1, v3;
	_ =	sdelay $0x1  }
0x191: {  	s17 =	simm.s32 $0x3000  }
0x192: {  	[tilespmem:s17], [sflag:$0x1] =	stream.indirect_vreg.gather [hbm4b:s1+s3], $0x80, v4, vm0, $0xb8;
	[tilespmem:$0x1C600] =	vst v63  }
0x193: {  	s18 =	simm.s32 $0x3800  }
0x194: {  	[tilespmem:s18], [sflag:$0x1] =	stream.indirect_vreg.gather [hbm4b:s1+s3], $0x80, v3, vm0, $0xb8;
	[tilespmem:$0x1C600] =	vst v63  }
0x195: {  	v3 =	vld [tilespmem:s6+$0x1C1C0];
	_ =	sdelay $0x4  }
0x196: {  	v56 =	vshll.u32 v3, $0x1  }
0x197: {  	v3 =	vand.u32 $0x7, v3;
	v4 =	vand.u32 $0xFFFFFFF0, v56  }
0x198: {  	v3 =	vor.u32 v3, v4  }
0x199: {  	v4 =	vperm.xlane v3, v0;
	_ =	sdelay $0x1  }
0x19a: {  	v3 =	vperm.xlane v3, v2;
	v4 =	vadd.s32 v1, v4;
	_ =	sdelay $0x1  }
0x19b: {  	v3 =	vadd.s32 v1, v3;
	_ =	sdelay $0x1  }
0x19c: {  	s19 =	simm.s32 $0x4000  }
0x19d: {  	[tilespmem:s19], [sflag:$0x1] =	stream.indirect_vreg.gather [hbm4b:s1+s3], $0x80, v4, vm0, $0xb8;
	[tilespmem:$0x1C600] =	vst v63  }
0x19e: {  	s20 =	simm.s32 $0x4800  }
0x19f: {  	[tilespmem:s20], [sflag:$0x1] =	stream.indirect_vreg.gather [hbm4b:s1+s3], $0x80, v3, vm0, $0xb8;
	[tilespmem:$0x1C600] =	vst v63  }
0x1a0: {  	v3 =	vld [tilespmem:s6+$0x1C1D0];
	_ =	sdelay $0x4  }
0x1a1: {  	v57 =	vshll.u32 v3, $0x1  }
0x1a2: {  	v3 =	vand.u32 $0x7, v3;
	v4 =	vand.u32 $0xFFFFFFF0, v57  }
0x1a3: {  	v3 =	vor.u32 v3, v4  }
0x1a4: {  	v4 =	vperm.xlane v3, v0;
	_ =	sdelay $0x1  }
0x1a5: {  	v3 =	vperm.xlane v3, v2;
	v4 =	vadd.s32 v1, v4;
	_ =	sdelay $0x1  }
0x1a6: {  	v3 =	vadd.s32 v1, v3;
	_ =	sdelay $0x1  }
0x1a7: {  	s21 =	simm.s32 $0x5000  }
0x1a8: {  	[tilespmem:s21], [sflag:$0x1] =	stream.indirect_vreg.gather [hbm4b:s1+s3], $0x80, v4, vm0, $0xb8;
	[tilespmem:$0x1C600] =	vst v63  }
0x1a9: {  	s9 =	simm.s32 $0x5800  }
0x1aa: {  	[tilespmem:s9], [sflag:$0x1] =	stream.indirect_vreg.gather [hbm4b:s1+s3], $0x80, v3, vm0, $0xb8;
	[tilespmem:$0x1C600] =	vst v63  }
0x1ab: {  	v3 =	vld [tilespmem:s6+$0x1C1E0];
	_ =	sdelay $0x4  }
0x1ac: {  	v58 =	vshll.u32 v3, $0x1  }
0x1ad: {  	v3 =	vand.u32 $0x7, v3;
	v4 =	vand.u32 $0xFFFFFFF0, v58  }
0x1ae: {  	v3 =	vor.u32 v3, v4  }
0x1af: {  	v4 =	vperm.xlane v3, v0;
	_ =	sdelay $0x1  }
0x1b0: {  	v3 =	vperm.xlane v3, v2;
	v4 =	vadd.s32 v1, v4;
	_ =	sdelay $0x1  }
0x1b1: {  	v3 =	vadd.s32 v1, v3;
	_ =	sdelay $0x1  }
0x1b2: {  	s10 =	simm.s32 $0x6000  }
0x1b3: {  	[tilespmem:s10], [sflag:$0x1] =	stream.indirect_vreg.gather [hbm4b:s1+s3], $0x80, v4, vm0, $0xb8;
	[tilespmem:$0x1C600] =	vst v63  }
0x1b4: {  	s11 =	simm.s32 $0x6800  }
0x1b5: {  	[tilespmem:s11], [sflag:$0x1] =	stream.indirect_vreg.gather [hbm4b:s1+s3], $0x80, v3, vm0, $0xb8;
	[tilespmem:$0x1C600] =	vst v63  }
0x1b6: {  	v3 =	vld [tilespmem:s6+$0x1C1F0];
	_ =	sdelay $0x4  }
0x1b7: {  	v59 =	vshll.u32 v3, $0x1  }
0x1b8: {  	v3 =	vand.u32 $0x7, v3;
	v4 =	vand.u32 $0xFFFFFFF0, v59  }
0x1b9: {  	v3 =	vor.u32 v3, v4  }
0x1ba: {  	v4 =	vperm.xlane v3, v0;
	_ =	sdelay $0x1  }
0x1bb: {  	v3 =	vperm.xlane v3, v2;
	v4 =	vadd.s32 v1, v4;
	_ =	sdelay $0x1  }
0x1bc: {  	v3 =	vadd.s32 v1, v3;
	_ =	sdelay $0x1  }
0x1bd: {  	s12 =	simm.s32 $0x7000  }
0x1be: {  	[tilespmem:s12], [sflag:$0x1] =	stream.indirect_vreg.gather [hbm4b:s1+s3], $0x80, v4, vm0, $0xb8;
	[tilespmem:$0x1C600] =	vst v63  }
0x1bf: {  	s13 =	simm.s32 $0x7800  }
0x1c0: {  	[tilespmem:s13], [sflag:$0x1] =	stream.indirect_vreg.gather [hbm4b:s1+s3], $0x80, v3, vm0, $0xb8;
	[tilespmem:$0x1C600] =	vst v63  }
0x1c1: {  	v3 =	vld [tilespmem:s6+$0x1C200];
	_ =	sdelay $0x4  }
0x1c2: {  	v60 =	vshll.u32 v3, $0x1  }
0x1c3: {  	v3 =	vand.u32 $0x7, v3;
	v4 =	vand.u32 $0xFFFFFFF0, v60  }
0x1c4: {  	v3 =	vor.u32 v3, v4  }
0x1c5: {  	v4 =	vperm.xlane v3, v0;
	_ =	sdelay $0x1  }
0x1c6: {  	v3 =	vperm.xlane v3, v2;
	v4 =	vadd.s32 v1, v4;
	_ =	sdelay $0x1  }
0x1c7: {  	v3 =	vadd.s32 v1, v3;
	_ =	sdelay $0x1  }
0x1c8: {  	s14 =	simm.s32 $0x8000  }
0x1c9: {  	[tilespmem:s14], [sflag:$0x1] =	stream.indirect_vreg.gather [hbm4b:s1+s3], $0x80, v4, vm0, $0xb8;
	[tilespmem:$0x1C600] =	vst v63  }
0x1ca: {  	s15 =	simm.s32 $0x8800  }
0x1cb: {  	[tilespmem:s15], [sflag:$0x1] =	stream.indirect_vreg.gather [hbm4b:s1+s3], $0x80, v3, vm0, $0xb8;
	[tilespmem:$0x1C600] =	vst v63  }
0x1cc: {  	v3 =	vld [tilespmem:s6+$0x1C210];
	_ =	sdelay $0x4  }
0x1cd: {  	v61 =	vshll.u32 v3, $0x1  }
0x1ce: {  	v3 =	vand.u32 $0x7, v3;
	v4 =	vand.u32 $0xFFFFFFF0, v61  }
0x1cf: {  	v3 =	vor.u32 v3, v4  }
0x1d0: {  	v4 =	vperm.xlane v3, v0;
	_ =	sdelay $0x1  }
0x1d1: {  	v3 =	vperm.xlane v3, v2;
	v4 =	vadd.s32 v1, v4;
	_ =	sdelay $0x1  }
0x1d2: {  	v3 =	vadd.s32 v1, v3;
	_ =	sdelay $0x1  }
0x1d3: {  	s16 =	simm.s32 $0x9000  }
0x1d4: {  	[tilespmem:s16], [sflag:$0x1] =	stream.indirect_vreg.gather [hbm4b:s1+s3], $0x80, v4, vm0, $0xb8;
	[tilespmem:$0x1C600] =	vst v63  }
0x1d5: {  	s17 =	simm.s32 $0x9800  }
0x1d6: {  	[tilespmem:s17], [sflag:$0x1] =	stream.indirect_vreg.gather [hbm4b:s1+s3], $0x80, v3, vm0, $0xb8;
	[tilespmem:$0x1C600] =	vst v63  }
0x1d7: {  	v3 =	vld [tilespmem:s6+$0x1C220];
	_ =	sdelay $0x4  }
0x1d8: {  	v62 =	vshll.u32 v3, $0x1  }
0x1d9: {  	v3 =	vand.u32 $0x7, v3;
	v4 =	vand.u32 $0xFFFFFFF0, v62  }
0x1da: {  	v3 =	vor.u32 v3, v4  }
0x1db: {  	v4 =	vperm.xlane v3, v0;
	_ =	sdelay $0x1  }
0x1dc: {  	v3 =	vperm.xlane v3, v2;
	v4 =	vadd.s32 v1, v4;
	_ =	sdelay $0x1  }
0x1dd: {  	v3 =	vadd.s32 v1, v3;
	_ =	sdelay $0x1  }
0x1de: {  	s18 =	simm.s32 $0xA000  }
0x1df: {  	[tilespmem:s18], [sflag:$0x1] =	stream.indirect_vreg.gather [hbm4b:s1+s3], $0x80, v4, vm0, $0xb8;
	[tilespmem:$0x1C600] =	vst v63  }
0x1e0: {  	s19 =	simm.s32 $0xA800  }
0x1e1: {  	[tilespmem:s19], [sflag:$0x1] =	stream.indirect_vreg.gather [hbm4b:s1+s3], $0x80, v3, vm0, $0xb8;
	[tilespmem:$0x1C600] =	vst v63  }
0x1e2: {  	v3 =	vld [tilespmem:s6+$0x1C230];
	_ =	sdelay $0x4  }
0x1e3: {  	v63 =	vshll.u32 v3, $0x1  }
0x1e4: {  	v3 =	vand.u32 $0x7, v3;
	v4 =	vand.u32 $0xFFFFFFF0, v63  }
0x1e5: {  	v3 =	vor.u32 v3, v4  }
0x1e6: {  	v4 =	vperm.xlane v3, v0;
	_ =	sdelay $0x1  }
0x1e7: {  	v3 =	vperm.xlane v3, v2;
	v4 =	vadd.s32 v1, v4;
	_ =	sdelay $0x1  }
0x1e8: {  	v3 =	vadd.s32 v1, v3;
	_ =	sdelay $0x1  }
0x1e9: {  	s20 =	simm.s32 $0xB000  }
0x1ea: {  	[tilespmem:s20], [sflag:$0x1] =	stream.indirect_vreg.gather [hbm4b:s1+s3], $0x80, v4, vm0, $0xb8;
	[tilespmem:$0x1C600] =	vst v63  }
.Ltmp4:
0x1eb: {  	s21 =	simm.s32 $0xB800;
	(pc) =	sbr.rel @p0 .LBB2_10-.Ltmp4, $4  }
0x1ec: {  	[tilespmem:s21], [sflag:$0x1] =	stream.indirect_vreg.gather [hbm4b:s1+s3], $0x80, v3, vm0, $0xb8;
	[tilespmem:$0x1C600] =	vst v63  }
0x1ed: {  	_ =	swait.ge [sflag:s31], $0xC000  }
0x1ee: {  	[sflag:s31] =	ssyncset.done $0x0  }
0x1ef: {  	[sflag:s31] =	ssyncadd.s32 $0xFFFF4000  }
.LBB2_9:
0x1f0: {  	_ =	swait.ge [sflag:s2], $0x2000  }
0x1f1: {  	[sflag:s2] =	ssyncset.done $0x0  }
0x1f2: {  	[sflag:s2] =	ssyncadd.s32 $0xFFFFE000  }
.LBB2_10:
0x1f3: {  	s6 =	simm.s32 $0x0;
	s8 =	simm.s32 $0x0  }
.LBB2_11:
0x1f4: {  	s13 =	smul.u32 $0x6, s8  }
0x1f5: {  	s9 =	smul.u32 $0x600, s8  }
0x1f6: {  	s10 =	smul.u32 $0x300, s8  }
0x1f7: {  	s17 =	sand.u32 $0x400, s6;
	s20 =	sand.u32 $0x70, s6;
	s9 =	sand.u32 $0xF800, s9  }
0x1f8: {  	s11 =	sadd.s32 $0x2, s13;
	s10 =	sand.u32 $0x300, s10;
	s14 =	sadd.s32 $0x3, s13  }
0x1f9: {  	s12 =	sshll.u32 s11, $0x8;
	s11 =	sshll.u32 s11, $0x7;
	s9 =	sor.u32 s10, s9  }
0x1fa: {  	s15 =	sshll.u32 s14, $0x8;
	s12 =	sand.u32 $0x1F800, s12;
	s11 =	sand.u32 $0x300, s11  }
0x1fb: {  	s10 =	sadd.s32 $0xC000, s9;
	s12 =	sor.u32 s11, s12;
	s11 =	sshll.u32 s14, $0x7  }
0x1fc: {  	s14 =	sadd.s32 $0x4, s13;
	s13 =	sadd.s32 $0x5, s13;
	s9 =	sadd.s32 $0xC000, s12  }
0x1fd: {  	s12 =	sand.u32 $0x1F800, s15;
	s11 =	sand.u32 $0x380, s11;
	s15 =	sadd.s32 s17, s10  }
0x1fe: {  	s16 =	sshll.u32 s14, $0x8;
	s14 =	sshll.u32 s14, $0x7;
	s15 =	sadd.s32 s20, s15  }
0x1ff: {  	s19 =	sshll.u32 s13, $0x8;
	s13 =	sshll.u32 s13, $0x7;
	s11 =	sor.u32 s11, s12;
	v3 =	vld [tilespmem:s15+$0x80]  }
0x200: {  	s16 =	sand.u32 $0x1F800, s16;
	s14 =	sand.u32 $0x300, s14;
	s18 =	sadd.s32 s17, s9;
	v4 =	vld [tilespmem:s15+$0x0]  }
0x201: {  	s11 =	sadd.s32 $0xC000, s11;
	s12 =	sor.u32 s14, s16;
	s14 =	sadd.s32 s20, s18  }
0x202: {  	s13 =	sand.u32 $0x380, s13;
	v5 =	vld [tilespmem:s14+$0x0];
	s21 =	sadd.s32 s17, s11  }
0x203: {  	s15 =	sand.u32 $0x1F800, s19;
	s12 =	sadd.s32 $0xC000, s12;
	s14 =	sadd.s32 s20, s21  }
0x204: {  	s13 =	sor.u32 s13, s15;
	s16 =	sadd.s32 s17, s12;
	v6 =	vld [tilespmem:s14+$0x0]  }
0x205: {  	s13 =	sadd.s32 $0xC000, s13;
	s14 =	sadd.s32 s20, s16;
	v3 =	vadd.f32 v3, v4  }
0x206: {  	s18 =	sadd.s32 s17, s13;
	v4 =	vld [tilespmem:s14+$0x0]  }
0x207: {  	s14 =	sadd.s32 s20, s18;
	v3 =	vadd.f32 v5, v3  }
0x208: {  	v5 =	vld [tilespmem:s14+$0x0]  }
0x209: {  	s19 =	sshll.u32 s8, $0x8;
	s21 =	sshll.u32 s8, $0x7;
	v3 =	vadd.f32 v6, v3  }
0x20a: {  	s18 =	sand.u32 $0x1800, s19;
	s19 =	sand.u32 $0x380, s21  }
0x20b: {  	s14 =	sor.u32 s19, s18;
	v3 =	vadd.f32 v4, v3  }
0x20c: {  	s16 =	simm.s32 $0x80;
	s21 =	simm.s32 $0x10;
	s14 =	sor.u32 $0x1A000, s14  }
0x20d: {  	s15 =	sand.u32 $0x400, s16;
	s18 =	sand.u32 $0x70, s21;
	s21 =	sadd.s32 s17, s14;
	v3 =	vadd.f32 v5, v3  }
0x20e: {  	s19 =	sadd.s32 s15, s10;
	s17 =	simm.s32 $0x20;
	s20 =	sadd.s32 s20, s21  }
.LBB2_12:
0x20f: {  	p0 =	sne.s32 s17, $0xF0;
	s19 =	sadd.s32 s18, s19;
	[tilespmem:s20+$0x0] =	vst v3;
	s20 =	smov.u32 s18  }
0x210: {  	v3 =	vld [tilespmem:s19+$0x80]  }
0x211: {  	s18 =	sadd.s32 s15, s9;
	v4 =	vld [tilespmem:s19+$0x0]  }
0x212: {  	s18 =	sadd.s32 s20, s18  }
0x213: {  	v5 =	vld [tilespmem:s18+$0x0];
	s18 =	sadd.s32 s15, s11  }
0x214: {  	s18 =	sadd.s32 s20, s18  }
0x215: {  	v6 =	vld [tilespmem:s18+$0x0];
	s18 =	sadd.s32 s15, s12  }
0x216: {  	v3 =	vadd.f32 v3, v4;
	s18 =	sadd.s32 s20, s18  }
0x217: {  	v4 =	vld [tilespmem:s18+$0x0];
	s18 =	sadd.s32 s15, s13  }
0x218: {  	v3 =	vadd.f32 v5, v3;
	s18 =	sadd.s32 s20, s18  }
0x219: {  	v5 =	vld [tilespmem:s18+$0x0]  }
0x21a: {  	v3 =	vadd.f32 v6, v3  }
.Ltmp5:
0x21b: {  	(pc) =	sbr.rel @p0 .LBB2_12-.Ltmp5, $4  }
0x21c: {  	v3 =	vadd.f32 v4, v3  }
0x21d: {  	s16 =	sadd.s32 $0x80, s16  }
0x21e: {  	s21 =	sadd.s32 s15, s14;
	s15 =	sand.u32 $0x400, s16;
	s18 =	sand.u32 $0x70, s17;
	v3 =	vadd.f32 v5, v3  }
0x21f: {  	s19 =	sadd.s32 s15, s10;
	s20 =	sadd.s32 s20, s21;
	s17 =	sadd.s32 $0x10, s17  }
0x220: {  	s10 =	sadd.s32 s18, s19;
	[tilespmem:s20+$0x0] =	vst v3  }
0x221: {  	v3 =	vld [tilespmem:s10+$0x80]  }
0x222: {  	s9 =	sadd.s32 s15, s9;
	v4 =	vld [tilespmem:s10+$0x0]  }
0x223: {  	s9 =	sadd.s32 s18, s9  }
0x224: {  	s17 =	sadd.s32 s15, s11;
	v5 =	vld [tilespmem:s9+$0x0]  }
0x225: {  	s9 =	sadd.s32 s18, s17  }
0x226: {  	s19 =	sadd.s32 s15, s12;
	v6 =	vld [tilespmem:s9+$0x0]  }
0x227: {  	s9 =	sadd.s32 s18, s19;
	v3 =	vadd.f32 v3, v4  }
0x228: {  	s20 =	sadd.s32 s15, s13;
	v62 =	vld [tilespmem:s9+$0x0]  }
0x229: {  	s9 =	sadd.s32 s18, s20;
	v3 =	vadd.f32 v5, v3  }
0x22a: {  	v63 =	vld [tilespmem:s9+$0x0]  }
0x22b: {  	s8 =	sadd.s32 $0x1, s8;
	v3 =	vadd.f32 v6, v3  }
0x22c: {  	p0 =	sne.s32 s8, $0x20  }
.Ltmp6:
0x22d: {  	v3 =	vadd.f32 v62, v3;
	(pc) =	sbr.rel @p0 .LBB2_11-.Ltmp6, $4  }
0x22e: {  	_ = 	snop  }
0x22f: {  	s21 =	sadd.s32 s15, s14;
	v3 =	vadd.f32 v63, v3  }
0x230: {  	s9 =	sadd.s32 s18, s21  }
0x231: {  	[tilespmem:s9+$0x0] =	vst v3  }
0x232: {  	s7 =	sadd.s32 $0x1, s7  }
0x233: {  	p0 =	sne.s32 s7, $0x4  }
.Ltmp7:
0x234: {  	_ = 	snop;
	(pc) =	sbr.rel @p0 .LBB2_2-.Ltmp7, $4  }
0x235: {  	_ = 	snop  }
0x236: {  	s4 =	sshll.u32 s4, $0xA  }
0x237: {  	s4 =	sadd.s32 s4, s5  }
0x238: {  	[hbm4b:s4+s3] =	stream.linear.scatter [tilespmem:s0], [sflag:$0x4], $0x2000, $0x38;
	[tilespmem:$0x1C600] =	vst v63  }
0x239: {  	s4 =	simm.s32 $0x3  }
0x23a: {  	_ =	swait.ge [sflag:s4], $0x2000  }
0x23b: {  	[sflag:s4] =	ssyncset.done $0x0  }
0x23c: {  	[sflag:s4] =	ssyncadd.s32 $0xFFFFE000  }
0x23d: {  	_ =	swait.ge [sflag:s2], $0x2000  }
0x23e: {  	s6 =	rddreg [dreg:$0x6]  }
0x23f: {  	s21 =	rddreg [dreg:$0x5];
	s6 =	sadd.s32 $0x1, s6  }
0x240: {  	p0 =	sne.s32 s6, s21  }
.Ltmp8:
0x241: {  	_ = 	snop;
	(pc) =	sbr.rel @p0 .LBB2_1-.Ltmp8, $3  }
0x242: {  	_ =	sdelay $0x1  }
0x243: {  	[sflag:s2] =	ssyncset.done $0x0  }
0x244: {  	[sflag:s2] =	ssyncadd.s32 $0xFFFFE000  }
0x245: {  	_ =	sfence.sel $0x180000  }
0x246: {  	[bflag:$0x0] =	sbarrier.arrive $0xFFFF  }
0x247: {  	_ =	strace $0x9000004A  }
0x248: {  	s0 =	stileid.u32;
	[bflag:$0x2] =	sbarrier.arrive $0xFFFF  }
0x249: {  	p0 =	sne.s32 s0, $0x0;
	s0 =	rddreg [dreg:$0x3]  }
0x24a: {  	s0 =	sadd.s32 @!p0 $0x100000, s0  }
0x24b: {  	[sflag:s0] =	ssyncadd.tile.s32 @!p0 $0x1;
	_ =	shalt  }
.Lfunc_end2:
_tile_overlayer_lowered:
.L_overlay_start_2:
0x24c: {  	(tag) =	ssettag $0x2  }
0x24d: {  	s0 =	rddreg [dreg:$0x0];
	s2 =	stileid.u32  }
0x24e: {  	s1 =	rddreg [dreg:$0x1];
	p0 =	sne.s32 s2, $0x0  }
0x24f: {  	s3 =	rddreg [dreg:$0x2];
	[bflag:$0x3] =	sbarrier.arrive $0xFFFF;
	s2 =	simm.s32 @!p0 $0x1C05  }
0x250: {  	[timem:s3], [sflag:s2] =	dma.local @!p0 [hbm:s0], s1  }
0x251: {  	s0 =	simm.s32 @!p0 $0x5  }
0x252: {  	_ =	swait.ge @!p0 [sflag:s0], s1  }
0x253: {  	s1 =	ssub.s32 @!p0 $0x0, s1;
	[sflag:s0] =	ssyncset.done @!p0 $0x0  }
0x254: {  	[sflag:s0] =	ssyncadd.s32 @!p0 s1  }
0x255: {  	[bflag:$0x3] =	sbarrier.arrive $0xFFFF  }
0x256: {  	_ =	shalt  }

</sc_bundles>
